<compile_context>
chip_gen: v7x
topology: tpu7x:2x2x1
jax: 0.10.2.dev20260603
libtpu: 0.0.44.dev20260713+nightly
codegen_flags: <defaults>
</compile_context>

<pallas_src>
import functools

import jax
import jax.numpy as jnp
from jax import lax
from jax.experimental import pallas as pl
from jax.experimental.pallas import tpu as pltpu
from jax.experimental.pallas import tpu_sc as plsc

_B = 4096
_SEQ = 50
_D = 128
_NC = 2
_NS = 16
_NW = _NC * _NS
_BPW = _B // _NW
_CHUNK = 8
_STEPS = _BPW // _CHUNK
_G = _CHUNK * _SEQ
_NLANE = _D // 16


def _gather_mean(idx_flat, table):
    mesh = plsc.VectorSubcoreMesh(core_axis_name="c", subcore_axis_name="s")

    @functools.partial(
        pl.kernel,
        mesh=mesh,
        out_type=jax.ShapeDtypeStruct((_B, _D), jnp.float32),
        scratch_types=[
            pltpu.VMEM((_BPW * _SEQ,), jnp.int32),
            pltpu.VMEM((_G, _D), jnp.float32),
            pltpu.VMEM((_G, _D), jnp.float32),
            pltpu.VMEM((_CHUNK, _D), jnp.float32),
            pltpu.VMEM((_CHUNK, _D), jnp.float32),
            pltpu.SemaphoreType.DMA,
            pltpu.SemaphoreType.DMA,
            pltpu.SemaphoreType.DMA,
            pltpu.SemaphoreType.DMA,
        ],
    )
    def k(idx_hbm, table_hbm, out_hbm, idx_all, rows0, rows1, pooled0,
          pooled1, sem0, sem1, semo0, semo1):
        wid = lax.axis_index("s") * _NC + lax.axis_index("c")
        base = wid * _BPW

        pltpu.sync_copy(idx_hbm.at[pl.ds(base * _SEQ, _BPW * _SEQ)], idx_all)

        def issue(s, rows_v, sem):
            pltpu.async_copy(
                table_hbm.at[idx_all.at[pl.ds(s * _G, _G)]], rows_v, sem)

        def wait(s, rows_v, sem):
            pltpu.make_async_copy(
                table_hbm.at[idx_all.at[pl.ds(s * _G, _G)]], rows_v, sem
            ).wait()

        def out_slot(s):
            return out_hbm.at[pl.ds(base + s * _CHUNK, _CHUNK)]

        def reduce_store(s, rows_v, pooled_v, semo):
            for r in range(_CHUNK):
                def red(j, acc):
                    return tuple(
                        acc[c] + rows_v[r * _SEQ + j, pl.ds(c * 16, 16)]
                        for c in range(_NLANE)
                    )
                acc0 = tuple(jnp.zeros((16,), jnp.float32) for _ in range(_NLANE))
                acc = lax.fori_loop(0, _SEQ, red, acc0)
                for c in range(_NLANE):
                    pooled_v[r, pl.ds(c * 16, 16)] = acc[c] * (1.0 / _SEQ)
            pltpu.async_copy(pooled_v, out_slot(s), semo)

        def wait_out(s, pooled_v, semo):
            pltpu.make_async_copy(pooled_v, out_slot(s), semo).wait()

        issue(0, rows0, sem0)

        def pair(i, carry):
            s = 2 * i
            issue(s + 1, rows1, sem1)
            wait(s, rows0, sem0)

            @pl.when(s >= 2)
            def _():
                wait_out(lax.max(s - 2, 0), pooled0, semo0)

            reduce_store(s, rows0, pooled0, semo0)

            @pl.when(s + 2 < _STEPS)
            def _():
                issue(s + 2, rows0, sem0)

            wait(s + 1, rows1, sem1)

            @pl.when(s >= 2)
            def _():
                wait_out(lax.max(s - 1, 0), pooled1, semo1)

            reduce_store(s + 1, rows1, pooled1, semo1)
            return carry

        lax.fori_loop(0, _STEPS // 2, pair, 0)
        wait_out(_STEPS - 2, pooled0, semo0)
        wait_out(_STEPS - 1, pooled1, semo1)

    return k(idx_flat, table)


def _linear(pooled, W, b):
    def mm(p_ref, w_ref, b_ref, o_ref):
        o_ref[...] = lax.dot_general(
            p_ref[...], w_ref[...], (((1,), (1,)), ((), ())),
            preferred_element_type=jnp.float32,
        ) + b_ref[...]

    return pl.pallas_call(
        mm,
        out_shape=jax.ShapeDtypeStruct((_B, _D), jnp.float32),
    )(pooled, W, b.reshape(1, _D))


def kernel(indices, table, W, b):
    idx_flat = indices.reshape(-1).astype(jnp.int32)
    pooled = _gather_mean(idx_flat, table)
    return _linear(pooled, W, b)

# --- scband reference (transcript-rebuilt; emitter-appended) ---
"""Pipeline reference for scband-differentiable-ticencoder-43224550867024 (READ-ONLY COPY).

The authoritative reference and input builder live on the scoring server;
editing this copy changes nothing except your own understanding.
"""

import jax, jax.numpy as jnp
import numpy as np

BATCH = 4096
SEQ = 50
VOCAB = 100000
EMBED_DIM = 128


def setup_inputs(seed: int = 0) -> dict:
    key = jax.random.key(seed)
    k1, k2, k3, k4 = jax.random.split(key, 4)
    indices = jax.random.randint(k1, (BATCH, SEQ), 0, VOCAB, dtype=jnp.int64 if jax.config.read('jax_enable_x64') else jnp.int32)
    table = jax.random.normal(k2, (VOCAB, EMBED_DIM), dtype=jnp.float32) * 0.02
    W = jax.random.normal(k3, (EMBED_DIM, EMBED_DIM), dtype=jnp.float32) * 0.05
    b = jnp.zeros((EMBED_DIM,), dtype=jnp.float32)
    return {"indices": indices, "table": table, "W": W, "b": b}


def reference(indices, table, W, b):
    # EffectEncoder.forward (vectorized over a batch of effect-index sequences):
    #   embeddings = self.embedding(idx_tensor)   -> gather from table
    #   pooled     = embeddings.mean(dim=0)        -> mean over sequence
    #   aggregated = self.aggregate(pooled)        -> linear layer
    emb = jnp.take(table, indices, axis=0)          # [B, L, D] gather (SparseCore embedding lookup)
    pooled = emb.mean(axis=1)                        # [B, D]
    aggregated = pooled @ W.T + b                    # [B, D]
    return aggregated

if __name__ == "__main__":
    import jax
    _d = setup_inputs()
    print(jax.jit(kernel)(*tuple(_d.values())))

</pallas_src>

<mosaic_0001>
#map = affine_map<(d0, d1) -> (0)>
#map1 = affine_map<(d0, d1) -> (0, 0)>
module attributes {stable_mosaic.version = 14 : i64} {
  func.func @k(%arg0: i32, %arg1: i32, %arg2: memref<204800xi32, #tpu.memory_space<hbm>>, %arg3: memref<100000x128xf32, #tpu.memory_space<hbm>>, %arg4: memref<4096x128xf32, #tpu.memory_space<hbm>>, %arg5: memref<6400xi32, #tpu.memory_space<vmem>>, %arg6: memref<400x128xf32, #tpu.memory_space<vmem>>, %arg7: memref<400x128xf32, #tpu.memory_space<vmem>>, %arg8: memref<8x128xf32, #tpu.memory_space<vmem>>, %arg9: memref<8x128xf32, #tpu.memory_space<vmem>>, %arg10: memref<!tpu.dma_semaphore, #tpu.memory_space<semaphore_mem>>, %arg11: memref<!tpu.dma_semaphore, #tpu.memory_space<semaphore_mem>>, %arg12: memref<!tpu.dma_semaphore, #tpu.memory_space<semaphore_mem>>, %arg13: memref<!tpu.dma_semaphore, #tpu.memory_space<semaphore_mem>>) attributes {dimension_semantics = [#tpu.dimension_semantics<core_parallel>, #tpu.dimension_semantics<subcore_parallel>], iteration_bounds = array<i64: 2, 16>, scalar_prefetch = 0 : i64, scratch_operands = 9 : i64, tpu.core_type = #tpu.core_type<sc_vector_subcore>, window_params = [{transform_indices = #map}, {transform_indices = #map1}, {transform_indices = #map1}]} {
    %mul3A = arith.constant 2 : i32
    %mul3A_0 = arith.muli %arg1, %mul3A : i32
    %add3A = arith.addi %mul3A_0, %arg0 : i32
    %mul3A_1 = arith.constant 128 : i32
    %mul3A_2 = arith.muli %add3A, %mul3A_1 : i32
    %mul3A_3 = arith.constant 50 : i32
    %mul3A_4 = arith.muli %mul3A_2, %mul3A_3 : i32
    "tpu.region"() ({
      %run_scoped3A = tpu.sem_alloc : memref<!tpu.dma_semaphore, #tpu.memory_space<semaphore_mem>>
      %dma_start3A_25 = tpu.memref_slice %arg2[%mul3A_4] : memref<204800xi32, #tpu.memory_space<hbm>> -> memref<6400xi32, #tpu.memory_space<hbm>>
      %dma_start3A_26 = tpu.memref_slice %arg2[%mul3A_4] : memref<204800xi32, #tpu.memory_space<hbm>> -> memref<6400xi32, #tpu.memory_space<hbm>>
      tpu.enqueue_dma source(%dma_start3A_26 : memref<6400xi32, #tpu.memory_space<hbm>>) target(%arg5 : memref<6400xi32, #tpu.memory_space<vmem>>) target_semaphore(%run_scoped3A : memref<!tpu.dma_semaphore, #tpu.memory_space<semaphore_mem>>)
      %dma_wait3A_27 = tpu.memref_slice %arg2[%mul3A_4] : memref<204800xi32, #tpu.memory_space<hbm>> -> memref<6400xi32, #tpu.memory_space<hbm>>
      %dma_wait3A_28 = tpu.memref_slice %arg2[%mul3A_4] : memref<204800xi32, #tpu.memory_space<hbm>> -> memref<6400xi32, #tpu.memory_space<hbm>>
      tpu.wait_dma2 semaphore(%run_scoped3A : memref<!tpu.dma_semaphore, #tpu.memory_space<semaphore_mem>>) src(%dma_wait3A_28 : memref<6400xi32, #tpu.memory_space<hbm>>) dst(%arg5 : memref<6400xi32, #tpu.memory_space<vmem>>)
      tpu.yield
    }) : () -> ()
    %dma_start3A = arith.constant 0 : i32
    %dma_start3A_5 = tpu.memref_slice %arg5[%dma_start3A] : memref<6400xi32, #tpu.memory_space<vmem>> -> memref<400xi32, #tpu.memory_space<vmem>>
    %dma_start3A_6 = arith.constant 0 : i32
    %dma_start3A_7 = arith.constant 0 : i32
    %dma_start3A_8 = tpu.memref_slice %arg3[%dma_start3A_6, %dma_start3A_7] : memref<100000x128xf32, #tpu.memory_space<hbm>> -> memref<100000x128xf32, #tpu.memory_space<hbm>>
    tpu.enqueue_indirect_dma source(%dma_start3A_8 : memref<100000x128xf32, #tpu.memory_space<hbm>>) target(%arg6 : memref<400x128xf32, #tpu.memory_space<vmem>>) offsets(%dma_start3A_5 : memref<400xi32, #tpu.memory_space<vmem>>) semaphore(%arg10 : memref<!tpu.dma_semaphore, #tpu.memory_space<semaphore_mem>>)
    %scan3A = arith.constant 0 : i32
    %scan3A_9 = arith.constant 0 : i32
    %scan3A_10 = arith.constant 8 : i32
    %scan3A_11 = arith.addi %scan3A_9, %scan3A_10 : i32
    %scan3A_12 = arith.constant 1 : i32
    scf.for %scan3A_25 = %scan3A_9 to %scan3A_11 step %scan3A_12  : i32 {
      %mul3A_26 = arith.constant 2 : i32
      %mul3A_27 = arith.muli %mul3A_26, %scan3A_25 : i32
      %add3A_28 = arith.constant 1 : i32
      %add3A_29 = arith.addi %mul3A_27, %add3A_28 : i32
      %mul3A_30 = arith.constant 400 : i32
      %mul3A_31 = arith.muli %add3A_29, %mul3A_30 : i32
      %dma_start3A_32 = tpu.memref_slice %arg5[%mul3A_31] : memref<6400xi32, #tpu.memory_space<vmem>> -> memref<400xi32, #tpu.memory_space<vmem>>
      %dma_start3A_33 = arith.constant 0 : i32
      %dma_start3A_34 = arith.constant 0 : i32
      %dma_start3A_35 = tpu.memref_slice %arg3[%dma_start3A_33, %dma_start3A_34] : memref<100000x128xf32, #tpu.memory_space<hbm>> -> memref<100000x128xf32, #tpu.memory_space<hbm>>
      tpu.enqueue_indirect_dma source(%dma_start3A_35 : memref<100000x128xf32, #tpu.memory_space<hbm>>) target(%arg7 : memref<400x128xf32, #tpu.memory_space<vmem>>) offsets(%dma_start3A_32 : memref<400xi32, #tpu.memory_space<vmem>>) semaphore(%arg11 : memref<!tpu.dma_semaphore, #tpu.memory_space<semaphore_mem>>)
      %mul3A_36 = arith.constant 400 : i32
      %mul3A_37 = arith.muli %mul3A_27, %mul3A_36 : i32
      %dma_wait3A_38 = tpu.memref_slice %arg5[%mul3A_37] : memref<6400xi32, #tpu.memory_space<vmem>> -> memref<400xi32, #tpu.memory_space<vmem>>
      %dma_wait3A_39 = arith.constant 0 : i32
      %dma_wait3A_40 = arith.constant 0 : i32
      %dma_wait3A_41 = tpu.memref_slice %arg3[%dma_wait3A_39, %dma_wait3A_40] : memref<100000x128xf32, #tpu.memory_space<hbm>> -> memref<100000x128xf32, #tpu.memory_space<hbm>>
      tpu.wait_indirect_dma semaphore(%arg10 : memref<!tpu.dma_semaphore, #tpu.memory_space<semaphore_mem>>) src(%dma_wait3A_41 : memref<100000x128xf32, #tpu.memory_space<hbm>>) dst(%arg6 : memref<400x128xf32, #tpu.memory_space<vmem>>)
      %ge3A = arith.constant 2 : i32
      %ge3A_42 = arith.cmpi sge, %mul3A_27, %ge3A : i32
      %convert_element_type3A = arith.extui %ge3A_42 : i1 to i32
      %cond3A = arith.constant 0 : i32
      %cond3A_43 = arith.cmpi ne, %convert_element_type3A, %cond3A : i32
      scf.if %cond3A_43 {
        %sub3A = arith.constant 2 : i32
        %sub3A_1581 = arith.subi %mul3A_27, %sub3A : i32
        %max3A = arith.constant 0 : i32
        %max3A_1582 = arith.maxsi %sub3A_1581, %max3A : i32
        %mul3A_1583 = arith.constant 8 : i32
        %mul3A_1584 = arith.muli %max3A_1582, %mul3A_1583 : i32
        %add3A_1585 = arith.addi %mul3A_2, %mul3A_1584 : i32
        %dma_wait3A_1586 = arith.constant 0 : i32
        %dma_wait3A_1587 = tpu.memref_slice %arg4[%add3A_1585, %dma_wait3A_1586] : memref<4096x128xf32, #tpu.memory_space<hbm>> -> memref<8x128xf32, #tpu.memory_space<hbm>>
        %dma_wait3A_1588 = arith.constant 0 : i32
        %dma_wait3A_1589 = tpu.memref_slice %arg4[%add3A_1585, %dma_wait3A_1588] : memref<4096x128xf32, #tpu.memory_space<hbm>> -> memref<8x128xf32, #tpu.memory_space<hbm>>
        tpu.wait_dma2 semaphore(%arg12 : memref<!tpu.dma_semaphore, #tpu.memory_space<semaphore_mem>>) src(%arg8 : memref<8x128xf32, #tpu.memory_space<vmem>>) dst(%dma_wait3A_1589 : memref<8x128xf32, #tpu.memory_space<hbm>>)
      } else {
      }
      %broadcast_in_dim3A = arith.constant 0.000000e+00 : f32
      %broadcast_in_dim3A_44 = vector.broadcast %broadcast_in_dim3A : f32 to vector<16xf32>
      %broadcast_in_dim3A_45 = arith.constant 0.000000e+00 : f32
      %broadcast_in_dim3A_46 = vector.broadcast %broadcast_in_dim3A_45 : f32 to vector<16xf32>
      %broadcast_in_dim3A_47 = arith.constant 0.000000e+00 : f32
      %broadcast_in_dim3A_48 = vector.broadcast %broadcast_in_dim3A_47 : f32 to vector<16xf32>
      %broadcast_in_dim3A_49 = arith.constant 0.000000e+00 : f32
      %broadcast_in_dim3A_50 = vector.broadcast %broadcast_in_dim3A_49 : f32 to vector<16xf32>
      %broadcast_in_dim3A_51 = arith.constant 0.000000e+00 : f32
      %broadcast_in_dim3A_52 = vector.broadcast %broadcast_in_dim3A_51 : f32 to vector<16xf32>
      %broadcast_in_dim3A_53 = arith.constant 0.000000e+00 : f32
      %broadcast_in_dim3A_54 = vector.broadcast %broadcast_in_dim3A_53 : f32 to vector<16xf32>
      %broadcast_in_dim3A_55 = arith.constant 0.000000e+00 : f32
      %broadcast_in_dim3A_56 = vector.broadcast %broadcast_in_dim3A_55 : f32 to vector<16xf32>
      %broadcast_in_dim3A_57 = arith.constant 0.000000e+00 : f32
      %broadcast_in_dim3A_58 = vector.broadcast %broadcast_in_dim3A_57 : f32 to vector<16xf32>
      %scan3A_59 = arith.constant 0 : i32
      %scan3A_60 = arith.constant 50 : i32
      %scan3A_61 = arith.addi %scan3A_59, %scan3A_60 : i32
      %scan3A_62 = arith.constant 1 : i32
      %scan3A_63:8 = scf.for %scan3A_1581 = %scan3A_59 to %scan3A_61 step %scan3A_62 iter_args(%scan3A_1582 = %broadcast_in_dim3A_44, %scan3A_1583 = %broadcast_in_dim3A_46, %scan3A_1584 = %broadcast_in_dim3A_48, %scan3A_1585 = %broadcast_in_dim3A_50, %scan3A_1586 = %broadcast_in_dim3A_52, %scan3A_1587 = %broadcast_in_dim3A_54, %scan3A_1588 = %broadcast_in_dim3A_56, %scan3A_1589 = %broadcast_in_dim3A_58) -> (vector<16xf32>, vector<16xf32>, vector<16xf32>, vector<16xf32>, vector<16xf32>, vector<16xf32>, vector<16xf32>, vector<16xf32>)  : i32 {
        %add3A_1590 = arith.constant 0 : i32
        %add3A_1591 = arith.addi %add3A_1590, %scan3A_1581 : i32
        %get3A = arith.index_cast %add3A_1591 : i32 to index
        %get3A_1592 = arith.constant 0 : index
        %get3A_1593 = tpu.vector_load %arg6[%get3A, %get3A_1592] {strides = array<i32>} : memref<400x128xf32, #tpu.memory_space<vmem>>, vector<1x16xf32>,
        %get3A_1594 = vector.shape_cast %get3A_1593 : vector<1x16xf32> to vector<16xf32>
        %add3A_1595 = arith.addf %scan3A_1582, %get3A_1594 : vector<16xf32>
        %add3A_1596 = arith.constant 0 : i32
        %add3A_1597 = arith.addi %add3A_1596, %scan3A_1581 : i32
        %get3A_1598 = arith.index_cast %add3A_1597 : i32 to index
        %get3A_1599 = arith.constant 16 : index
        %get3A_1600 = tpu.vector_load %arg6[%get3A_1598, %get3A_1599] {strides = array<i32>} : memref<400x128xf32, #tpu.memory_space<vmem>>, vector<1x16xf32>,
        %get3A_1601 = vector.shape_cast %get3A_1600 : vector<1x16xf32> to vector<16xf32>
        %add3A_1602 = arith.addf %scan3A_1583, %get3A_1601 : vector<16xf32>
        %add3A_1603 = arith.constant 0 : i32
        %add3A_1604 = arith.addi %add3A_1603, %scan3A_1581 : i32
        %get3A_1605 = arith.index_cast %add3A_1604 : i32 to index
        %get3A_1606 = arith.constant 32 : index
        %get3A_1607 = tpu.vector_load %arg6[%get3A_1605, %get3A_1606] {strides = array<i32>} : memref<400x128xf32, #tpu.memory_space<vmem>>, vector<1x16xf32>,
        %get3A_1608 = vector.shape_cast %get3A_1607 : vector<1x16xf32> to vector<16xf32>
        %add3A_1609 = arith.addf %scan3A_1584, %get3A_1608 : vector<16xf32>
        %add3A_1610 = arith.constant 0 : i32
        %add3A_1611 = arith.addi %add3A_1610, %scan3A_1581 : i32
        %get3A_1612 = arith.index_cast %add3A_1611 : i32 to index
        %get3A_1613 = arith.constant 48 : index
        %get3A_1614 = tpu.vector_load %arg6[%get3A_1612, %get3A_1613] {strides = array<i32>} : memref<400x128xf32, #tpu.memory_space<vmem>>, vector<1x16xf32>,
        %get3A_1615 = vector.shape_cast %get3A_1614 : vector<1x16xf32> to vector<16xf32>
        %add3A_1616 = arith.addf %scan3A_1585, %get3A_1615 : vector<16xf32>
        %add3A_1617 = arith.constant 0 : i32
        %add3A_1618 = arith.addi %add3A_1617, %scan3A_1581 : i32
        %get3A_1619 = arith.index_cast %add3A_1618 : i32 to index
        %get3A_1620 = arith.constant 64 : index
        %get3A_1621 = tpu.vector_load %arg6[%get3A_1619, %get3A_1620] {strides = array<i32>} : memref<400x128xf32, #tpu.memory_space<vmem>>, vector<1x16xf32>,
        %get3A_1622 = vector.shape_cast %get3A_1621 : vector<1x16xf32> to vector<16xf32>
        %add3A_1623 = arith.addf %scan3A_1586, %get3A_1622 : vector<16xf32>
        %add3A_1624 = arith.constant 0 : i32
        %add3A_1625 = arith.addi %add3A_1624, %scan3A_1581 : i32
        %get3A_1626 = arith.index_cast %add3A_1625 : i32 to index
        %get3A_1627 = arith.constant 80 : index
        %get3A_1628 = tpu.vector_load %arg6[%get3A_1626, %get3A_1627] {strides = array<i32>} : memref<400x128xf32, #tpu.memory_space<vmem>>, vector<1x16xf32>,
        %get3A_1629 = vector.shape_cast %get3A_1628 : vector<1x16xf32> to vector<16xf32>
        %add3A_1630 = arith.addf %scan3A_1587, %get3A_1629 : vector<16xf32>
        %add3A_1631 = arith.constant 0 : i32
        %add3A_1632 = arith.addi %add3A_1631, %scan3A_1581 : i32
        %get3A_1633 = arith.index_cast %add3A_1632 : i32 to index
        %get3A_1634 = arith.constant 96 : index
        %get3A_1635 = tpu.vector_load %arg6[%get3A_1633, %get3A_1634] {strides = array<i32>} : memref<400x128xf32, #tpu.memory_space<vmem>>, vector<1x16xf32>,
        %get3A_1636 = vector.shape_cast %get3A_1635 : vector<1x16xf32> to vector<16xf32>
        %add3A_1637 = arith.addf %scan3A_1588, %get3A_1636 : vector<16xf32>
        %add3A_1638 = arith.constant 0 : i32
        %add3A_1639 = arith.addi %add3A_1638, %scan3A_1581 : i32
        %get3A_1640 = arith.index_cast %add3A_1639 : i32 to index
        %get3A_1641 = arith.constant 112 : index
        %get3A_1642 = tpu.vector_load %arg6[%get3A_1640, %get3A_1641] {strides = array<i32>} : memref<400x128xf32, #tpu.memory_space<vmem>>, vector<1x16xf32>,
        %get3A_1643 = vector.shape_cast %get3A_1642 : vector<1x16xf32> to vector<16xf32>
        %add3A_1644 = arith.addf %scan3A_1589, %get3A_1643 : vector<16xf32>
        scf.yield %add3A_1595, %add3A_1602, %add3A_1609, %add3A_1616, %add3A_1623, %add3A_1630, %add3A_1637, %add3A_1644 : vector<16xf32>, vector<16xf32>, vector<16xf32>, vector<16xf32>, vector<16xf32>, vector<16xf32>, vector<16xf32>, vector<16xf32>
      }
      %scan3A_64 = arith.constant 50 : i32
      %mul3A_65 = arith.constant 2.000000e-02 : f32
      %mul3A_66 = vector.broadcast %mul3A_65 : f32 to vector<16xf32>
      %mul3A_67 = arith.mulf %scan3A_63#0, %mul3A_66 : vector<16xf32>
      %swap3A = arith.constant 0 : i32
      %swap3A_68 = arith.index_cast %swap3A : i32 to index
      %swap3A_69 = arith.constant 0 : index
      %swap3A_70 = tpu.vector_load %arg8[%swap3A_68, %swap3A_69] {strides = array<i32>} : memref<8x128xf32, #tpu.memory_space<vmem>>, vector<1x16xf32>,
      %swap3A_71 = vector.shape_cast %swap3A_70 : vector<1x16xf32> to vector<16xf32>
      %swap3A_72 = vector.shape_cast %mul3A_67 : vector<16xf32> to vector<1x16xf32>
      tpu.vector_store %arg8[%swap3A_68, %swap3A_69], %swap3A_72 {strides = array<i32>} : memref<8x128xf32, #tpu.memory_space<vmem>>, vector<1x16xf32>,
      %mul3A_73 = arith.constant 2.000000e-02 : f32
      %mul3A_74 = vector.broadcast %mul3A_73 : f32 to vector<16xf32>
      %mul3A_75 = arith.mulf %scan3A_63#1, %mul3A_74 : vector<16xf32>
      %swap3A_76 = arith.constant 0 : i32
      %swap3A_77 = arith.index_cast %swap3A_76 : i32 to index
      %swap3A_78 = arith.constant 16 : index
      %swap3A_79 = tpu.vector_load %arg8[%swap3A_77, %swap3A_78] {strides = array<i32>} : memref<8x128xf32, #tpu.memory_space<vmem>>, vector<1x16xf32>,
      %swap3A_80 = vector.shape_cast %swap3A_79 : vector<1x16xf32> to vector<16xf32>
      %swap3A_81 = vector.shape_cast %mul3A_75 : vector<16xf32> to vector<1x16xf32>
      tpu.vector_store %arg8[%swap3A_77, %swap3A_78], %swap3A_81 {strides = array<i32>} : memref<8x128xf32, #tpu.memory_space<vmem>>, vector<1x16xf32>,
      %mul3A_82 = arith.constant 2.000000e-02 : f32
      %mul3A_83 = vector.broadcast %mul3A_82 : f32 to vector<16xf32>
      %mul3A_84 = arith.mulf %scan3A_63#2, %mul3A_83 : vector<16xf32>
      %swap3A_85 = arith.constant 0 : i32
      %swap3A_86 = arith.index_cast %swap3A_85 : i32 to index
      %swap3A_87 = arith.constant 32 : index
      %swap3A_88 = tpu.vector_load %arg8[%swap3A_86, %swap3A_87] {strides = array<i32>} : memref<8x128xf32, #tpu.memory_space<vmem>>, vector<1x16xf32>,
      %swap3A_89 = vector.shape_cast %swap3A_88 : vector<1x16xf32> to vector<16xf32>
      %swap3A_90 = vector.shape_cast %mul3A_84 : vector<16xf32> to vector<1x16xf32>
      tpu.vector_store %arg8[%swap3A_86, %swap3A_87], %swap3A_90 {strides = array<i32>} : memref<8x128xf32, #tpu.memory_space<vmem>>, vector<1x16xf32>,
      %mul3A_91 = arith.constant 2.000000e-02 : f32
      %mul3A_92 = vector.broadcast %mul3A_91 : f32 to vector<16xf32>
      %mul3A_93 = arith.mulf %scan3A_63#3, %mul3A_92 : vector<16xf32>
      %swap3A_94 = arith.constant 0 : i32
      %swap3A_95 = arith.index_cast %swap3A_94 : i32 to index
      %swap3A_96 = arith.constant 48 : index
      %swap3A_97 = tpu.vector_load %arg8[%swap3A_95, %swap3A_96] {strides = array<i32>} : memref<8x128xf32, #tpu.memory_space<vmem>>, vector<1x16xf32>,
      %swap3A_98 = vector.shape_cast %swap3A_97 : vector<1x16xf32> to vector<16xf32>
      %swap3A_99 = vector.shape_cast %mul3A_93 : vector<16xf32> to vector<1x16xf32>
      tpu.vector_store %arg8[%swap3A_95, %swap3A_96], %swap3A_99 {strides = array<i32>} : memref<8x128xf32, #tpu.memory_space<vmem>>, vector<1x16xf32>,
      %mul3A_100 = arith.constant 2.000000e-02 : f32
      %mul3A_101 = vector.broadcast %mul3A_100 : f32 to vector<16xf32>
      %mul3A_102 = arith.mulf %scan3A_63#4, %mul3A_101 : vector<16xf32>
      %swap3A_103 = arith.constant 0 : i32
      %swap3A_104 = arith.index_cast %swap3A_103 : i32 to index
      %swap3A_105 = arith.constant 64 : index
      %swap3A_106 = tpu.vector_load %arg8[%swap3A_104, %swap3A_105] {strides = array<i32>} : memref<8x128xf32, #tpu.memory_space<vmem>>, vector<1x16xf32>,
      %swap3A_107 = vector.shape_cast %swap3A_106 : vector<1x16xf32> to vector<16xf32>
      %swap3A_108 = vector.shape_cast %mul3A_102 : vector<16xf32> to vector<1x16xf32>
      tpu.vector_store %arg8[%swap3A_104, %swap3A_105], %swap3A_108 {strides = array<i32>} : memref<8x128xf32, #tpu.memory_space<vmem>>, vector<1x16xf32>,
      %mul3A_109 = arith.constant 2.000000e-02 : f32
      %mul3A_110 = vector.broadcast %mul3A_109 : f32 to vector<16xf32>
      %mul3A_111 = arith.mulf %scan3A_63#5, %mul3A_110 : vector<16xf32>
      %swap3A_112 = arith.constant 0 : i32
      %swap3A_113 = arith.index_cast %swap3A_112 : i32 to index
      %swap3A_114 = arith.constant 80 : index
      %swap3A_115 = tpu.vector_load %arg8[%swap3A_113, %swap3A_114] {strides = array<i32>} : memref<8x128xf32, #tpu.memory_space<vmem>>, vector<1x16xf32>,
      %swap3A_116 = vector.shape_cast %swap3A_115 : vector<1x16xf32> to vector<16xf32>
      %swap3A_117 = vector.shape_cast %mul3A_111 : vector<16xf32> to vector<1x16xf32>
      tpu.vector_store %arg8[%swap3A_113, %swap3A_114], %swap3A_117 {strides = array<i32>} : memref<8x128xf32, #tpu.memory_space<vmem>>, vector<1x16xf32>,
      %mul3A_118 = arith.constant 2.000000e-02 : f32
      %mul3A_119 = vector.broadcast %mul3A_118 : f32 to vector<16xf32>
      %mul3A_120 = arith.mulf %scan3A_63#6, %mul3A_119 : vector<16xf32>
      %swap3A_121 = arith.constant 0 : i32
      %swap3A_122 = arith.index_cast %swap3A_121 : i32 to index
      %swap3A_123 = arith.constant 96 : index
      %swap3A_124 = tpu.vector_load %arg8[%swap3A_122, %swap3A_123] {strides = array<i32>} : memref<8x128xf32, #tpu.memory_space<vmem>>, vector<1x16xf32>,
      %swap3A_125 = vector.shape_cast %swap3A_124 : vector<1x16xf32> to vector<16xf32>
      %swap3A_126 = vector.shape_cast %mul3A_120 : vector<16xf32> to vector<1x16xf32>
      tpu.vector_store %arg8[%swap3A_122, %swap3A_123], %swap3A_126 {strides = array<i32>} : memref<8x128xf32, #tpu.memory_space<vmem>>, vector<1x16xf32>,
      %mul3A_127 = arith.constant 2.000000e-02 : f32
      %mul3A_128 = vector.broadcast %mul3A_127 : f32 to vector<16xf32>
      %mul3A_129 = arith.mulf %scan3A_63#7, %mul3A_128 : vector<16xf32>
      %swap3A_130 = arith.constant 0 : i32
      %swap3A_131 = arith.index_cast %swap3A_130 : i32 to index
      %swap3A_132 = arith.constant 112 : index
      %swap3A_133 = tpu.vector_load %arg8[%swap3A_131, %swap3A_132] {strides = array<i32>} : memref<8x128xf32, #tpu.memory_space<vmem>>, vector<1x16xf32>,
      %swap3A_134 = vector.shape_cast %swap3A_133 : vector<1x16xf32> to vector<16xf32>
      %swap3A_135 = vector.shape_cast %mul3A_129 : vector<16xf32> to vector<1x16xf32>
      tpu.vector_store %arg8[%swap3A_131, %swap3A_132], %swap3A_135 {strides = array<i32>} : memref<8x128xf32, #tpu.memory_space<vmem>>, vector<1x16xf32>,
      %broadcast_in_dim3A_136 = arith.constant 0.000000e+00 : f32
      %broadcast_in_dim3A_137 = vector.broadcast %broadcast_in_dim3A_136 : f32 to vector<16xf32>
      %broadcast_in_dim3A_138 = arith.constant 0.000000e+00 : f32
      %broadcast_in_dim3A_139 = vector.broadcast %broadcast_in_dim3A_138 : f32 to vector<16xf32>
      %broadcast_in_dim3A_140 = arith.constant 0.000000e+00 : f32
      %broadcast_in_dim3A_141 = vector.broadcast %broadcast_in_dim3A_140 : f32 to vector<16xf32>
      %broadcast_in_dim3A_142 = arith.constant 0.000000e+00 : f32
      %broadcast_in_dim3A_143 = vector.broadcast %broadcast_in_dim3A_142 : f32 to vector<16xf32>
      %broadcast_in_dim3A_144 = arith.constant 0.000000e+00 : f32
      %broadcast_in_dim3A_145 = vector.broadcast %broadcast_in_dim3A_144 : f32 to vector<16xf32>
      %broadcast_in_dim3A_146 = arith.constant 0.000000e+00 : f32
      %broadcast_in_dim3A_147 = vector.broadcast %broadcast_in_dim3A_146 : f32 to vector<16xf32>
      %broadcast_in_dim3A_148 = arith.constant 0.000000e+00 : f32
      %broadcast_in_dim3A_149 = vector.broadcast %broadcast_in_dim3A_148 : f32 to vector<16xf32>
      %broadcast_in_dim3A_150 = arith.constant 0.000000e+00 : f32
      %broadcast_in_dim3A_151 = vector.broadcast %broadcast_in_dim3A_150 : f32 to vector<16xf32>
      %scan3A_152 = arith.constant 0 : i32
      %scan3A_153 = arith.constant 50 : i32
      %scan3A_154 = arith.addi %scan3A_152, %scan3A_153 : i32
      %scan3A_155 = arith.constant 1 : i32
      %scan3A_156:8 = scf.for %scan3A_1581 = %scan3A_152 to %scan3A_154 step %scan3A_155 iter_args(%scan3A_1582 = %broadcast_in_dim3A_137, %scan3A_1583 = %broadcast_in_dim3A_139, %scan3A_1584 = %broadcast_in_dim3A_141, %scan3A_1585 = %broadcast_in_dim3A_143, %scan3A_1586 = %broadcast_in_dim3A_145, %scan3A_1587 = %broadcast_in_dim3A_147, %scan3A_1588 = %broadcast_in_dim3A_149, %scan3A_1589 = %broadcast_in_dim3A_151) -> (vector<16xf32>, vector<16xf32>, vector<16xf32>, vector<16xf32>, vector<16xf32>, vector<16xf32>, vector<16xf32>, vector<16xf32>)  : i32 {
        %add3A_1590 = arith.constant 50 : i32
        %add3A_1591 = arith.addi %add3A_1590, %scan3A_1581 : i32
        %get3A = arith.index_cast %add3A_1591 : i32 to index
        %get3A_1592 = arith.constant 0 : index
        %get3A_1593 = tpu.vector_load %arg6[%get3A, %get3A_1592] {strides = array<i32>} : memref<400x128xf32, #tpu.memory_space<vmem>>, vector<1x16xf32>,
        %get3A_1594 = vector.shape_cast %get3A_1593 : vector<1x16xf32> to vector<16xf32>
        %add3A_1595 = arith.addf %scan3A_1582, %get3A_1594 : vector<16xf32>
        %add3A_1596 = arith.constant 50 : i32
        %add3A_1597 = arith.addi %add3A_1596, %scan3A_1581 : i32
        %get3A_1598 = arith.index_cast %add3A_1597 : i32 to index
        %get3A_1599 = arith.constant 16 : index
        %get3A_1600 = tpu.vector_load %arg6[%get3A_1598, %get3A_1599] {strides = array<i32>} : memref<400x128xf32, #tpu.memory_space<vmem>>, vector<1x16xf32>,
        %get3A_1601 = vector.shape_cast %get3A_1600 : vector<1x16xf32> to vector<16xf32>
        %add3A_1602 = arith.addf %scan3A_1583, %get3A_1601 : vector<16xf32>
        %add3A_1603 = arith.constant 50 : i32
        %add3A_1604 = arith.addi %add3A_1603, %scan3A_1581 : i32
        %get3A_1605 = arith.index_cast %add3A_1604 : i32 to index
        %get3A_1606 = arith.constant 32 : index
        %get3A_1607 = tpu.vector_load %arg6[%get3A_1605, %get3A_1606] {strides = array<i32>} : memref<400x128xf32, #tpu.memory_space<vmem>>, vector<1x16xf32>,
        %get3A_1608 = vector.shape_cast %get3A_1607 : vector<1x16xf32> to vector<16xf32>
        %add3A_1609 = arith.addf %scan3A_1584, %get3A_1608 : vector<16xf32>
        %add3A_1610 = arith.constant 50 : i32
        %add3A_1611 = arith.addi %add3A_1610, %scan3A_1581 : i32
        %get3A_1612 = arith.index_cast %add3A_1611 : i32 to index
        %get3A_1613 = arith.constant 48 : index
        %get3A_1614 = tpu.vector_load %arg6[%get3A_1612, %get3A_1613] {strides = array<i32>} : memref<400x128xf32, #tpu.memory_space<vmem>>, vector<1x16xf32>,
        %get3A_1615 = vector.shape_cast %get3A_1614 : vector<1x16xf32> to vector<16xf32>
        %add3A_1616 = arith.addf %scan3A_1585, %get3A_1615 : vector<16xf32>
        %add3A_1617 = arith.constant 50 : i32
        %add3A_1618 = arith.addi %add3A_1617, %scan3A_1581 : i32
        %get3A_1619 = arith.index_cast %add3A_1618 : i32 to index
        %get3A_1620 = arith.constant 64 : index
        %get3A_1621 = tpu.vector_load %arg6[%get3A_1619, %get3A_1620] {strides = array<i32>} : memref<400x128xf32, #tpu.memory_space<vmem>>, vector<1x16xf32>,
        %get3A_1622 = vector.shape_cast %get3A_1621 : vector<1x16xf32> to vector<16xf32>
        %add3A_1623 = arith.addf %scan3A_1586, %get3A_1622 : vector<16xf32>
        %add3A_1624 = arith.constant 50 : i32
        %add3A_1625 = arith.addi %add3A_1624, %scan3A_1581 : i32
        %get3A_1626 = arith.index_cast %add3A_1625 : i32 to index
        %get3A_1627 = arith.constant 80 : index
        %get3A_1628 = tpu.vector_load %arg6[%get3A_1626, %get3A_1627] {strides = array<i32>} : memref<400x128xf32, #tpu.memory_space<vmem>>, vector<1x16xf32>,
        %get3A_1629 = vector.shape_cast %get3A_1628 : vector<1x16xf32> to vector<16xf32>
        %add3A_1630 = arith.addf %scan3A_1587, %get3A_1629 : vector<16xf32>
        %add3A_1631 = arith.constant 50 : i32
        %add3A_1632 = arith.addi %add3A_1631, %scan3A_1581 : i32
        %get3A_1633 = arith.index_cast %add3A_1632 : i32 to index
        %get3A_1634 = arith.constant 96 : index
        %get3A_1635 = tpu.vector_load %arg6[%get3A_1633, %get3A_1634] {strides = array<i32>} : memref<400x128xf32, #tpu.memory_space<vmem>>, vector<1x16xf32>,
        %get3A_1636 = vector.shape_cast %get3A_1635 : vector<1x16xf32> to vector<16xf32>
        %add3A_1637 = arith.addf %scan3A_1588, %get3A_1636 : vector<16xf32>
        %add3A_1638 = arith.constant 50 : i32
        %add3A_1639 = arith.addi %add3A_1638, %scan3A_1581 : i32
        %get3A_1640 = arith.index_cast %add3A_1639 : i32 to index
        %get3A_1641 = arith.constant 112 : index
        %get3A_1642 = tpu.vector_load %arg6[%get3A_1640, %get3A_1641] {strides = array<i32>} : memref<400x128xf32, #tpu.memory_space<vmem>>, vector<1x16xf32>,
        %get3A_1643 = vector.shape_cast %get3A_1642 : vector<1x16xf32> to vector<16xf32>
        %add3A_1644 = arith.addf %scan3A_1589, %get3A_1643 : vector<16xf32>
        scf.yield %add3A_1595, %add3A_1602, %add3A_1609, %add3A_1616, %add3A_1623, %add3A_1630, %add3A_1637, %add3A_1644 : vector<16xf32>, vector<16xf32>, vector<16xf32>, vector<16xf32>, vector<16xf32>, vector<16xf32>, vector<16xf32>, vector<16xf32>
      }
      %scan3A_157 = arith.constant 50 : i32
      %mul3A_158 = arith.constant 2.000000e-02 : f32
      %mul3A_159 = vector.broadcast %mul3A_158 : f32 to vector<16xf32>
      %mul3A_160 = arith.mulf %scan3A_156#0, %mul3A_159 : vector<16xf32>
      %swap3A_161 = arith.constant 1 : i32
      %swap3A_162 = arith.index_cast %swap3A_161 : i32 to index
      %swap3A_163 = arith.constant 0 : index
      %swap3A_164 = tpu.vector_load %arg8[%swap3A_162, %swap3A_163] {strides = array<i32>} : memref<8x128xf32, #tpu.memory_space<vmem>>, vector<1x16xf32>,
      %swap3A_165 = vector.shape_cast %swap3A_164 : vector<1x16xf32> to vector<16xf32>
      %swap3A_166 = vector.shape_cast %mul3A_160 : vector<16xf32> to vector<1x16xf32>
      tpu.vector_store %arg8[%swap3A_162, %swap3A_163], %swap3A_166 {strides = array<i32>} : memref<8x128xf32, #tpu.memory_space<vmem>>, vector<1x16xf32>,
      %mul3A_167 = arith.constant 2.000000e-02 : f32
      %mul3A_168 = vector.broadcast %mul3A_167 : f32 to vector<16xf32>
      %mul3A_169 = arith.mulf %scan3A_156#1, %mul3A_168 : vector<16xf32>
      %swap3A_170 = arith.constant 1 : i32
      %swap3A_171 = arith.index_cast %swap3A_170 : i32 to index
      %swap3A_172 = arith.constant 16 : index
      %swap3A_173 = tpu.vector_load %arg8[%swap3A_171, %swap3A_172] {strides = array<i32>} : memref<8x128xf32, #tpu.memory_space<vmem>>, vector<1x16xf32>,
      %swap3A_174 = vector.shape_cast %swap3A_173 : vector<1x16xf32> to vector<16xf32>
      %swap3A_175 = vector.shape_cast %mul3A_169 : vector<16xf32> to vector<1x16xf32>
      tpu.vector_store %arg8[%swap3A_171, %swap3A_172], %swap3A_175 {strides = array<i32>} : memref<8x128xf32, #tpu.memory_space<vmem>>, vector<1x16xf32>,
      %mul3A_176 = arith.constant 2.000000e-02 : f32
      %mul3A_177 = vector.broadcast %mul3A_176 : f32 to vector<16xf32>
      %mul3A_178 = arith.mulf %scan3A_156#2, %mul3A_177 : vector<16xf32>
      %swap3A_179 = arith.constant 1 : i32
      %swap3A_180 = arith.index_cast %swap3A_179 : i32 to index
      %swap3A_181 = arith.constant 32 : index
      %swap3A_182 = tpu.vector_load %arg8[%swap3A_180, %swap3A_181] {strides = array<i32>} : memref<8x128xf32, #tpu.memory_space<vmem>>, vector<1x16xf32>,
      %swap3A_183 = vector.shape_cast %swap3A_182 : vector<1x16xf32> to vector<16xf32>
      %swap3A_184 = vector.shape_cast %mul3A_178 : vector<16xf32> to vector<1x16xf32>
      tpu.vector_store %arg8[%swap3A_180, %swap3A_181], %swap3A_184 {strides = array<i32>} : memref<8x128xf32, #tpu.memory_space<vmem>>, vector<1x16xf32>,
      %mul3A_185 = arith.constant 2.000000e-02 : f32
      %mul3A_186 = vector.broadcast %mul3A_185 : f32 to vector<16xf32>
      %mul3A_187 = arith.mulf %scan3A_156#3, %mul3A_186 : vector<16xf32>
      %swap3A_188 = arith.constant 1 : i32
      %swap3A_189 = arith.index_cast %swap3A_188 : i32 to index
      %swap3A_190 = arith.constant 48 : index
      %swap3A_191 = tpu.vector_load %arg8[%swap3A_189, %swap3A_190] {strides = array<i32>} : memref<8x128xf32, #tpu.memory_space<vmem>>, vector<1x16xf32>,
      %swap3A_192 = vector.shape_cast %swap3A_191 : vector<1x16xf32> to vector<16xf32>
      %swap3A_193 = vector.shape_cast %mul3A_187 : vector<16xf32> to vector<1x16xf32>
      tpu.vector_store %arg8[%swap3A_189, %swap3A_190], %swap3A_193 {strides = array<i32>} : memref<8x128xf32, #tpu.memory_space<vmem>>, vector<1x16xf32>,
      %mul3A_194 = arith.constant 2.000000e-02 : f32
      %mul3A_195 = vector.broadcast %mul3A_194 : f32 to vector<16xf32>
      %mul3A_196 = arith.mulf %scan3A_156#4, %mul3A_195 : vector<16xf32>
      %swap3A_197 = arith.constant 1 : i32
      %swap3A_198 = arith.index_cast %swap3A_197 : i32 to index
      %swap3A_199 = arith.constant 64 : index
      %swap3A_200 = tpu.vector_load %arg8[%swap3A_198, %swap3A_199] {strides = array<i32>} : memref<8x128xf32, #tpu.memory_space<vmem>>, vector<1x16xf32>,
      %swap3A_201 = vector.shape_cast %swap3A_200 : vector<1x16xf32> to vector<16xf32>
      %swap3A_202 = vector.shape_cast %mul3A_196 : vector<16xf32> to vector<1x16xf32>
      tpu.vector_store %arg8[%swap3A_198, %swap3A_199], %swap3A_202 {strides = array<i32>} : memref<8x128xf32, #tpu.memory_space<vmem>>, vector<1x16xf32>,
      %mul3A_203 = arith.constant 2.000000e-02 : f32
      %mul3A_204 = vector.broadcast %mul3A_203 : f32 to vector<16xf32>
      %mul3A_205 = arith.mulf %scan3A_156#5, %mul3A_204 : vector<16xf32>
      %swap3A_206 = arith.constant 1 : i32
      %swap3A_207 = arith.index_cast %swap3A_206 : i32 to index
      %swap3A_208 = arith.constant 80 : index
      %swap3A_209 = tpu.vector_load %arg8[%swap3A_207, %swap3A_208] {strides = array<i32>} : memref<8x128xf32, #tpu.memory_space<vmem>>, vector<1x16xf32>,
      %swap3A_210 = vector.shape_cast %swap3A_209 : vector<1x16xf32> to vector<16xf32>
      %swap3A_211 = vector.shape_cast %mul3A_205 : vector<16xf32> to vector<1x16xf32>
      tpu.vector_store %arg8[%swap3A_207, %swap3A_208], %swap3A_211 {strides = array<i32>} : memref<8x128xf32, #tpu.memory_space<vmem>>, vector<1x16xf32>,
      %mul3A_212 = arith.constant 2.000000e-02 : f32
      %mul3A_213 = vector.broadcast %mul3A_212 : f32 to vector<16xf32>
      %mul3A_214 = arith.mulf %scan3A_156#6, %mul3A_213 : vector<16xf32>
      %swap3A_215 = arith.constant 1 : i32
      %swap3A_216 = arith.index_cast %swap3A_215 : i32 to index
      %swap3A_217 = arith.constant 96 : index
      %swap3A_218 = tpu.vector_load %arg8[%swap3A_216, %swap3A_217] {strides = array<i32>} : memref<8x128xf32, #tpu.memory_space<vmem>>, vector<1x16xf32>,
      %swap3A_219 = vector.shape_cast %swap3A_218 : vector<1x16xf32> to vector<16xf32>
      %swap3A_220 = vector.shape_cast %mul3A_214 : vector<16xf32> to vector<1x16xf32>
      tpu.vector_store %arg8[%swap3A_216, %swap3A_217], %swap3A_220 {strides = array<i32>} : memref<8x128xf32, #tpu.memory_space<vmem>>, vector<1x16xf32>,
      %mul3A_221 = arith.constant 2.000000e-02 : f32
      %mul3A_222 = vector.broadcast %mul3A_221 : f32 to vector<16xf32>
      %mul3A_223 = arith.mulf %scan3A_156#7, %mul3A_222 : vector<16xf32>
      %swap3A_224 = arith.constant 1 : i32
      %swap3A_225 = arith.index_cast %swap3A_224 : i32 to index
      %swap3A_226 = arith.constant 112 : index
      %swap3A_227 = tpu.vector_load %arg8[%swap3A_225, %swap3A_226] {strides = array<i32>} : memref<8x128xf32, #tpu.memory_space<vmem>>, vector<1x16xf32>,
      %swap3A_228 = vector.shape_cast %swap3A_227 : vector<1x16xf32> to vector<16xf32>
      %swap3A_229 = vector.shape_cast %mul3A_223 : vector<16xf32> to vector<1x16xf32>
      tpu.vector_store %arg8[%swap3A_225, %swap3A_226], %swap3A_229 {strides = array<i32>} : memref<8x128xf32, #tpu.memory_space<vmem>>, vector<1x16xf32>,
      %broadcast_in_dim3A_230 = arith.constant 0.000000e+00 : f32
      %broadcast_in_dim3A_231 = vector.broadcast %broadcast_in_dim3A_230 : f32 to vector<16xf32>
      %broadcast_in_dim3A_232 = arith.constant 0.000000e+00 : f32
      %broadcast_in_dim3A_233 = vector.broadcast %broadcast_in_dim3A_232 : f32 to vector<16xf32>
      %broadcast_in_dim3A_234 = arith.constant 0.000000e+00 : f32
      %broadcast_in_dim3A_235 = vector.broadcast %broadcast_in_dim3A_234 : f32 to vector<16xf32>
      %broadcast_in_dim3A_236 = arith.constant 0.000000e+00 : f32
      %broadcast_in_dim3A_237 = vector.broadcast %broadcast_in_dim3A_236 : f32 to vector<16xf32>
      %broadcast_in_dim3A_238 = arith.constant 0.000000e+00 : f32
      %broadcast_in_dim3A_239 = vector.broadcast %broadcast_in_dim3A_238 : f32 to vector<16xf32>
      %broadcast_in_dim3A_240 = arith.constant 0.000000e+00 : f32
      %broadcast_in_dim3A_241 = vector.broadcast %broadcast_in_dim3A_240 : f32 to vector<16xf32>
      %broadcast_in_dim3A_242 = arith.constant 0.000000e+00 : f32
      %broadcast_in_dim3A_243 = vector.broadcast %broadcast_in_dim3A_242 : f32 to vector<16xf32>
      %broadcast_in_dim3A_244 = arith.constant 0.000000e+00 : f32
      %broadcast_in_dim3A_245 = vector.broadcast %broadcast_in_dim3A_244 : f32 to vector<16xf32>
      %scan3A_246 = arith.constant 0 : i32
      %scan3A_247 = arith.constant 50 : i32
      %scan3A_248 = arith.addi %scan3A_246, %scan3A_247 : i32
      %scan3A_249 = arith.constant 1 : i32
      %scan3A_250:8 = scf.for %scan3A_1581 = %scan3A_246 to %scan3A_248 step %scan3A_249 iter_args(%scan3A_1582 = %broadcast_in_dim3A_231, %scan3A_1583 = %broadcast_in_dim3A_233, %scan3A_1584 = %broadcast_in_dim3A_235, %scan3A_1585 = %broadcast_in_dim3A_237, %scan3A_1586 = %broadcast_in_dim3A_239, %scan3A_1587 = %broadcast_in_dim3A_241, %scan3A_1588 = %broadcast_in_dim3A_243, %scan3A_1589 = %broadcast_in_dim3A_245) -> (vector<16xf32>, vector<16xf32>, vector<16xf32>, vector<16xf32>, vector<16xf32>, vector<16xf32>, vector<16xf32>, vector<16xf32>)  : i32 {
        %add3A_1590 = arith.constant 100 : i32
        %add3A_1591 = arith.addi %add3A_1590, %scan3A_1581 : i32
        %get3A = arith.index_cast %add3A_1591 : i32 to index
        %get3A_1592 = arith.constant 0 : index
        %get3A_1593 = tpu.vector_load %arg6[%get3A, %get3A_1592] {strides = array<i32>} : memref<400x128xf32, #tpu.memory_space<vmem>>, vector<1x16xf32>,
        %get3A_1594 = vector.shape_cast %get3A_1593 : vector<1x16xf32> to vector<16xf32>
        %add3A_1595 = arith.addf %scan3A_1582, %get3A_1594 : vector<16xf32>
        %add3A_1596 = arith.constant 100 : i32
        %add3A_1597 = arith.addi %add3A_1596, %scan3A_1581 : i32
        %get3A_1598 = arith.index_cast %add3A_1597 : i32 to index
        %get3A_1599 = arith.constant 16 : index
        %get3A_1600 = tpu.vector_load %arg6[%get3A_1598, %get3A_1599] {strides = array<i32>} : memref<400x128xf32, #tpu.memory_space<vmem>>, vector<1x16xf32>,
        %get3A_1601 = vector.shape_cast %get3A_1600 : vector<1x16xf32> to vector<16xf32>
        %add3A_1602 = arith.addf %scan3A_1583, %get3A_1601 : vector<16xf32>
        %add3A_1603 = arith.constant 100 : i32
        %add3A_1604 = arith.addi %add3A_1603, %scan3A_1581 : i32
        %get3A_1605 = arith.index_cast %add3A_1604 : i32 to index
        %get3A_1606 = arith.constant 32 : index
        %get3A_1607 = tpu.vector_load %arg6[%get3A_1605, %get3A_1606] {strides = array<i32>} : memref<400x128xf32, #tpu.memory_space<vmem>>, vector<1x16xf32>,
        %get3A_1608 = vector.shape_cast %get3A_1607 : vector<1x16xf32> to vector<16xf32>
        %add3A_1609 = arith.addf %scan3A_1584, %get3A_1608 : vector<16xf32>
        %add3A_1610 = arith.constant 100 : i32
        %add3A_1611 = arith.addi %add3A_1610, %scan3A_1581 : i32
        %get3A_1612 = arith.index_cast %add3A_1611 : i32 to index
        %get3A_1613 = arith.constant 48 : index
        %get3A_1614 = tpu.vector_load %arg6[%get3A_1612, %get3A_1613] {strides = array<i32>} : memref<400x128xf32, #tpu.memory_space<vmem>>, vector<1x16xf32>,
        %get3A_1615 = vector.shape_cast %get3A_1614 : vector<1x16xf32> to vector<16xf32>
        %add3A_1616 = arith.addf %scan3A_1585, %get3A_1615 : vector<16xf32>
        %add3A_1617 = arith.constant 100 : i32
        %add3A_1618 = arith.addi %add3A_1617, %scan3A_1581 : i32
        %get3A_1619 = arith.index_cast %add3A_1618 : i32 to index
        %get3A_1620 = arith.constant 64 : index
        %get3A_1621 = tpu.vector_load %arg6[%get3A_1619, %get3A_1620] {strides = array<i32>} : memref<400x128xf32, #tpu.memory_space<vmem>>, vector<1x16xf32>,
        %get3A_1622 = vector.shape_cast %get3A_1621 : vector<1x16xf32> to vector<16xf32>
        %add3A_1623 = arith.addf %scan3A_1586, %get3A_1622 : vector<16xf32>
        %add3A_1624 = arith.constant 100 : i32
        %add3A_1625 = arith.addi %add3A_1624, %scan3A_1581 : i32
        %get3A_1626 = arith.index_cast %add3A_1625 : i32 to index
        %get3A_1627 = arith.constant 80 : index
        %get3A_1628 = tpu.vector_load %arg6[%get3A_1626, %get3A_1627] {strides = array<i32>} : memref<400x128xf32, #tpu.memory_space<vmem>>, vector<1x16xf32>,
        %get3A_1629 = vector.shape_cast %get3A_1628 : vector<1x16xf32> to vector<16xf32>
        %add3A_1630 = arith.addf %scan3A_1587, %get3A_1629 : vector<16xf32>
        %add3A_1631 = arith.constant 100 : i32
        %add3A_1632 = arith.addi %add3A_1631, %scan3A_1581 : i32
        %get3A_1633 = arith.index_cast %add3A_1632 : i32 to index
        %get3A_1634 = arith.constant 96 : index
        %get3A_1635 = tpu.vector_load %arg6[%get3A_1633, %get3A_1634] {strides = array<i32>} : memref<400x128xf32, #tpu.memory_space<vmem>>, vector<1x16xf32>,
        %get3A_1636 = vector.shape_cast %get3A_1635 : vector<1x16xf32> to vector<16xf32>
        %add3A_1637 = arith.addf %scan3A_1588, %get3A_1636 : vector<16xf32>
        %add3A_1638 = arith.constant 100 : i32
        %add3A_1639 = arith.addi %add3A_1638, %scan3A_1581 : i32
        %get3A_1640 = arith.index_cast %add3A_1639 : i32 to index
        %get3A_1641 = arith.constant 112 : index
        %get3A_1642 = tpu.vector_load %arg6[%get3A_1640, %get3A_1641] {strides = array<i32>} : memref<400x128xf32, #tpu.memory_space<vmem>>, vector<1x16xf32>,
        %get3A_1643 = vector.shape_cast %get3A_1642 : vector<1x16xf32> to vector<16xf32>
        %add3A_1644 = arith.addf %scan3A_1589, %get3A_1643 : vector<16xf32>
        scf.yield %add3A_1595, %add3A_1602, %add3A_1609, %add3A_1616, %add3A_1623, %add3A_1630, %add3A_1637, %add3A_1644 : vector<16xf32>, vector<16xf32>, vector<16xf32>, vector<16xf32>, vector<16xf32>, vector<16xf32>, vector<16xf32>, vector<16xf32>
      }
      %scan3A_251 = arith.constant 50 : i32
      %mul3A_252 = arith.constant 2.000000e-02 : f32
      %mul3A_253 = vector.broadcast %mul3A_252 : f32 to vector<16xf32>
      %mul3A_254 = arith.mulf %scan3A_250#0, %mul3A_253 : vector<16xf32>
      %swap3A_255 = arith.constant 2 : i32
      %swap3A_256 = arith.index_cast %swap3A_255 : i32 to index
      %swap3A_257 = arith.constant 0 : index
      %swap3A_258 = tpu.vector_load %arg8[%swap3A_256, %swap3A_257] {strides = array<i32>} : memref<8x128xf32, #tpu.memory_space<vmem>>, vector<1x16xf32>,
      %swap3A_259 = vector.shape_cast %swap3A_258 : vector<1x16xf32> to vector<16xf32>
      %swap3A_260 = vector.shape_cast %mul3A_254 : vector<16xf32> to vector<1x16xf32>
      tpu.vector_store %arg8[%swap3A_256, %swap3A_257], %swap3A_260 {strides = array<i32>} : memref<8x128xf32, #tpu.memory_space<vmem>>, vector<1x16xf32>,
      %mul3A_261 = arith.constant 2.000000e-02 : f32
      %mul3A_262 = vector.broadcast %mul3A_261 : f32 to vector<16xf32>
      %mul3A_263 = arith.mulf %scan3A_250#1, %mul3A_262 : vector<16xf32>
      %swap3A_264 = arith.constant 2 : i32
      %swap3A_265 = arith.index_cast %swap3A_264 : i32 to index
      %swap3A_266 = arith.constant 16 : index
      %swap3A_267 = tpu.vector_load %arg8[%swap3A_265, %swap3A_266] {strides = array<i32>} : memref<8x128xf32, #tpu.memory_space<vmem>>, vector<1x16xf32>,
      %swap3A_268 = vector.shape_cast %swap3A_267 : vector<1x16xf32> to vector<16xf32>
      %swap3A_269 = vector.shape_cast %mul3A_263 : vector<16xf32> to vector<1x16xf32>
      tpu.vector_store %arg8[%swap3A_265, %swap3A_266], %swap3A_269 {strides = array<i32>} : memref<8x128xf32, #tpu.memory_space<vmem>>, vector<1x16xf32>,
      %mul3A_270 = arith.constant 2.000000e-02 : f32
      %mul3A_271 = vector.broadcast %mul3A_270 : f32 to vector<16xf32>
      %mul3A_272 = arith.mulf %scan3A_250#2, %mul3A_271 : vector<16xf32>
      %swap3A_273 = arith.constant 2 : i32
      %swap3A_274 = arith.index_cast %swap3A_273 : i32 to index
      %swap3A_275 = arith.constant 32 : index
      %swap3A_276 = tpu.vector_load %arg8[%swap3A_274, %swap3A_275] {strides = array<i32>} : memref<8x128xf32, #tpu.memory_space<vmem>>, vector<1x16xf32>,
      %swap3A_277 = vector.shape_cast %swap3A_276 : vector<1x16xf32> to vector<16xf32>
      %swap3A_278 = vector.shape_cast %mul3A_272 : vector<16xf32> to vector<1x16xf32>
      tpu.vector_store %arg8[%swap3A_274, %swap3A_275], %swap3A_278 {strides = array<i32>} : memref<8x128xf32, #tpu.memory_space<vmem>>, vector<1x16xf32>,
      %mul3A_279 = arith.constant 2.000000e-02 : f32
      %mul3A_280 = vector.broadcast %mul3A_279 : f32 to vector<16xf32>
      %mul3A_281 = arith.mulf %scan3A_250#3, %mul3A_280 : vector<16xf32>
      %swap3A_282 = arith.constant 2 : i32
      %swap3A_283 = arith.index_cast %swap3A_282 : i32 to index
      %swap3A_284 = arith.constant 48 : index
      %swap3A_285 = tpu.vector_load %arg8[%swap3A_283, %swap3A_284] {strides = array<i32>} : memref<8x128xf32, #tpu.memory_space<vmem>>, vector<1x16xf32>,
      %swap3A_286 = vector.shape_cast %swap3A_285 : vector<1x16xf32> to vector<16xf32>
      %swap3A_287 = vector.shape_cast %mul3A_281 : vector<16xf32> to vector<1x16xf32>
      tpu.vector_store %arg8[%swap3A_283, %swap3A_284], %swap3A_287 {strides = array<i32>} : memref<8x128xf32, #tpu.memory_space<vmem>>, vector<1x16xf32>,
      %mul3A_288 = arith.constant 2.000000e-02 : f32
      %mul3A_289 = vector.broadcast %mul3A_288 : f32 to vector<16xf32>
      %mul3A_290 = arith.mulf %scan3A_250#4, %mul3A_289 : vector<16xf32>
      %swap3A_291 = arith.constant 2 : i32
      %swap3A_292 = arith.index_cast %swap3A_291 : i32 to index
      %swap3A_293 = arith.constant 64 : index
      %swap3A_294 = tpu.vector_load %arg8[%swap3A_292, %swap3A_293] {strides = array<i32>} : memref<8x128xf32, #tpu.memory_space<vmem>>, vector<1x16xf32>,
      %swap3A_295 = vector.shape_cast %swap3A_294 : vector<1x16xf32> to vector<16xf32>
      %swap3A_296 = vector.shape_cast %mul3A_290 : vector<16xf32> to vector<1x16xf32>
      tpu.vector_store %arg8[%swap3A_292, %swap3A_293], %swap3A_296 {strides = array<i32>} : memref<8x128xf32, #tpu.memory_space<vmem>>, vector<1x16xf32>,
      %mul3A_297 = arith.constant 2.000000e-02 : f32
      %mul3A_298 = vector.broadcast %mul3A_297 : f32 to vector<16xf32>
      %mul3A_299 = arith.mulf %scan3A_250#5, %mul3A_298 : vector<16xf32>
      %swap3A_300 = arith.constant 2 : i32
      %swap3A_301 = arith.index_cast %swap3A_300 : i32 to index
      %swap3A_302 = arith.constant 80 : index
      %swap3A_303 = tpu.vector_load %arg8[%swap3A_301, %swap3A_302] {strides = array<i32>} : memref<8x128xf32, #tpu.memory_space<vmem>>, vector<1x16xf32>,
      %swap3A_304 = vector.shape_cast %swap3A_303 : vector<1x16xf32> to vector<16xf32>
      %swap3A_305 = vector.shape_cast %mul3A_299 : vector<16xf32> to vector<1x16xf32>
      tpu.vector_store %arg8[%swap3A_301, %swap3A_302], %swap3A_305 {strides = array<i32>} : memref<8x128xf32, #tpu.memory_space<vmem>>, vector<1x16xf32>,
      %mul3A_306 = arith.constant 2.000000e-02 : f32
      %mul3A_307 = vector.broadcast %mul3A_306 : f32 to vector<16xf32>
      %mul3A_308 = arith.mulf %scan3A_250#6, %mul3A_307 : vector<16xf32>
      %swap3A_309 = arith.constant 2 : i32
      %swap3A_310 = arith.index_cast %swap3A_309 : i32 to index
      %swap3A_311 = arith.constant 96 : index
      %swap3A_312 = tpu.vector_load %arg8[%swap3A_310, %swap3A_311] {strides = array<i32>} : memref<8x128xf32, #tpu.memory_space<vmem>>, vector<1x16xf32>,
      %swap3A_313 = vector.shape_cast %swap3A_312 : vector<1x16xf32> to vector<16xf32>
      %swap3A_314 = vector.shape_cast %mul3A_308 : vector<16xf32> to vector<1x16xf32>
      tpu.vector_store %arg8[%swap3A_310, %swap3A_311], %swap3A_314 {strides = array<i32>} : memref<8x128xf32, #tpu.memory_space<vmem>>, vector<1x16xf32>,
      %mul3A_315 = arith.constant 2.000000e-02 : f32
      %mul3A_316 = vector.broadcast %mul3A_315 : f32 to vector<16xf32>
      %mul3A_317 = arith.mulf %scan3A_250#7, %mul3A_316 : vector<16xf32>
      %swap3A_318 = arith.constant 2 : i32
      %swap3A_319 = arith.index_cast %swap3A_318 : i32 to index
      %swap3A_320 = arith.constant 112 : index
      %swap3A_321 = tpu.vector_load %arg8[%swap3A_319, %swap3A_320] {strides = array<i32>} : memref<8x128xf32, #tpu.memory_space<vmem>>, vector<1x16xf32>,
      %swap3A_322 = vector.shape_cast %swap3A_321 : vector<1x16xf32> to vector<16xf32>
      %swap3A_323 = vector.shape_cast %mul3A_317 : vector<16xf32> to vector<1x16xf32>
      tpu.vector_store %arg8[%swap3A_319, %swap3A_320], %swap3A_323 {strides = array<i32>} : memref<8x128xf32, #tpu.memory_space<vmem>>, vector<1x16xf32>,
      %broadcast_in_dim3A_324 = arith.constant 0.000000e+00 : f32
      %broadcast_in_dim3A_325 = vector.broadcast %broadcast_in_dim3A_324 : f32 to vector<16xf32>
      %broadcast_in_dim3A_326 = arith.constant 0.000000e+00 : f32
      %broadcast_in_dim3A_327 = vector.broadcast %broadcast_in_dim3A_326 : f32 to vector<16xf32>
      %broadcast_in_dim3A_328 = arith.constant 0.000000e+00 : f32
      %broadcast_in_dim3A_329 = vector.broadcast %broadcast_in_dim3A_328 : f32 to vector<16xf32>
      %broadcast_in_dim3A_330 = arith.constant 0.000000e+00 : f32
      %broadcast_in_dim3A_331 = vector.broadcast %broadcast_in_dim3A_330 : f32 to vector<16xf32>
      %broadcast_in_dim3A_332 = arith.constant 0.000000e+00 : f32
      %broadcast_in_dim3A_333 = vector.broadcast %broadcast_in_dim3A_332 : f32 to vector<16xf32>
      %broadcast_in_dim3A_334 = arith.constant 0.000000e+00 : f32
      %broadcast_in_dim3A_335 = vector.broadcast %broadcast_in_dim3A_334 : f32 to vector<16xf32>
      %broadcast_in_dim3A_336 = arith.constant 0.000000e+00 : f32
      %broadcast_in_dim3A_337 = vector.broadcast %broadcast_in_dim3A_336 : f32 to vector<16xf32>
      %broadcast_in_dim3A_338 = arith.constant 0.000000e+00 : f32
      %broadcast_in_dim3A_339 = vector.broadcast %broadcast_in_dim3A_338 : f32 to vector<16xf32>
      %scan3A_340 = arith.constant 0 : i32
      %scan3A_341 = arith.constant 50 : i32
      %scan3A_342 = arith.addi %scan3A_340, %scan3A_341 : i32
      %scan3A_343 = arith.constant 1 : i32
      %scan3A_344:8 = scf.for %scan3A_1581 = %scan3A_340 to %scan3A_342 step %scan3A_343 iter_args(%scan3A_1582 = %broadcast_in_dim3A_325, %scan3A_1583 = %broadcast_in_dim3A_327, %scan3A_1584 = %broadcast_in_dim3A_329, %scan3A_1585 = %broadcast_in_dim3A_331, %scan3A_1586 = %broadcast_in_dim3A_333, %scan3A_1587 = %broadcast_in_dim3A_335, %scan3A_1588 = %broadcast_in_dim3A_337, %scan3A_1589 = %broadcast_in_dim3A_339) -> (vector<16xf32>, vector<16xf32>, vector<16xf32>, vector<16xf32>, vector<16xf32>, vector<16xf32>, vector<16xf32>, vector<16xf32>)  : i32 {
        %add3A_1590 = arith.constant 150 : i32
        %add3A_1591 = arith.addi %add3A_1590, %scan3A_1581 : i32
        %get3A = arith.index_cast %add3A_1591 : i32 to index
        %get3A_1592 = arith.constant 0 : index
        %get3A_1593 = tpu.vector_load %arg6[%get3A, %get3A_1592] {strides = array<i32>} : memref<400x128xf32, #tpu.memory_space<vmem>>, vector<1x16xf32>,
        %get3A_1594 = vector.shape_cast %get3A_1593 : vector<1x16xf32> to vector<16xf32>
        %add3A_1595 = arith.addf %scan3A_1582, %get3A_1594 : vector<16xf32>
        %add3A_1596 = arith.constant 150 : i32
        %add3A_1597 = arith.addi %add3A_1596, %scan3A_1581 : i32
        %get3A_1598 = arith.index_cast %add3A_1597 : i32 to index
        %get3A_1599 = arith.constant 16 : index
        %get3A_1600 = tpu.vector_load %arg6[%get3A_1598, %get3A_1599] {strides = array<i32>} : memref<400x128xf32, #tpu.memory_space<vmem>>, vector<1x16xf32>,
        %get3A_1601 = vector.shape_cast %get3A_1600 : vector<1x16xf32> to vector<16xf32>
        %add3A_1602 = arith.addf %scan3A_1583, %get3A_1601 : vector<16xf32>
        %add3A_1603 = arith.constant 150 : i32
        %add3A_1604 = arith.addi %add3A_1603, %scan3A_1581 : i32
        %get3A_1605 = arith.index_cast %add3A_1604 : i32 to index
        %get3A_1606 = arith.constant 32 : index
        %get3A_1607 = tpu.vector_load %arg6[%get3A_1605, %get3A_1606] {strides = array<i32>} : memref<400x128xf32, #tpu.memory_space<vmem>>, vector<1x16xf32>,
        %get3A_1608 = vector.shape_cast %get3A_1607 : vector<1x16xf32> to vector<16xf32>
        %add3A_1609 = arith.addf %scan3A_1584, %get3A_1608 : vector<16xf32>
        %add3A_1610 = arith.constant 150 : i32
        %add3A_1611 = arith.addi %add3A_1610, %scan3A_1581 : i32
        %get3A_1612 = arith.index_cast %add3A_1611 : i32 to index
        %get3A_1613 = arith.constant 48 : index
        %get3A_1614 = tpu.vector_load %arg6[%get3A_1612, %get3A_1613] {strides = array<i32>} : memref<400x128xf32, #tpu.memory_space<vmem>>, vector<1x16xf32>,
        %get3A_1615 = vector.shape_cast %get3A_1614 : vector<1x16xf32> to vector<16xf32>
        %add3A_1616 = arith.addf %scan3A_1585, %get3A_1615 : vector<16xf32>
        %add3A_1617 = arith.constant 150 : i32
        %add3A_1618 = arith.addi %add3A_1617, %scan3A_1581 : i32
        %get3A_1619 = arith.index_cast %add3A_1618 : i32 to index
        %get3A_1620 = arith.constant 64 : index
        %get3A_1621 = tpu.vector_load %arg6[%get3A_1619, %get3A_1620] {strides = array<i32>} : memref<400x128xf32, #tpu.memory_space<vmem>>, vector<1x16xf32>,
        %get3A_1622 = vector.shape_cast %get3A_1621 : vector<1x16xf32> to vector<16xf32>
        %add3A_1623 = arith.addf %scan3A_1586, %get3A_1622 : vector<16xf32>
        %add3A_1624 = arith.constant 150 : i32
        %add3A_1625 = arith.addi %add3A_1624, %scan3A_1581 : i32
        %get3A_1626 = arith.index_cast %add3A_1625 : i32 to index
        %get3A_1627 = arith.constant 80 : index
        %get3A_1628 = tpu.vector_load %arg6[%get3A_1626, %get3A_1627] {strides = array<i32>} : memref<400x128xf32, #tpu.memory_space<vmem>>, vector<1x16xf32>,
        %get3A_1629 = vector.shape_cast %get3A_1628 : vector<1x16xf32> to vector<16xf32>
        %add3A_1630 = arith.addf %scan3A_1587, %get3A_1629 : vector<16xf32>
        %add3A_1631 = arith.constant 150 : i32
        %add3A_1632 = arith.addi %add3A_1631, %scan3A_1581 : i32
        %get3A_1633 = arith.index_cast %add3A_1632 : i32 to index
        %get3A_1634 = arith.constant 96 : index
        %get3A_1635 = tpu.vector_load %arg6[%get3A_1633, %get3A_1634] {strides = array<i32>} : memref<400x128xf32, #tpu.memory_space<vmem>>, vector<1x16xf32>,
        %get3A_1636 = vector.shape_cast %get3A_1635 : vector<1x16xf32> to vector<16xf32>
        %add3A_1637 = arith.addf %scan3A_1588, %get3A_1636 : vector<16xf32>
        %add3A_1638 = arith.constant 150 : i32
        %add3A_1639 = arith.addi %add3A_1638, %scan3A_1581 : i32
        %get3A_1640 = arith.index_cast %add3A_1639 : i32 to index
        %get3A_1641 = arith.constant 112 : index
        %get3A_1642 = tpu.vector_load %arg6[%get3A_1640, %get3A_1641] {strides = array<i32>} : memref<400x128xf32, #tpu.memory_space<vmem>>, vector<1x16xf32>,
        %get3A_1643 = vector.shape_cast %get3A_1642 : vector<1x16xf32> to vector<16xf32>
        %add3A_1644 = arith.addf %scan3A_1589, %get3A_1643 : vector<16xf32>
        scf.yield %add3A_1595, %add3A_1602, %add3A_1609, %add3A_1616, %add3A_1623, %add3A_1630, %add3A_1637, %add3A_1644 : vector<16xf32>, vector<16xf32>, vector<16xf32>, vector<16xf32>, vector<16xf32>, vector<16xf32>, vector<16xf32>, vector<16xf32>
      }
      %scan3A_345 = arith.constant 50 : i32
      %mul3A_346 = arith.constant 2.000000e-02 : f32
      %mul3A_347 = vector.broadcast %mul3A_346 : f32 to vector<16xf32>
      %mul3A_348 = arith.mulf %scan3A_344#0, %mul3A_347 : vector<16xf32>
      %swap3A_349 = arith.constant 3 : i32
      %swap3A_350 = arith.index_cast %swap3A_349 : i32 to index
      %swap3A_351 = arith.constant 0 : index
      %swap3A_352 = tpu.vector_load %arg8[%swap3A_350, %swap3A_351] {strides = array<i32>} : memref<8x128xf32, #tpu.memory_space<vmem>>, vector<1x16xf32>,
      %swap3A_353 = vector.shape_cast %swap3A_352 : vector<1x16xf32> to vector<16xf32>
      %swap3A_354 = vector.shape_cast %mul3A_348 : vector<16xf32> to vector<1x16xf32>
      tpu.vector_store %arg8[%swap3A_350, %swap3A_351], %swap3A_354 {strides = array<i32>} : memref<8x128xf32, #tpu.memory_space<vmem>>, vector<1x16xf32>,
      %mul3A_355 = arith.constant 2.000000e-02 : f32
      %mul3A_356 = vector.broadcast %mul3A_355 : f32 to vector<16xf32>
      %mul3A_357 = arith.mulf %scan3A_344#1, %mul3A_356 : vector<16xf32>
      %swap3A_358 = arith.constant 3 : i32
      %swap3A_359 = arith.index_cast %swap3A_358 : i32 to index
      %swap3A_360 = arith.constant 16 : index
      %swap3A_361 = tpu.vector_load %arg8[%swap3A_359, %swap3A_360] {strides = array<i32>} : memref<8x128xf32, #tpu.memory_space<vmem>>, vector<1x16xf32>,
      %swap3A_362 = vector.shape_cast %swap3A_361 : vector<1x16xf32> to vector<16xf32>
      %swap3A_363 = vector.shape_cast %mul3A_357 : vector<16xf32> to vector<1x16xf32>
      tpu.vector_store %arg8[%swap3A_359, %swap3A_360], %swap3A_363 {strides = array<i32>} : memref<8x128xf32, #tpu.memory_space<vmem>>, vector<1x16xf32>,
      %mul3A_364 = arith.constant 2.000000e-02 : f32
      %mul3A_365 = vector.broadcast %mul3A_364 : f32 to vector<16xf32>
      %mul3A_366 = arith.mulf %scan3A_344#2, %mul3A_365 : vector<16xf32>
      %swap3A_367 = arith.constant 3 : i32
      %swap3A_368 = arith.index_cast %swap3A_367 : i32 to index
      %swap3A_369 = arith.constant 32 : index
      %swap3A_370 = tpu.vector_load %arg8[%swap3A_368, %swap3A_369] {strides = array<i32>} : memref<8x128xf32, #tpu.memory_space<vmem>>, vector<1x16xf32>,
      %swap3A_371 = vector.shape_cast %swap3A_370 : vector<1x16xf32> to vector<16xf32>
      %swap3A_372 = vector.shape_cast %mul3A_366 : vector<16xf32> to vector<1x16xf32>
      tpu.vector_store %arg8[%swap3A_368, %swap3A_369], %swap3A_372 {strides = array<i32>} : memref<8x128xf32, #tpu.memory_space<vmem>>, vector<1x16xf32>,
      %mul3A_373 = arith.constant 2.000000e-02 : f32
      %mul3A_374 = vector.broadcast %mul3A_373 : f32 to vector<16xf32>
      %mul3A_375 = arith.mulf %scan3A_344#3, %mul3A_374 : vector<16xf32>
      %swap3A_376 = arith.constant 3 : i32
      %swap3A_377 = arith.index_cast %swap3A_376 : i32 to index
      %swap3A_378 = arith.constant 48 : index
      %swap3A_379 = tpu.vector_load %arg8[%swap3A_377, %swap3A_378] {strides = array<i32>} : memref<8x128xf32, #tpu.memory_space<vmem>>, vector<1x16xf32>,
      %swap3A_380 = vector.shape_cast %swap3A_379 : vector<1x16xf32> to vector<16xf32>
      %swap3A_381 = vector.shape_cast %mul3A_375 : vector<16xf32> to vector<1x16xf32>
      tpu.vector_store %arg8[%swap3A_377, %swap3A_378], %swap3A_381 {strides = array<i32>} : memref<8x128xf32, #tpu.memory_space<vmem>>, vector<1x16xf32>,
      %mul3A_382 = arith.constant 2.000000e-02 : f32
      %mul3A_383 = vector.broadcast %mul3A_382 : f32 to vector<16xf32>
      %mul3A_384 = arith.mulf %scan3A_344#4, %mul3A_383 : vector<16xf32>
      %swap3A_385 = arith.constant 3 : i32
      %swap3A_386 = arith.index_cast %swap3A_385 : i32 to index
      %swap3A_387 = arith.constant 64 : index
      %swap3A_388 = tpu.vector_load %arg8[%swap3A_386, %swap3A_387] {strides = array<i32>} : memref<8x128xf32, #tpu.memory_space<vmem>>, vector<1x16xf32>,
      %swap3A_389 = vector.shape_cast %swap3A_388 : vector<1x16xf32> to vector<16xf32>
      %swap3A_390 = vector.shape_cast %mul3A_384 : vector<16xf32> to vector<1x16xf32>
      tpu.vector_store %arg8[%swap3A_386, %swap3A_387], %swap3A_390 {strides = array<i32>} : memref<8x128xf32, #tpu.memory_space<vmem>>, vector<1x16xf32>,
      %mul3A_391 = arith.constant 2.000000e-02 : f32
      %mul3A_392 = vector.broadcast %mul3A_391 : f32 to vector<16xf32>
      %mul3A_393 = arith.mulf %scan3A_344#5, %mul3A_392 : vector<16xf32>
      %swap3A_394 = arith.constant 3 : i32
      %swap3A_395 = arith.index_cast %swap3A_394 : i32 to index
      %swap3A_396 = arith.constant 80 : index
      %swap3A_397 = tpu.vector_load %arg8[%swap3A_395, %swap3A_396] {strides = array<i32>} : memref<8x128xf32, #tpu.memory_space<vmem>>, vector<1x16xf32>,
      %swap3A_398 = vector.shape_cast %swap3A_397 : vector<1x16xf32> to vector<16xf32>
      %swap3A_399 = vector.shape_cast %mul3A_393 : vector<16xf32> to vector<1x16xf32>
      tpu.vector_store %arg8[%swap3A_395, %swap3A_396], %swap3A_399 {strides = array<i32>} : memref<8x128xf32, #tpu.memory_space<vmem>>, vector<1x16xf32>,
      %mul3A_400 = arith.constant 2.000000e-02 : f32
      %mul3A_401 = vector.broadcast %mul3A_400 : f32 to vector<16xf32>
      %mul3A_402 = arith.mulf %scan3A_344#6, %mul3A_401 : vector<16xf32>
      %swap3A_403 = arith.constant 3 : i32
      %swap3A_404 = arith.index_cast %swap3A_403 : i32 to index
      %swap3A_405 = arith.constant 96 : index
      %swap3A_406 = tpu.vector_load %arg8[%swap3A_404, %swap3A_405] {strides = array<i32>} : memref<8x128xf32, #tpu.memory_space<vmem>>, vector<1x16xf32>,
      %swap3A_407 = vector.shape_cast %swap3A_406 : vector<1x16xf32> to vector<16xf32>
      %swap3A_408 = vector.shape_cast %mul3A_402 : vector<16xf32> to vector<1x16xf32>
      tpu.vector_store %arg8[%swap3A_404, %swap3A_405], %swap3A_408 {strides = array<i32>} : memref<8x128xf32, #tpu.memory_space<vmem>>, vector<1x16xf32>,
      %mul3A_409 = arith.constant 2.000000e-02 : f32
      %mul3A_410 = vector.broadcast %mul3A_409 : f32 to vector<16xf32>
      %mul3A_411 = arith.mulf %scan3A_344#7, %mul3A_410 : vector<16xf32>
      %swap3A_412 = arith.constant 3 : i32
      %swap3A_413 = arith.index_cast %swap3A_412 : i32 to index
      %swap3A_414 = arith.constant 112 : index
      %swap3A_415 = tpu.vector_load %arg8[%swap3A_413, %swap3A_414] {strides = array<i32>} : memref<8x128xf32, #tpu.memory_space<vmem>>, vector<1x16xf32>,
      %swap3A_416 = vector.shape_cast %swap3A_415 : vector<1x16xf32> to vector<16xf32>
      %swap3A_417 = vector.shape_cast %mul3A_411 : vector<16xf32> to vector<1x16xf32>
      tpu.vector_store %arg8[%swap3A_413, %swap3A_414], %swap3A_417 {strides = array<i32>} : memref<8x128xf32, #tpu.memory_space<vmem>>, vector<1x16xf32>,
      %broadcast_in_dim3A_418 = arith.constant 0.000000e+00 : f32
      %broadcast_in_dim3A_419 = vector.broadcast %broadcast_in_dim3A_418 : f32 to vector<16xf32>
      %broadcast_in_dim3A_420 = arith.constant 0.000000e+00 : f32
      %broadcast_in_dim3A_421 = vector.broadcast %broadcast_in_dim3A_420 : f32 to vector<16xf32>
      %broadcast_in_dim3A_422 = arith.constant 0.000000e+00 : f32
      %broadcast_in_dim3A_423 = vector.broadcast %broadcast_in_dim3A_422 : f32 to vector<16xf32>
      %broadcast_in_dim3A_424 = arith.constant 0.000000e+00 : f32
      %broadcast_in_dim3A_425 = vector.broadcast %broadcast_in_dim3A_424 : f32 to vector<16xf32>
      %broadcast_in_dim3A_426 = arith.constant 0.000000e+00 : f32
      %broadcast_in_dim3A_427 = vector.broadcast %broadcast_in_dim3A_426 : f32 to vector<16xf32>
      %broadcast_in_dim3A_428 = arith.constant 0.000000e+00 : f32
      %broadcast_in_dim3A_429 = vector.broadcast %broadcast_in_dim3A_428 : f32 to vector<16xf32>
      %broadcast_in_dim3A_430 = arith.constant 0.000000e+00 : f32
      %broadcast_in_dim3A_431 = vector.broadcast %broadcast_in_dim3A_430 : f32 to vector<16xf32>
      %broadcast_in_dim3A_432 = arith.constant 0.000000e+00 : f32
      %broadcast_in_dim3A_433 = vector.broadcast %broadcast_in_dim3A_432 : f32 to vector<16xf32>
      %scan3A_434 = arith.constant 0 : i32
      %scan3A_435 = arith.constant 50 : i32
      %scan3A_436 = arith.addi %scan3A_434, %scan3A_435 : i32
      %scan3A_437 = arith.constant 1 : i32
      %scan3A_438:8 = scf.for %scan3A_1581 = %scan3A_434 to %scan3A_436 step %scan3A_437 iter_args(%scan3A_1582 = %broadcast_in_dim3A_419, %scan3A_1583 = %broadcast_in_dim3A_421, %scan3A_1584 = %broadcast_in_dim3A_423, %scan3A_1585 = %broadcast_in_dim3A_425, %scan3A_1586 = %broadcast_in_dim3A_427, %scan3A_1587 = %broadcast_in_dim3A_429, %scan3A_1588 = %broadcast_in_dim3A_431, %scan3A_1589 = %broadcast_in_dim3A_433) -> (vector<16xf32>, vector<16xf32>, vector<16xf32>, vector<16xf32>, vector<16xf32>, vector<16xf32>, vector<16xf32>, vector<16xf32>)  : i32 {
        %add3A_1590 = arith.constant 200 : i32
        %add3A_1591 = arith.addi %add3A_1590, %scan3A_1581 : i32
        %get3A = arith.index_cast %add3A_1591 : i32 to index
        %get3A_1592 = arith.constant 0 : index
        %get3A_1593 = tpu.vector_load %arg6[%get3A, %get3A_1592] {strides = array<i32>} : memref<400x128xf32, #tpu.memory_space<vmem>>, vector<1x16xf32>,
        %get3A_1594 = vector.shape_cast %get3A_1593 : vector<1x16xf32> to vector<16xf32>
        %add3A_1595 = arith.addf %scan3A_1582, %get3A_1594 : vector<16xf32>
        %add3A_1596 = arith.constant 200 : i32
        %add3A_1597 = arith.addi %add3A_1596, %scan3A_1581 : i32
        %get3A_1598 = arith.index_cast %add3A_1597 : i32 to index
        %get3A_1599 = arith.constant 16 : index
        %get3A_1600 = tpu.vector_load %arg6[%get3A_1598, %get3A_1599] {strides = array<i32>} : memref<400x128xf32, #tpu.memory_space<vmem>>, vector<1x16xf32>,
        %get3A_1601 = vector.shape_cast %get3A_1600 : vector<1x16xf32> to vector<16xf32>
        %add3A_1602 = arith.addf %scan3A_1583, %get3A_1601 : vector<16xf32>
        %add3A_1603 = arith.constant 200 : i32
        %add3A_1604 = arith.addi %add3A_1603, %scan3A_1581 : i32
        %get3A_1605 = arith.index_cast %add3A_1604 : i32 to index
        %get3A_1606 = arith.constant 32 : index
        %get3A_1607 = tpu.vector_load %arg6[%get3A_1605, %get3A_1606] {strides = array<i32>} : memref<400x128xf32, #tpu.memory_space<vmem>>, vector<1x16xf32>,
        %get3A_1608 = vector.shape_cast %get3A_1607 : vector<1x16xf32> to vector<16xf32>
        %add3A_1609 = arith.addf %scan3A_1584, %get3A_1608 : vector<16xf32>
        %add3A_1610 = arith.constant 200 : i32
        %add3A_1611 = arith.addi %add3A_1610, %scan3A_1581 : i32
        %get3A_1612 = arith.index_cast %add3A_1611 : i32 to index
        %get3A_1613 = arith.constant 48 : index
        %get3A_1614 = tpu.vector_load %arg6[%get3A_1612, %get3A_1613] {strides = array<i32>} : memref<400x128xf32, #tpu.memory_space<vmem>>, vector<1x16xf32>,
        %get3A_1615 = vector.shape_cast %get3A_1614 : vector<1x16xf32> to vector<16xf32>
        %add3A_1616 = arith.addf %scan3A_1585, %get3A_1615 : vector<16xf32>
        %add3A_1617 = arith.constant 200 : i32
        %add3A_1618 = arith.addi %add3A_1617, %scan3A_1581 : i32
        %get3A_1619 = arith.index_cast %add3A_1618 : i32 to index
        %get3A_1620 = arith.constant 64 : index
        %get3A_1621 = tpu.vector_load %arg6[%get3A_1619, %get3A_1620] {strides = array<i32>} : memref<400x128xf32, #tpu.memory_space<vmem>>, vector<1x16xf32>,
        %get3A_1622 = vector.shape_cast %get3A_1621 : vector<1x16xf32> to vector<16xf32>
        %add3A_1623 = arith.addf %scan3A_1586, %get3A_1622 : vector<16xf32>
        %add3A_1624 = arith.constant 200 : i32
        %add3A_1625 = arith.addi %add3A_1624, %scan3A_1581 : i32
        %get3A_1626 = arith.index_cast %add3A_1625 : i32 to index
        %get3A_1627 = arith.constant 80 : index
        %get3A_1628 = tpu.vector_load %arg6[%get3A_1626, %get3A_1627] {strides = array<i32>} : memref<400x128xf32, #tpu.memory_space<vmem>>, vector<1x16xf32>,
        %get3A_1629 = vector.shape_cast %get3A_1628 : vector<1x16xf32> to vector<16xf32>
        %add3A_1630 = arith.addf %scan3A_1587, %get3A_1629 : vector<16xf32>
        %add3A_1631 = arith.constant 200 : i32
        %add3A_1632 = arith.addi %add3A_1631, %scan3A_1581 : i32
        %get3A_1633 = arith.index_cast %add3A_1632 : i32 to index
        %get3A_1634 = arith.constant 96 : index
        %get3A_1635 = tpu.vector_load %arg6[%get3A_1633, %get3A_1634] {strides = array<i32>} : memref<400x128xf32, #tpu.memory_space<vmem>>, vector<1x16xf32>,
        %get3A_1636 = vector.shape_cast %get3A_1635 : vector<1x16xf32> to vector<16xf32>
        %add3A_1637 = arith.addf %scan3A_1588, %get3A_1636 : vector<16xf32>
        %add3A_1638 = arith.constant 200 : i32
        %add3A_1639 = arith.addi %add3A_1638, %scan3A_1581 : i32
        %get3A_1640 = arith.index_cast %add3A_1639 : i32 to index
        %get3A_1641 = arith.constant 112 : index
        %get3A_1642 = tpu.vector_load %arg6[%get3A_1640, %get3A_1641] {strides = array<i32>} : memref<400x128xf32, #tpu.memory_space<vmem>>, vector<1x16xf32>,
        %get3A_1643 = vector.shape_cast %get3A_1642 : vector<1x16xf32> to vector<16xf32>
        %add3A_1644 = arith.addf %scan3A_1589, %get3A_1643 : vector<16xf32>
        scf.yield %add3A_1595, %add3A_1602, %add3A_1609, %add3A_1616, %add3A_1623, %add3A_1630, %add3A_1637, %add3A_1644 : vector<16xf32>, vector<16xf32>, vector<16xf32>, vector<16xf32>, vector<16xf32>, vector<16xf32>, vector<16xf32>, vector<16xf32>
      }
      %scan3A_439 = arith.constant 50 : i32
      %mul3A_440 = arith.constant 2.000000e-02 : f32
      %mul3A_441 = vector.broadcast %mul3A_440 : f32 to vector<16xf32>
      %mul3A_442 = arith.mulf %scan3A_438#0, %mul3A_441 : vector<16xf32>
      %swap3A_443 = arith.constant 4 : i32
      %swap3A_444 = arith.index_cast %swap3A_443 : i32 to index
      %swap3A_445 = arith.constant 0 : index
      %swap3A_446 = tpu.vector_load %arg8[%swap3A_444, %swap3A_445] {strides = array<i32>} : memref<8x128xf32, #tpu.memory_space<vmem>>, vector<1x16xf32>,
      %swap3A_447 = vector.shape_cast %swap3A_446 : vector<1x16xf32> to vector<16xf32>
      %swap3A_448 = vector.shape_cast %mul3A_442 : vector<16xf32> to vector<1x16xf32>
      tpu.vector_store %arg8[%swap3A_444, %swap3A_445], %swap3A_448 {strides = array<i32>} : memref<8x128xf32, #tpu.memory_space<vmem>>, vector<1x16xf32>,
      %mul3A_449 = arith.constant 2.000000e-02 : f32
      %mul3A_450 = vector.broadcast %mul3A_449 : f32 to vector<16xf32>
      %mul3A_451 = arith.mulf %scan3A_438#1, %mul3A_450 : vector<16xf32>
      %swap3A_452 = arith.constant 4 : i32
      %swap3A_453 = arith.index_cast %swap3A_452 : i32 to index
      %swap3A_454 = arith.constant 16 : index
      %swap3A_455 = tpu.vector_load %arg8[%swap3A_453, %swap3A_454] {strides = array<i32>} : memref<8x128xf32, #tpu.memory_space<vmem>>, vector<1x16xf32>,
      %swap3A_456 = vector.shape_cast %swap3A_455 : vector<1x16xf32> to vector<16xf32>
      %swap3A_457 = vector.shape_cast %mul3A_451 : vector<16xf32> to vector<1x16xf32>
      tpu.vector_store %arg8[%swap3A_453, %swap3A_454], %swap3A_457 {strides = array<i32>} : memref<8x128xf32, #tpu.memory_space<vmem>>, vector<1x16xf32>,
      %mul3A_458 = arith.constant 2.000000e-02 : f32
      %mul3A_459 = vector.broadcast %mul3A_458 : f32 to vector<16xf32>
      %mul3A_460 = arith.mulf %scan3A_438#2, %mul3A_459 : vector<16xf32>
      %swap3A_461 = arith.constant 4 : i32
      %swap3A_462 = arith.index_cast %swap3A_461 : i32 to index
      %swap3A_463 = arith.constant 32 : index
      %swap3A_464 = tpu.vector_load %arg8[%swap3A_462, %swap3A_463] {strides = array<i32>} : memref<8x128xf32, #tpu.memory_space<vmem>>, vector<1x16xf32>,
      %swap3A_465 = vector.shape_cast %swap3A_464 : vector<1x16xf32> to vector<16xf32>
      %swap3A_466 = vector.shape_cast %mul3A_460 : vector<16xf32> to vector<1x16xf32>
      tpu.vector_store %arg8[%swap3A_462, %swap3A_463], %swap3A_466 {strides = array<i32>} : memref<8x128xf32, #tpu.memory_space<vmem>>, vector<1x16xf32>,
      %mul3A_467 = arith.constant 2.000000e-02 : f32
      %mul3A_468 = vector.broadcast %mul3A_467 : f32 to vector<16xf32>
      %mul3A_469 = arith.mulf %scan3A_438#3, %mul3A_468 : vector<16xf32>
      %swap3A_470 = arith.constant 4 : i32
      %swap3A_471 = arith.index_cast %swap3A_470 : i32 to index
      %swap3A_472 = arith.constant 48 : index
      %swap3A_473 = tpu.vector_load %arg8[%swap3A_471, %swap3A_472] {strides = array<i32>} : memref<8x128xf32, #tpu.memory_space<vmem>>, vector<1x16xf32>,
      %swap3A_474 = vector.shape_cast %swap3A_473 : vector<1x16xf32> to vector<16xf32>
      %swap3A_475 = vector.shape_cast %mul3A_469 : vector<16xf32> to vector<1x16xf32>
      tpu.vector_store %arg8[%swap3A_471, %swap3A_472], %swap3A_475 {strides = array<i32>} : memref<8x128xf32, #tpu.memory_space<vmem>>, vector<1x16xf32>,
      %mul3A_476 = arith.constant 2.000000e-02 : f32
      %mul3A_477 = vector.broadcast %mul3A_476 : f32 to vector<16xf32>
      %mul3A_478 = arith.mulf %scan3A_438#4, %mul3A_477 : vector<16xf32>
      %swap3A_479 = arith.constant 4 : i32
      %swap3A_480 = arith.index_cast %swap3A_479 : i32 to index
      %swap3A_481 = arith.constant 64 : index
      %swap3A_482 = tpu.vector_load %arg8[%swap3A_480, %swap3A_481] {strides = array<i32>} : memref<8x128xf32, #tpu.memory_space<vmem>>, vector<1x16xf32>,
      %swap3A_483 = vector.shape_cast %swap3A_482 : vector<1x16xf32> to vector<16xf32>
      %swap3A_484 = vector.shape_cast %mul3A_478 : vector<16xf32> to vector<1x16xf32>
      tpu.vector_store %arg8[%swap3A_480, %swap3A_481], %swap3A_484 {strides = array<i32>} : memref<8x128xf32, #tpu.memory_space<vmem>>, vector<1x16xf32>,
      %mul3A_485 = arith.constant 2.000000e-02 : f32
      %mul3A_486 = vector.broadcast %mul3A_485 : f32 to vector<16xf32>
      %mul3A_487 = arith.mulf %scan3A_438#5, %mul3A_486 : vector<16xf32>
      %swap3A_488 = arith.constant 4 : i32
      %swap3A_489 = arith.index_cast %swap3A_488 : i32 to index
      %swap3A_490 = arith.constant 80 : index
      %swap3A_491 = tpu.vector_load %arg8[%swap3A_489, %swap3A_490] {strides = array<i32>} : memref<8x128xf32, #tpu.memory_space<vmem>>, vector<1x16xf32>,
      %swap3A_492 = vector.shape_cast %swap3A_491 : vector<1x16xf32> to vector<16xf32>
      %swap3A_493 = vector.shape_cast %mul3A_487 : vector<16xf32> to vector<1x16xf32>
      tpu.vector_store %arg8[%swap3A_489, %swap3A_490], %swap3A_493 {strides = array<i32>} : memref<8x128xf32, #tpu.memory_space<vmem>>, vector<1x16xf32>,
      %mul3A_494 = arith.constant 2.000000e-02 : f32
      %mul3A_495 = vector.broadcast %mul3A_494 : f32 to vector<16xf32>
      %mul3A_496 = arith.mulf %scan3A_438#6, %mul3A_495 : vector<16xf32>
      %swap3A_497 = arith.constant 4 : i32
      %swap3A_498 = arith.index_cast %swap3A_497 : i32 to index
      %swap3A_499 = arith.constant 96 : index
      %swap3A_500 = tpu.vector_load %arg8[%swap3A_498, %swap3A_499] {strides = array<i32>} : memref<8x128xf32, #tpu.memory_space<vmem>>, vector<1x16xf32>,
      %swap3A_501 = vector.shape_cast %swap3A_500 : vector<1x16xf32> to vector<16xf32>
      %swap3A_502 = vector.shape_cast %mul3A_496 : vector<16xf32> to vector<1x16xf32>
      tpu.vector_store %arg8[%swap3A_498, %swap3A_499], %swap3A_502 {strides = array<i32>} : memref<8x128xf32, #tpu.memory_space<vmem>>, vector<1x16xf32>,
      %mul3A_503 = arith.constant 2.000000e-02 : f32
      %mul3A_504 = vector.broadcast %mul3A_503 : f32 to vector<16xf32>
      %mul3A_505 = arith.mulf %scan3A_438#7, %mul3A_504 : vector<16xf32>
      %swap3A_506 = arith.constant 4 : i32
      %swap3A_507 = arith.index_cast %swap3A_506 : i32 to index
      %swap3A_508 = arith.constant 112 : index
      %swap3A_509 = tpu.vector_load %arg8[%swap3A_507, %swap3A_508] {strides = array<i32>} : memref<8x128xf32, #tpu.memory_space<vmem>>, vector<1x16xf32>,
      %swap3A_510 = vector.shape_cast %swap3A_509 : vector<1x16xf32> to vector<16xf32>
      %swap3A_511 = vector.shape_cast %mul3A_505 : vector<16xf32> to vector<1x16xf32>
      tpu.vector_store %arg8[%swap3A_507, %swap3A_508], %swap3A_511 {strides = array<i32>} : memref<8x128xf32, #tpu.memory_space<vmem>>, vector<1x16xf32>,
      %broadcast_in_dim3A_512 = arith.constant 0.000000e+00 : f32
      %broadcast_in_dim3A_513 = vector.broadcast %broadcast_in_dim3A_512 : f32 to vector<16xf32>
      %broadcast_in_dim3A_514 = arith.constant 0.000000e+00 : f32
      %broadcast_in_dim3A_515 = vector.broadcast %broadcast_in_dim3A_514 : f32 to vector<16xf32>
      %broadcast_in_dim3A_516 = arith.constant 0.000000e+00 : f32
      %broadcast_in_dim3A_517 = vector.broadcast %broadcast_in_dim3A_516 : f32 to vector<16xf32>
      %broadcast_in_dim3A_518 = arith.constant 0.000000e+00 : f32
      %broadcast_in_dim3A_519 = vector.broadcast %broadcast_in_dim3A_518 : f32 to vector<16xf32>
      %broadcast_in_dim3A_520 = arith.constant 0.000000e+00 : f32
      %broadcast_in_dim3A_521 = vector.broadcast %broadcast_in_dim3A_520 : f32 to vector<16xf32>
      %broadcast_in_dim3A_522 = arith.constant 0.000000e+00 : f32
      %broadcast_in_dim3A_523 = vector.broadcast %broadcast_in_dim3A_522 : f32 to vector<16xf32>
      %broadcast_in_dim3A_524 = arith.constant 0.000000e+00 : f32
      %broadcast_in_dim3A_525 = vector.broadcast %broadcast_in_dim3A_524 : f32 to vector<16xf32>
      %broadcast_in_dim3A_526 = arith.constant 0.000000e+00 : f32
      %broadcast_in_dim3A_527 = vector.broadcast %broadcast_in_dim3A_526 : f32 to vector<16xf32>
      %scan3A_528 = arith.constant 0 : i32
      %scan3A_529 = arith.constant 50 : i32
      %scan3A_530 = arith.addi %scan3A_528, %scan3A_529 : i32
      %scan3A_531 = arith.constant 1 : i32
      %scan3A_532:8 = scf.for %scan3A_1581 = %scan3A_528 to %scan3A_530 step %scan3A_531 iter_args(%scan3A_1582 = %broadcast_in_dim3A_513, %scan3A_1583 = %broadcast_in_dim3A_515, %scan3A_1584 = %broadcast_in_dim3A_517, %scan3A_1585 = %broadcast_in_dim3A_519, %scan3A_1586 = %broadcast_in_dim3A_521, %scan3A_1587 = %broadcast_in_dim3A_523, %scan3A_1588 = %broadcast_in_dim3A_525, %scan3A_1589 = %broadcast_in_dim3A_527) -> (vector<16xf32>, vector<16xf32>, vector<16xf32>, vector<16xf32>, vector<16xf32>, vector<16xf32>, vector<16xf32>, vector<16xf32>)  : i32 {
        %add3A_1590 = arith.constant 250 : i32
        %add3A_1591 = arith.addi %add3A_1590, %scan3A_1581 : i32
        %get3A = arith.index_cast %add3A_1591 : i32 to index
        %get3A_1592 = arith.constant 0 : index
        %get3A_1593 = tpu.vector_load %arg6[%get3A, %get3A_1592] {strides = array<i32>} : memref<400x128xf32, #tpu.memory_space<vmem>>, vector<1x16xf32>,
        %get3A_1594 = vector.shape_cast %get3A_1593 : vector<1x16xf32> to vector<16xf32>
        %add3A_1595 = arith.addf %scan3A_1582, %get3A_1594 : vector<16xf32>
        %add3A_1596 = arith.constant 250 : i32
        %add3A_1597 = arith.addi %add3A_1596, %scan3A_1581 : i32
        %get3A_1598 = arith.index_cast %add3A_1597 : i32 to index
        %get3A_1599 = arith.constant 16 : index
        %get3A_1600 = tpu.vector_load %arg6[%get3A_1598, %get3A_1599] {strides = array<i32>} : memref<400x128xf32, #tpu.memory_space<vmem>>, vector<1x16xf32>,
        %get3A_1601 = vector.shape_cast %get3A_1600 : vector<1x16xf32> to vector<16xf32>
        %add3A_1602 = arith.addf %scan3A_1583, %get3A_1601 : vector<16xf32>
        %add3A_1603 = arith.constant 250 : i32
        %add3A_1604 = arith.addi %add3A_1603, %scan3A_1581 : i32
        %get3A_1605 = arith.index_cast %add3A_1604 : i32 to index
        %get3A_1606 = arith.constant 32 : index
        %get3A_1607 = tpu.vector_load %arg6[%get3A_1605, %get3A_1606] {strides = array<i32>} : memref<400x128xf32, #tpu.memory_space<vmem>>, vector<1x16xf32>,
        %get3A_1608 = vector.shape_cast %get3A_1607 : vector<1x16xf32> to vector<16xf32>
        %add3A_1609 = arith.addf %scan3A_1584, %get3A_1608 : vector<16xf32>
        %add3A_1610 = arith.constant 250 : i32
        %add3A_1611 = arith.addi %add3A_1610, %scan3A_1581 : i32
        %get3A_1612 = arith.index_cast %add3A_1611 : i32 to index
        %get3A_1613 = arith.constant 48 : index
        %get3A_1614 = tpu.vector_load %arg6[%get3A_1612, %get3A_1613] {strides = array<i32>} : memref<400x128xf32, #tpu.memory_space<vmem>>, vector<1x16xf32>,
        %get3A_1615 = vector.shape_cast %get3A_1614 : vector<1x16xf32> to vector<16xf32>
        %add3A_1616 = arith.addf %scan3A_1585, %get3A_1615 : vector<16xf32>
        %add3A_1617 = arith.constant 250 : i32
        %add3A_1618 = arith.addi %add3A_1617, %scan3A_1581 : i32
        %get3A_1619 = arith.index_cast %add3A_1618 : i32 to index
        %get3A_1620 = arith.constant 64 : index
        %get3A_1621 = tpu.vector_load %arg6[%get3A_1619, %get3A_1620] {strides = array<i32>} : memref<400x128xf32, #tpu.memory_space<vmem>>, vector<1x16xf32>,
        %get3A_1622 = vector.shape_cast %get3A_1621 : vector<1x16xf32> to vector<16xf32>
        %add3A_1623 = arith.addf %scan3A_1586, %get3A_1622 : vector<16xf32>
        %add3A_1624 = arith.constant 250 : i32
        %add3A_1625 = arith.addi %add3A_1624, %scan3A_1581 : i32
        %get3A_1626 = arith.index_cast %add3A_1625 : i32 to index
        %get3A_1627 = arith.constant 80 : index
        %get3A_1628 = tpu.vector_load %arg6[%get3A_1626, %get3A_1627] {strides = array<i32>} : memref<400x128xf32, #tpu.memory_space<vmem>>, vector<1x16xf32>,
        %get3A_1629 = vector.shape_cast %get3A_1628 : vector<1x16xf32> to vector<16xf32>
        %add3A_1630 = arith.addf %scan3A_1587, %get3A_1629 : vector<16xf32>
        %add3A_1631 = arith.constant 250 : i32
        %add3A_1632 = arith.addi %add3A_1631, %scan3A_1581 : i32
        %get3A_1633 = arith.index_cast %add3A_1632 : i32 to index
        %get3A_1634 = arith.constant 96 : index
        %get3A_1635 = tpu.vector_load %arg6[%get3A_1633, %get3A_1634] {strides = array<i32>} : memref<400x128xf32, #tpu.memory_space<vmem>>, vector<1x16xf32>,
        %get3A_1636 = vector.shape_cast %get3A_1635 : vector<1x16xf32> to vector<16xf32>
        %add3A_1637 = arith.addf %scan3A_1588, %get3A_1636 : vector<16xf32>
        %add3A_1638 = arith.constant 250 : i32
        %add3A_1639 = arith.addi %add3A_1638, %scan3A_1581 : i32
        %get3A_1640 = arith.index_cast %add3A_1639 : i32 to index
        %get3A_1641 = arith.constant 112 : index
        %get3A_1642 = tpu.vector_load %arg6[%get3A_1640, %get3A_1641] {strides = array<i32>} : memref<400x128xf32, #tpu.memory_space<vmem>>, vector<1x16xf32>,
        %get3A_1643 = vector.shape_cast %get3A_1642 : vector<1x16xf32> to vector<16xf32>
        %add3A_1644 = arith.addf %scan3A_1589, %get3A_1643 : vector<16xf32>
        scf.yield %add3A_1595, %add3A_1602, %add3A_1609, %add3A_1616, %add3A_1623, %add3A_1630, %add3A_1637, %add3A_1644 : vector<16xf32>, vector<16xf32>, vector<16xf32>, vector<16xf32>, vector<16xf32>, vector<16xf32>, vector<16xf32>, vector<16xf32>
      }
      %scan3A_533 = arith.constant 50 : i32
      %mul3A_534 = arith.constant 2.000000e-02 : f32
      %mul3A_535 = vector.broadcast %mul3A_534 : f32 to vector<16xf32>
      %mul3A_536 = arith.mulf %scan3A_532#0, %mul3A_535 : vector<16xf32>
      %swap3A_537 = arith.constant 5 : i32
      %swap3A_538 = arith.index_cast %swap3A_537 : i32 to index
      %swap3A_539 = arith.constant 0 : index
      %swap3A_540 = tpu.vector_load %arg8[%swap3A_538, %swap3A_539] {strides = array<i32>} : memref<8x128xf32, #tpu.memory_space<vmem>>, vector<1x16xf32>,
      %swap3A_541 = vector.shape_cast %swap3A_540 : vector<1x16xf32> to vector<16xf32>
      %swap3A_542 = vector.shape_cast %mul3A_536 : vector<16xf32> to vector<1x16xf32>
      tpu.vector_store %arg8[%swap3A_538, %swap3A_539], %swap3A_542 {strides = array<i32>} : memref<8x128xf32, #tpu.memory_space<vmem>>, vector<1x16xf32>,
      %mul3A_543 = arith.constant 2.000000e-02 : f32
      %mul3A_544 = vector.broadcast %mul3A_543 : f32 to vector<16xf32>
      %mul3A_545 = arith.mulf %scan3A_532#1, %mul3A_544 : vector<16xf32>
      %swap3A_546 = arith.constant 5 : i32
      %swap3A_547 = arith.index_cast %swap3A_546 : i32 to index
      %swap3A_548 = arith.constant 16 : index
      %swap3A_549 = tpu.vector_load %arg8[%swap3A_547, %swap3A_548] {strides = array<i32>} : memref<8x128xf32, #tpu.memory_space<vmem>>, vector<1x16xf32>,
      %swap3A_550 = vector.shape_cast %swap3A_549 : vector<1x16xf32> to vector<16xf32>
      %swap3A_551 = vector.shape_cast %mul3A_545 : vector<16xf32> to vector<1x16xf32>
      tpu.vector_store %arg8[%swap3A_547, %swap3A_548], %swap3A_551 {strides = array<i32>} : memref<8x128xf32, #tpu.memory_space<vmem>>, vector<1x16xf32>,
      %mul3A_552 = arith.constant 2.000000e-02 : f32
      %mul3A_553 = vector.broadcast %mul3A_552 : f32 to vector<16xf32>
      %mul3A_554 = arith.mulf %scan3A_532#2, %mul3A_553 : vector<16xf32>
      %swap3A_555 = arith.constant 5 : i32
      %swap3A_556 = arith.index_cast %swap3A_555 : i32 to index
      %swap3A_557 = arith.constant 32 : index
      %swap3A_558 = tpu.vector_load %arg8[%swap3A_556, %swap3A_557] {strides = array<i32>} : memref<8x128xf32, #tpu.memory_space<vmem>>, vector<1x16xf32>,
      %swap3A_559 = vector.shape_cast %swap3A_558 : vector<1x16xf32> to vector<16xf32>
      %swap3A_560 = vector.shape_cast %mul3A_554 : vector<16xf32> to vector<1x16xf32>
      tpu.vector_store %arg8[%swap3A_556, %swap3A_557], %swap3A_560 {strides = array<i32>} : memref<8x128xf32, #tpu.memory_space<vmem>>, vector<1x16xf32>,
      %mul3A_561 = arith.constant 2.000000e-02 : f32
      %mul3A_562 = vector.broadcast %mul3A_561 : f32 to vector<16xf32>
      %mul3A_563 = arith.mulf %scan3A_532#3, %mul3A_562 : vector<16xf32>
      %swap3A_564 = arith.constant 5 : i32
      %swap3A_565 = arith.index_cast %swap3A_564 : i32 to index
      %swap3A_566 = arith.constant 48 : index
      %swap3A_567 = tpu.vector_load %arg8[%swap3A_565, %swap3A_566] {strides = array<i32>} : memref<8x128xf32, #tpu.memory_space<vmem>>, vector<1x16xf32>,
      %swap3A_568 = vector.shape_cast %swap3A_567 : vector<1x16xf32> to vector<16xf32>
      %swap3A_569 = vector.shape_cast %mul3A_563 : vector<16xf32> to vector<1x16xf32>
      tpu.vector_store %arg8[%swap3A_565, %swap3A_566], %swap3A_569 {strides = array<i32>} : memref<8x128xf32, #tpu.memory_space<vmem>>, vector<1x16xf32>,
      %mul3A_570 = arith.constant 2.000000e-02 : f32
      %mul3A_571 = vector.broadcast %mul3A_570 : f32 to vector<16xf32>
      %mul3A_572 = arith.mulf %scan3A_532#4, %mul3A_571 : vector<16xf32>
      %swap3A_573 = arith.constant 5 : i32
      %swap3A_574 = arith.index_cast %swap3A_573 : i32 to index
      %swap3A_575 = arith.constant 64 : index
      %swap3A_576 = tpu.vector_load %arg8[%swap3A_574, %swap3A_575] {strides = array<i32>} : memref<8x128xf32, #tpu.memory_space<vmem>>, vector<1x16xf32>,
      %swap3A_577 = vector.shape_cast %swap3A_576 : vector<1x16xf32> to vector<16xf32>
      %swap3A_578 = vector.shape_cast %mul3A_572 : vector<16xf32> to vector<1x16xf32>
      tpu.vector_store %arg8[%swap3A_574, %swap3A_575], %swap3A_578 {strides = array<i32>} : memref<8x128xf32, #tpu.memory_space<vmem>>, vector<1x16xf32>,
      %mul3A_579 = arith.constant 2.000000e-02 : f32
      %mul3A_580 = vector.broadcast %mul3A_579 : f32 to vector<16xf32>
      %mul3A_581 = arith.mulf %scan3A_532#5, %mul3A_580 : vector<16xf32>
      %swap3A_582 = arith.constant 5 : i32
      %swap3A_583 = arith.index_cast %swap3A_582 : i32 to index
      %swap3A_584 = arith.constant 80 : index
      %swap3A_585 = tpu.vector_load %arg8[%swap3A_583, %swap3A_584] {strides = array<i32>} : memref<8x128xf32, #tpu.memory_space<vmem>>, vector<1x16xf32>,
      %swap3A_586 = vector.shape_cast %swap3A_585 : vector<1x16xf32> to vector<16xf32>
      %swap3A_587 = vector.shape_cast %mul3A_581 : vector<16xf32> to vector<1x16xf32>
      tpu.vector_store %arg8[%swap3A_583, %swap3A_584], %swap3A_587 {strides = array<i32>} : memref<8x128xf32, #tpu.memory_space<vmem>>, vector<1x16xf32>,
      %mul3A_588 = arith.constant 2.000000e-02 : f32
      %mul3A_589 = vector.broadcast %mul3A_588 : f32 to vector<16xf32>
      %mul3A_590 = arith.mulf %scan3A_532#6, %mul3A_589 : vector<16xf32>
      %swap3A_591 = arith.constant 5 : i32
      %swap3A_592 = arith.index_cast %swap3A_591 : i32 to index
      %swap3A_593 = arith.constant 96 : index
      %swap3A_594 = tpu.vector_load %arg8[%swap3A_592, %swap3A_593] {strides = array<i32>} : memref<8x128xf32, #tpu.memory_space<vmem>>, vector<1x16xf32>,
      %swap3A_595 = vector.shape_cast %swap3A_594 : vector<1x16xf32> to vector<16xf32>
      %swap3A_596 = vector.shape_cast %mul3A_590 : vector<16xf32> to vector<1x16xf32>
      tpu.vector_store %arg8[%swap3A_592, %swap3A_593], %swap3A_596 {strides = array<i32>} : memref<8x128xf32, #tpu.memory_space<vmem>>, vector<1x16xf32>,
      %mul3A_597 = arith.constant 2.000000e-02 : f32
      %mul3A_598 = vector.broadcast %mul3A_597 : f32 to vector<16xf32>
      %mul3A_599 = arith.mulf %scan3A_532#7, %mul3A_598 : vector<16xf32>
      %swap3A_600 = arith.constant 5 : i32
      %swap3A_601 = arith.index_cast %swap3A_600 : i32 to index
      %swap3A_602 = arith.constant 112 : index
      %swap3A_603 = tpu.vector_load %arg8[%swap3A_601, %swap3A_602] {strides = array<i32>} : memref<8x128xf32, #tpu.memory_space<vmem>>, vector<1x16xf32>,
      %swap3A_604 = vector.shape_cast %swap3A_603 : vector<1x16xf32> to vector<16xf32>
      %swap3A_605 = vector.shape_cast %mul3A_599 : vector<16xf32> to vector<1x16xf32>
      tpu.vector_store %arg8[%swap3A_601, %swap3A_602], %swap3A_605 {strides = array<i32>} : memref<8x128xf32, #tpu.memory_space<vmem>>, vector<1x16xf32>,
      %broadcast_in_dim3A_606 = arith.constant 0.000000e+00 : f32
      %broadcast_in_dim3A_607 = vector.broadcast %broadcast_in_dim3A_606 : f32 to vector<16xf32>
      %broadcast_in_dim3A_608 = arith.constant 0.000000e+00 : f32
      %broadcast_in_dim3A_609 = vector.broadcast %broadcast_in_dim3A_608 : f32 to vector<16xf32>
      %broadcast_in_dim3A_610 = arith.constant 0.000000e+00 : f32
      %broadcast_in_dim3A_611 = vector.broadcast %broadcast_in_dim3A_610 : f32 to vector<16xf32>
      %broadcast_in_dim3A_612 = arith.constant 0.000000e+00 : f32
      %broadcast_in_dim3A_613 = vector.broadcast %broadcast_in_dim3A_612 : f32 to vector<16xf32>
      %broadcast_in_dim3A_614 = arith.constant 0.000000e+00 : f32
      %broadcast_in_dim3A_615 = vector.broadcast %broadcast_in_dim3A_614 : f32 to vector<16xf32>
      %broadcast_in_dim3A_616 = arith.constant 0.000000e+00 : f32
      %broadcast_in_dim3A_617 = vector.broadcast %broadcast_in_dim3A_616 : f32 to vector<16xf32>
      %broadcast_in_dim3A_618 = arith.constant 0.000000e+00 : f32
      %broadcast_in_dim3A_619 = vector.broadcast %broadcast_in_dim3A_618 : f32 to vector<16xf32>
      %broadcast_in_dim3A_620 = arith.constant 0.000000e+00 : f32
      %broadcast_in_dim3A_621 = vector.broadcast %broadcast_in_dim3A_620 : f32 to vector<16xf32>
      %scan3A_622 = arith.constant 0 : i32
      %scan3A_623 = arith.constant 50 : i32
      %scan3A_624 = arith.addi %scan3A_622, %scan3A_623 : i32
      %scan3A_625 = arith.constant 1 : i32
      %scan3A_626:8 = scf.for %scan3A_1581 = %scan3A_622 to %scan3A_624 step %scan3A_625 iter_args(%scan3A_1582 = %broadcast_in_dim3A_607, %scan3A_1583 = %broadcast_in_dim3A_609, %scan3A_1584 = %broadcast_in_dim3A_611, %scan3A_1585 = %broadcast_in_dim3A_613, %scan3A_1586 = %broadcast_in_dim3A_615, %scan3A_1587 = %broadcast_in_dim3A_617, %scan3A_1588 = %broadcast_in_dim3A_619, %scan3A_1589 = %broadcast_in_dim3A_621) -> (vector<16xf32>, vector<16xf32>, vector<16xf32>, vector<16xf32>, vector<16xf32>, vector<16xf32>, vector<16xf32>, vector<16xf32>)  : i32 {
        %add3A_1590 = arith.constant 300 : i32
        %add3A_1591 = arith.addi %add3A_1590, %scan3A_1581 : i32
        %get3A = arith.index_cast %add3A_1591 : i32 to index
        %get3A_1592 = arith.constant 0 : index
        %get3A_1593 = tpu.vector_load %arg6[%get3A, %get3A_1592] {strides = array<i32>} : memref<400x128xf32, #tpu.memory_space<vmem>>, vector<1x16xf32>,
        %get3A_1594 = vector.shape_cast %get3A_1593 : vector<1x16xf32> to vector<16xf32>
        %add3A_1595 = arith.addf %scan3A_1582, %get3A_1594 : vector<16xf32>
        %add3A_1596 = arith.constant 300 : i32
        %add3A_1597 = arith.addi %add3A_1596, %scan3A_1581 : i32
        %get3A_1598 = arith.index_cast %add3A_1597 : i32 to index
        %get3A_1599 = arith.constant 16 : index
        %get3A_1600 = tpu.vector_load %arg6[%get3A_1598, %get3A_1599] {strides = array<i32>} : memref<400x128xf32, #tpu.memory_space<vmem>>, vector<1x16xf32>,
        %get3A_1601 = vector.shape_cast %get3A_1600 : vector<1x16xf32> to vector<16xf32>
        %add3A_1602 = arith.addf %scan3A_1583, %get3A_1601 : vector<16xf32>
        %add3A_1603 = arith.constant 300 : i32
        %add3A_1604 = arith.addi %add3A_1603, %scan3A_1581 : i32
        %get3A_1605 = arith.index_cast %add3A_1604 : i32 to index
        %get3A_1606 = arith.constant 32 : index
        %get3A_1607 = tpu.vector_load %arg6[%get3A_1605, %get3A_1606] {strides = array<i32>} : memref<400x128xf32, #tpu.memory_space<vmem>>, vector<1x16xf32>,
        %get3A_1608 = vector.shape_cast %get3A_1607 : vector<1x16xf32> to vector<16xf32>
        %add3A_1609 = arith.addf %scan3A_1584, %get3A_1608 : vector<16xf32>
        %add3A_1610 = arith.constant 300 : i32
        %add3A_1611 = arith.addi %add3A_1610, %scan3A_1581 : i32
        %get3A_1612 = arith.index_cast %add3A_1611 : i32 to index
        %get3A_1613 = arith.constant 48 : index
        %get3A_1614 = tpu.vector_load %arg6[%get3A_1612, %get3A_1613] {strides = array<i32>} : memref<400x128xf32, #tpu.memory_space<vmem>>, vector<1x16xf32>,
        %get3A_1615 = vector.shape_cast %get3A_1614 : vector<1x16xf32> to vector<16xf32>
        %add3A_1616 = arith.addf %scan3A_1585, %get3A_1615 : vector<16xf32>
        %add3A_1617 = arith.constant 300 : i32
        %add3A_1618 = arith.addi %add3A_1617, %scan3A_1581 : i32
        %get3A_1619 = arith.index_cast %add3A_1618 : i32 to index
        %get3A_1620 = arith.constant 64 : index
        %get3A_1621 = tpu.vector_load %arg6[%get3A_1619, %get3A_1620] {strides = array<i32>} : memref<400x128xf32, #tpu.memory_space<vmem>>, vector<1x16xf32>,
        %get3A_1622 = vector.shape_cast %get3A_1621 : vector<1x16xf32> to vector<16xf32>
        %add3A_1623 = arith.addf %scan3A_1586, %get3A_1622 : vector<16xf32>
        %add3A_1624 = arith.constant 300 : i32
        %add3A_1625 = arith.addi %add3A_1624, %scan3A_1581 : i32
        %get3A_1626 = arith.index_cast %add3A_1625 : i32 to index
        %get3A_1627 = arith.constant 80 : index
        %get3A_1628 = tpu.vector_load %arg6[%get3A_1626, %get3A_1627] {strides = array<i32>} : memref<400x128xf32, #tpu.memory_space<vmem>>, vector<1x16xf32>,
        %get3A_1629 = vector.shape_cast %get3A_1628 : vector<1x16xf32> to vector<16xf32>
        %add3A_1630 = arith.addf %scan3A_1587, %get3A_1629 : vector<16xf32>
        %add3A_1631 = arith.constant 300 : i32
        %add3A_1632 = arith.addi %add3A_1631, %scan3A_1581 : i32
        %get3A_1633 = arith.index_cast %add3A_1632 : i32 to index
        %get3A_1634 = arith.constant 96 : index
        %get3A_1635 = tpu.vector_load %arg6[%get3A_1633, %get3A_1634] {strides = array<i32>} : memref<400x128xf32, #tpu.memory_space<vmem>>, vector<1x16xf32>,
        %get3A_1636 = vector.shape_cast %get3A_1635 : vector<1x16xf32> to vector<16xf32>
        %add3A_1637 = arith.addf %scan3A_1588, %get3A_1636 : vector<16xf32>
        %add3A_1638 = arith.constant 300 : i32
        %add3A_1639 = arith.addi %add3A_1638, %scan3A_1581 : i32
        %get3A_1640 = arith.index_cast %add3A_1639 : i32 to index
        %get3A_1641 = arith.constant 112 : index
        %get3A_1642 = tpu.vector_load %arg6[%get3A_1640, %get3A_1641] {strides = array<i32>} : memref<400x128xf32, #tpu.memory_space<vmem>>, vector<1x16xf32>,
        %get3A_1643 = vector.shape_cast %get3A_1642 : vector<1x16xf32> to vector<16xf32>
        %add3A_1644 = arith.addf %scan3A_1589, %get3A_1643 : vector<16xf32>
        scf.yield %add3A_1595, %add3A_1602, %add3A_1609, %add3A_1616, %add3A_1623, %add3A_1630, %add3A_1637, %add3A_1644 : vector<16xf32>, vector<16xf32>, vector<16xf32>, vector<16xf32>, vector<16xf32>, vector<16xf32>, vector<16xf32>, vector<16xf32>
      }
      %scan3A_627 = arith.constant 50 : i32
      %mul3A_628 = arith.constant 2.000000e-02 : f32
      %mul3A_629 = vector.broadcast %mul3A_628 : f32 to vector<16xf32>
      %mul3A_630 = arith.mulf %scan3A_626#0, %mul3A_629 : vector<16xf32>
      %swap3A_631 = arith.constant 6 : i32
      %swap3A_632 = arith.index_cast %swap3A_631 : i32 to index
      %swap3A_633 = arith.constant 0 : index
      %swap3A_634 = tpu.vector_load %arg8[%swap3A_632, %swap3A_633] {strides = array<i32>} : memref<8x128xf32, #tpu.memory_space<vmem>>, vector<1x16xf32>,
      %swap3A_635 = vector.shape_cast %swap3A_634 : vector<1x16xf32> to vector<16xf32>
      %swap3A_636 = vector.shape_cast %mul3A_630 : vector<16xf32> to vector<1x16xf32>
      tpu.vector_store %arg8[%swap3A_632, %swap3A_633], %swap3A_636 {strides = array<i32>} : memref<8x128xf32, #tpu.memory_space<vmem>>, vector<1x16xf32>,
      %mul3A_637 = arith.constant 2.000000e-02 : f32
      %mul3A_638 = vector.broadcast %mul3A_637 : f32 to vector<16xf32>
      %mul3A_639 = arith.mulf %scan3A_626#1, %mul3A_638 : vector<16xf32>
      %swap3A_640 = arith.constant 6 : i32
      %swap3A_641 = arith.index_cast %swap3A_640 : i32 to index
      %swap3A_642 = arith.constant 16 : index
      %swap3A_643 = tpu.vector_load %arg8[%swap3A_641, %swap3A_642] {strides = array<i32>} : memref<8x128xf32, #tpu.memory_space<vmem>>, vector<1x16xf32>,
      %swap3A_644 = vector.shape_cast %swap3A_643 : vector<1x16xf32> to vector<16xf32>
      %swap3A_645 = vector.shape_cast %mul3A_639 : vector<16xf32> to vector<1x16xf32>
      tpu.vector_store %arg8[%swap3A_641, %swap3A_642], %swap3A_645 {strides = array<i32>} : memref<8x128xf32, #tpu.memory_space<vmem>>, vector<1x16xf32>,
      %mul3A_646 = arith.constant 2.000000e-02 : f32
      %mul3A_647 = vector.broadcast %mul3A_646 : f32 to vector<16xf32>
      %mul3A_648 = arith.mulf %scan3A_626#2, %mul3A_647 : vector<16xf32>
      %swap3A_649 = arith.constant 6 : i32
      %swap3A_650 = arith.index_cast %swap3A_649 : i32 to index
      %swap3A_651 = arith.constant 32 : index
      %swap3A_652 = tpu.vector_load %arg8[%swap3A_650, %swap3A_651] {strides = array<i32>} : memref<8x128xf32, #tpu.memory_space<vmem>>, vector<1x16xf32>,
      %swap3A_653 = vector.shape_cast %swap3A_652 : vector<1x16xf32> to vector<16xf32>
      %swap3A_654 = vector.shape_cast %mul3A_648 : vector<16xf32> to vector<1x16xf32>
      tpu.vector_store %arg8[%swap3A_650, %swap3A_651], %swap3A_654 {strides = array<i32>} : memref<8x128xf32, #tpu.memory_space<vmem>>, vector<1x16xf32>,
      %mul3A_655 = arith.constant 2.000000e-02 : f32
      %mul3A_656 = vector.broadcast %mul3A_655 : f32 to vector<16xf32>
      %mul3A_657 = arith.mulf %scan3A_626#3, %mul3A_656 : vector<16xf32>
      %swap3A_658 = arith.constant 6 : i32
      %swap3A_659 = arith.index_cast %swap3A_658 : i32 to index
      %swap3A_660 = arith.constant 48 : index
      %swap3A_661 = tpu.vector_load %arg8[%swap3A_659, %swap3A_660] {strides = array<i32>} : memref<8x128xf32, #tpu.memory_space<vmem>>, vector<1x16xf32>,
      %swap3A_662 = vector.shape_cast %swap3A_661 : vector<1x16xf32> to vector<16xf32>
      %swap3A_663 = vector.shape_cast %mul3A_657 : vector<16xf32> to vector<1x16xf32>
      tpu.vector_store %arg8[%swap3A_659, %swap3A_660], %swap3A_663 {strides = array<i32>} : memref<8x128xf32, #tpu.memory_space<vmem>>, vector<1x16xf32>,
      %mul3A_664 = arith.constant 2.000000e-02 : f32
      %mul3A_665 = vector.broadcast %mul3A_664 : f32 to vector<16xf32>
      %mul3A_666 = arith.mulf %scan3A_626#4, %mul3A_665 : vector<16xf32>
      %swap3A_667 = arith.constant 6 : i32
      %swap3A_668 = arith.index_cast %swap3A_667 : i32 to index
      %swap3A_669 = arith.constant 64 : index
      %swap3A_670 = tpu.vector_load %arg8[%swap3A_668, %swap3A_669] {strides = array<i32>} : memref<8x128xf32, #tpu.memory_space<vmem>>, vector<1x16xf32>,
      %swap3A_671 = vector.shape_cast %swap3A_670 : vector<1x16xf32> to vector<16xf32>
      %swap3A_672 = vector.shape_cast %mul3A_666 : vector<16xf32> to vector<1x16xf32>
      tpu.vector_store %arg8[%swap3A_668, %swap3A_669], %swap3A_672 {strides = array<i32>} : memref<8x128xf32, #tpu.memory_space<vmem>>, vector<1x16xf32>,
      %mul3A_673 = arith.constant 2.000000e-02 : f32
      %mul3A_674 = vector.broadcast %mul3A_673 : f32 to vector<16xf32>
      %mul3A_675 = arith.mulf %scan3A_626#5, %mul3A_674 : vector<16xf32>
      %swap3A_676 = arith.constant 6 : i32
      %swap3A_677 = arith.index_cast %swap3A_676 : i32 to index
      %swap3A_678 = arith.constant 80 : index
      %swap3A_679 = tpu.vector_load %arg8[%swap3A_677, %swap3A_678] {strides = array<i32>} : memref<8x128xf32, #tpu.memory_space<vmem>>, vector<1x16xf32>,
      %swap3A_680 = vector.shape_cast %swap3A_679 : vector<1x16xf32> to vector<16xf32>
      %swap3A_681 = vector.shape_cast %mul3A_675 : vector<16xf32> to vector<1x16xf32>
      tpu.vector_store %arg8[%swap3A_677, %swap3A_678], %swap3A_681 {strides = array<i32>} : memref<8x128xf32, #tpu.memory_space<vmem>>, vector<1x16xf32>,
      %mul3A_682 = arith.constant 2.000000e-02 : f32
      %mul3A_683 = vector.broadcast %mul3A_682 : f32 to vector<16xf32>
      %mul3A_684 = arith.mulf %scan3A_626#6, %mul3A_683 : vector<16xf32>
      %swap3A_685 = arith.constant 6 : i32
      %swap3A_686 = arith.index_cast %swap3A_685 : i32 to index
      %swap3A_687 = arith.constant 96 : index
      %swap3A_688 = tpu.vector_load %arg8[%swap3A_686, %swap3A_687] {strides = array<i32>} : memref<8x128xf32, #tpu.memory_space<vmem>>, vector<1x16xf32>,
      %swap3A_689 = vector.shape_cast %swap3A_688 : vector<1x16xf32> to vector<16xf32>
      %swap3A_690 = vector.shape_cast %mul3A_684 : vector<16xf32> to vector<1x16xf32>
      tpu.vector_store %arg8[%swap3A_686, %swap3A_687], %swap3A_690 {strides = array<i32>} : memref<8x128xf32, #tpu.memory_space<vmem>>, vector<1x16xf32>,
      %mul3A_691 = arith.constant 2.000000e-02 : f32
      %mul3A_692 = vector.broadcast %mul3A_691 : f32 to vector<16xf32>
      %mul3A_693 = arith.mulf %scan3A_626#7, %mul3A_692 : vector<16xf32>
      %swap3A_694 = arith.constant 6 : i32
      %swap3A_695 = arith.index_cast %swap3A_694 : i32 to index
      %swap3A_696 = arith.constant 112 : index
      %swap3A_697 = tpu.vector_load %arg8[%swap3A_695, %swap3A_696] {strides = array<i32>} : memref<8x128xf32, #tpu.memory_space<vmem>>, vector<1x16xf32>,
      %swap3A_698 = vector.shape_cast %swap3A_697 : vector<1x16xf32> to vector<16xf32>
      %swap3A_699 = vector.shape_cast %mul3A_693 : vector<16xf32> to vector<1x16xf32>
      tpu.vector_store %arg8[%swap3A_695, %swap3A_696], %swap3A_699 {strides = array<i32>} : memref<8x128xf32, #tpu.memory_space<vmem>>, vector<1x16xf32>,
      %broadcast_in_dim3A_700 = arith.constant 0.000000e+00 : f32
      %broadcast_in_dim3A_701 = vector.broadcast %broadcast_in_dim3A_700 : f32 to vector<16xf32>
      %broadcast_in_dim3A_702 = arith.constant 0.000000e+00 : f32
      %broadcast_in_dim3A_703 = vector.broadcast %broadcast_in_dim3A_702 : f32 to vector<16xf32>
      %broadcast_in_dim3A_704 = arith.constant 0.000000e+00 : f32
      %broadcast_in_dim3A_705 = vector.broadcast %broadcast_in_dim3A_704 : f32 to vector<16xf32>
      %broadcast_in_dim3A_706 = arith.constant 0.000000e+00 : f32
      %broadcast_in_dim3A_707 = vector.broadcast %broadcast_in_dim3A_706 : f32 to vector<16xf32>
      %broadcast_in_dim3A_708 = arith.constant 0.000000e+00 : f32
      %broadcast_in_dim3A_709 = vector.broadcast %broadcast_in_dim3A_708 : f32 to vector<16xf32>
      %broadcast_in_dim3A_710 = arith.constant 0.000000e+00 : f32
      %broadcast_in_dim3A_711 = vector.broadcast %broadcast_in_dim3A_710 : f32 to vector<16xf32>
      %broadcast_in_dim3A_712 = arith.constant 0.000000e+00 : f32
      %broadcast_in_dim3A_713 = vector.broadcast %broadcast_in_dim3A_712 : f32 to vector<16xf32>
      %broadcast_in_dim3A_714 = arith.constant 0.000000e+00 : f32
      %broadcast_in_dim3A_715 = vector.broadcast %broadcast_in_dim3A_714 : f32 to vector<16xf32>
      %scan3A_716 = arith.constant 0 : i32
      %scan3A_717 = arith.constant 50 : i32
      %scan3A_718 = arith.addi %scan3A_716, %scan3A_717 : i32
      %scan3A_719 = arith.constant 1 : i32
      %scan3A_720:8 = scf.for %scan3A_1581 = %scan3A_716 to %scan3A_718 step %scan3A_719 iter_args(%scan3A_1582 = %broadcast_in_dim3A_701, %scan3A_1583 = %broadcast_in_dim3A_703, %scan3A_1584 = %broadcast_in_dim3A_705, %scan3A_1585 = %broadcast_in_dim3A_707, %scan3A_1586 = %broadcast_in_dim3A_709, %scan3A_1587 = %broadcast_in_dim3A_711, %scan3A_1588 = %broadcast_in_dim3A_713, %scan3A_1589 = %broadcast_in_dim3A_715) -> (vector<16xf32>, vector<16xf32>, vector<16xf32>, vector<16xf32>, vector<16xf32>, vector<16xf32>, vector<16xf32>, vector<16xf32>)  : i32 {
        %add3A_1590 = arith.constant 350 : i32
        %add3A_1591 = arith.addi %add3A_1590, %scan3A_1581 : i32
        %get3A = arith.index_cast %add3A_1591 : i32 to index
        %get3A_1592 = arith.constant 0 : index
        %get3A_1593 = tpu.vector_load %arg6[%get3A, %get3A_1592] {strides = array<i32>} : memref<400x128xf32, #tpu.memory_space<vmem>>, vector<1x16xf32>,
        %get3A_1594 = vector.shape_cast %get3A_1593 : vector<1x16xf32> to vector<16xf32>
        %add3A_1595 = arith.addf %scan3A_1582, %get3A_1594 : vector<16xf32>
        %add3A_1596 = arith.constant 350 : i32
        %add3A_1597 = arith.addi %add3A_1596, %scan3A_1581 : i32
        %get3A_1598 = arith.index_cast %add3A_1597 : i32 to index
        %get3A_1599 = arith.constant 16 : index
        %get3A_1600 = tpu.vector_load %arg6[%get3A_1598, %get3A_1599] {strides = array<i32>} : memref<400x128xf32, #tpu.memory_space<vmem>>, vector<1x16xf32>,
        %get3A_1601 = vector.shape_cast %get3A_1600 : vector<1x16xf32> to vector<16xf32>
        %add3A_1602 = arith.addf %scan3A_1583, %get3A_1601 : vector<16xf32>
        %add3A_1603 = arith.constant 350 : i32
        %add3A_1604 = arith.addi %add3A_1603, %scan3A_1581 : i32
        %get3A_1605 = arith.index_cast %add3A_1604 : i32 to index
        %get3A_1606 = arith.constant 32 : index
        %get3A_1607 = tpu.vector_load %arg6[%get3A_1605, %get3A_1606] {strides = array<i32>} : memref<400x128xf32, #tpu.memory_space<vmem>>, vector<1x16xf32>,
        %get3A_1608 = vector.shape_cast %get3A_1607 : vector<1x16xf32> to vector<16xf32>
        %add3A_1609 = arith.addf %scan3A_1584, %get3A_1608 : vector<16xf32>
        %add3A_1610 = arith.constant 350 : i32
        %add3A_1611 = arith.addi %add3A_1610, %scan3A_1581 : i32
        %get3A_1612 = arith.index_cast %add3A_1611 : i32 to index
        %get3A_1613 = arith.constant 48 : index
        %get3A_1614 = tpu.vector_load %arg6[%get3A_1612, %get3A_1613] {strides = array<i32>} : memref<400x128xf32, #tpu.memory_space<vmem>>, vector<1x16xf32>,
        %get3A_1615 = vector.shape_cast %get3A_1614 : vector<1x16xf32> to vector<16xf32>
        %add3A_1616 = arith.addf %scan3A_1585, %get3A_1615 : vector<16xf32>
        %add3A_1617 = arith.constant 350 : i32
        %add3A_1618 = arith.addi %add3A_1617, %scan3A_1581 : i32
        %get3A_1619 = arith.index_cast %add3A_1618 : i32 to index
        %get3A_1620 = arith.constant 64 : index
        %get3A_1621 = tpu.vector_load %arg6[%get3A_1619, %get3A_1620] {strides = array<i32>} : memref<400x128xf32, #tpu.memory_space<vmem>>, vector<1x16xf32>,
        %get3A_1622 = vector.shape_cast %get3A_1621 : vector<1x16xf32> to vector<16xf32>
        %add3A_1623 = arith.addf %scan3A_1586, %get3A_1622 : vector<16xf32>
        %add3A_1624 = arith.constant 350 : i32
        %add3A_1625 = arith.addi %add3A_1624, %scan3A_1581 : i32
        %get3A_1626 = arith.index_cast %add3A_1625 : i32 to index
        %get3A_1627 = arith.constant 80 : index
        %get3A_1628 = tpu.vector_load %arg6[%get3A_1626, %get3A_1627] {strides = array<i32>} : memref<400x128xf32, #tpu.memory_space<vmem>>, vector<1x16xf32>,
        %get3A_1629 = vector.shape_cast %get3A_1628 : vector<1x16xf32> to vector<16xf32>
        %add3A_1630 = arith.addf %scan3A_1587, %get3A_1629 : vector<16xf32>
        %add3A_1631 = arith.constant 350 : i32
        %add3A_1632 = arith.addi %add3A_1631, %scan3A_1581 : i32
        %get3A_1633 = arith.index_cast %add3A_1632 : i32 to index
        %get3A_1634 = arith.constant 96 : index
        %get3A_1635 = tpu.vector_load %arg6[%get3A_1633, %get3A_1634] {strides = array<i32>} : memref<400x128xf32, #tpu.memory_space<vmem>>, vector<1x16xf32>,
        %get3A_1636 = vector.shape_cast %get3A_1635 : vector<1x16xf32> to vector<16xf32>
        %add3A_1637 = arith.addf %scan3A_1588, %get3A_1636 : vector<16xf32>
        %add3A_1638 = arith.constant 350 : i32
        %add3A_1639 = arith.addi %add3A_1638, %scan3A_1581 : i32
        %get3A_1640 = arith.index_cast %add3A_1639 : i32 to index
        %get3A_1641 = arith.constant 112 : index
        %get3A_1642 = tpu.vector_load %arg6[%get3A_1640, %get3A_1641] {strides = array<i32>} : memref<400x128xf32, #tpu.memory_space<vmem>>, vector<1x16xf32>,
        %get3A_1643 = vector.shape_cast %get3A_1642 : vector<1x16xf32> to vector<16xf32>
        %add3A_1644 = arith.addf %scan3A_1589, %get3A_1643 : vector<16xf32>
        scf.yield %add3A_1595, %add3A_1602, %add3A_1609, %add3A_1616, %add3A_1623, %add3A_1630, %add3A_1637, %add3A_1644 : vector<16xf32>, vector<16xf32>, vector<16xf32>, vector<16xf32>, vector<16xf32>, vector<16xf32>, vector<16xf32>, vector<16xf32>
      }
      %scan3A_721 = arith.constant 50 : i32
      %mul3A_722 = arith.constant 2.000000e-02 : f32
      %mul3A_723 = vector.broadcast %mul3A_722 : f32 to vector<16xf32>
      %mul3A_724 = arith.mulf %scan3A_720#0, %mul3A_723 : vector<16xf32>
      %swap3A_725 = arith.constant 7 : i32
      %swap3A_726 = arith.index_cast %swap3A_725 : i32 to index
      %swap3A_727 = arith.constant 0 : index
      %swap3A_728 = tpu.vector_load %arg8[%swap3A_726, %swap3A_727] {strides = array<i32>} : memref<8x128xf32, #tpu.memory_space<vmem>>, vector<1x16xf32>,
      %swap3A_729 = vector.shape_cast %swap3A_728 : vector<1x16xf32> to vector<16xf32>
      %swap3A_730 = vector.shape_cast %mul3A_724 : vector<16xf32> to vector<1x16xf32>
      tpu.vector_store %arg8[%swap3A_726, %swap3A_727], %swap3A_730 {strides = array<i32>} : memref<8x128xf32, #tpu.memory_space<vmem>>, vector<1x16xf32>,
      %mul3A_731 = arith.constant 2.000000e-02 : f32
      %mul3A_732 = vector.broadcast %mul3A_731 : f32 to vector<16xf32>
      %mul3A_733 = arith.mulf %scan3A_720#1, %mul3A_732 : vector<16xf32>
      %swap3A_734 = arith.constant 7 : i32
      %swap3A_735 = arith.index_cast %swap3A_734 : i32 to index
      %swap3A_736 = arith.constant 16 : index
      %swap3A_737 = tpu.vector_load %arg8[%swap3A_735, %swap3A_736] {strides = array<i32>} : memref<8x128xf32, #tpu.memory_space<vmem>>, vector<1x16xf32>,
      %swap3A_738 = vector.shape_cast %swap3A_737 : vector<1x16xf32> to vector<16xf32>
      %swap3A_739 = vector.shape_cast %mul3A_733 : vector<16xf32> to vector<1x16xf32>
      tpu.vector_store %arg8[%swap3A_735, %swap3A_736], %swap3A_739 {strides = array<i32>} : memref<8x128xf32, #tpu.memory_space<vmem>>, vector<1x16xf32>,
      %mul3A_740 = arith.constant 2.000000e-02 : f32
      %mul3A_741 = vector.broadcast %mul3A_740 : f32 to vector<16xf32>
      %mul3A_742 = arith.mulf %scan3A_720#2, %mul3A_741 : vector<16xf32>
      %swap3A_743 = arith.constant 7 : i32
      %swap3A_744 = arith.index_cast %swap3A_743 : i32 to index
      %swap3A_745 = arith.constant 32 : index
      %swap3A_746 = tpu.vector_load %arg8[%swap3A_744, %swap3A_745] {strides = array<i32>} : memref<8x128xf32, #tpu.memory_space<vmem>>, vector<1x16xf32>,
      %swap3A_747 = vector.shape_cast %swap3A_746 : vector<1x16xf32> to vector<16xf32>
      %swap3A_748 = vector.shape_cast %mul3A_742 : vector<16xf32> to vector<1x16xf32>
      tpu.vector_store %arg8[%swap3A_744, %swap3A_745], %swap3A_748 {strides = array<i32>} : memref<8x128xf32, #tpu.memory_space<vmem>>, vector<1x16xf32>,
      %mul3A_749 = arith.constant 2.000000e-02 : f32
      %mul3A_750 = vector.broadcast %mul3A_749 : f32 to vector<16xf32>
      %mul3A_751 = arith.mulf %scan3A_720#3, %mul3A_750 : vector<16xf32>
      %swap3A_752 = arith.constant 7 : i32
      %swap3A_753 = arith.index_cast %swap3A_752 : i32 to index
      %swap3A_754 = arith.constant 48 : index
      %swap3A_755 = tpu.vector_load %arg8[%swap3A_753, %swap3A_754] {strides = array<i32>} : memref<8x128xf32, #tpu.memory_space<vmem>>, vector<1x16xf32>,
      %swap3A_756 = vector.shape_cast %swap3A_755 : vector<1x16xf32> to vector<16xf32>
      %swap3A_757 = vector.shape_cast %mul3A_751 : vector<16xf32> to vector<1x16xf32>
      tpu.vector_store %arg8[%swap3A_753, %swap3A_754], %swap3A_757 {strides = array<i32>} : memref<8x128xf32, #tpu.memory_space<vmem>>, vector<1x16xf32>,
      %mul3A_758 = arith.constant 2.000000e-02 : f32
      %mul3A_759 = vector.broadcast %mul3A_758 : f32 to vector<16xf32>
      %mul3A_760 = arith.mulf %scan3A_720#4, %mul3A_759 : vector<16xf32>
      %swap3A_761 = arith.constant 7 : i32
      %swap3A_762 = arith.index_cast %swap3A_761 : i32 to index
      %swap3A_763 = arith.constant 64 : index
      %swap3A_764 = tpu.vector_load %arg8[%swap3A_762, %swap3A_763] {strides = array<i32>} : memref<8x128xf32, #tpu.memory_space<vmem>>, vector<1x16xf32>,
      %swap3A_765 = vector.shape_cast %swap3A_764 : vector<1x16xf32> to vector<16xf32>
      %swap3A_766 = vector.shape_cast %mul3A_760 : vector<16xf32> to vector<1x16xf32>
      tpu.vector_store %arg8[%swap3A_762, %swap3A_763], %swap3A_766 {strides = array<i32>} : memref<8x128xf32, #tpu.memory_space<vmem>>, vector<1x16xf32>,
      %mul3A_767 = arith.constant 2.000000e-02 : f32
      %mul3A_768 = vector.broadcast %mul3A_767 : f32 to vector<16xf32>
      %mul3A_769 = arith.mulf %scan3A_720#5, %mul3A_768 : vector<16xf32>
      %swap3A_770 = arith.constant 7 : i32
      %swap3A_771 = arith.index_cast %swap3A_770 : i32 to index
      %swap3A_772 = arith.constant 80 : index
      %swap3A_773 = tpu.vector_load %arg8[%swap3A_771, %swap3A_772] {strides = array<i32>} : memref<8x128xf32, #tpu.memory_space<vmem>>, vector<1x16xf32>,
      %swap3A_774 = vector.shape_cast %swap3A_773 : vector<1x16xf32> to vector<16xf32>
      %swap3A_775 = vector.shape_cast %mul3A_769 : vector<16xf32> to vector<1x16xf32>
      tpu.vector_store %arg8[%swap3A_771, %swap3A_772], %swap3A_775 {strides = array<i32>} : memref<8x128xf32, #tpu.memory_space<vmem>>, vector<1x16xf32>,
      %mul3A_776 = arith.constant 2.000000e-02 : f32
      %mul3A_777 = vector.broadcast %mul3A_776 : f32 to vector<16xf32>
      %mul3A_778 = arith.mulf %scan3A_720#6, %mul3A_777 : vector<16xf32>
      %swap3A_779 = arith.constant 7 : i32
      %swap3A_780 = arith.index_cast %swap3A_779 : i32 to index
      %swap3A_781 = arith.constant 96 : index
      %swap3A_782 = tpu.vector_load %arg8[%swap3A_780, %swap3A_781] {strides = array<i32>} : memref<8x128xf32, #tpu.memory_space<vmem>>, vector<1x16xf32>,
      %swap3A_783 = vector.shape_cast %swap3A_782 : vector<1x16xf32> to vector<16xf32>
      %swap3A_784 = vector.shape_cast %mul3A_778 : vector<16xf32> to vector<1x16xf32>
      tpu.vector_store %arg8[%swap3A_780, %swap3A_781], %swap3A_784 {strides = array<i32>} : memref<8x128xf32, #tpu.memory_space<vmem>>, vector<1x16xf32>,
      %mul3A_785 = arith.constant 2.000000e-02 : f32
      %mul3A_786 = vector.broadcast %mul3A_785 : f32 to vector<16xf32>
      %mul3A_787 = arith.mulf %scan3A_720#7, %mul3A_786 : vector<16xf32>
      %swap3A_788 = arith.constant 7 : i32
      %swap3A_789 = arith.index_cast %swap3A_788 : i32 to index
      %swap3A_790 = arith.constant 112 : index
      %swap3A_791 = tpu.vector_load %arg8[%swap3A_789, %swap3A_790] {strides = array<i32>} : memref<8x128xf32, #tpu.memory_space<vmem>>, vector<1x16xf32>,
      %swap3A_792 = vector.shape_cast %swap3A_791 : vector<1x16xf32> to vector<16xf32>
      %swap3A_793 = vector.shape_cast %mul3A_787 : vector<16xf32> to vector<1x16xf32>
      tpu.vector_store %arg8[%swap3A_789, %swap3A_790], %swap3A_793 {strides = array<i32>} : memref<8x128xf32, #tpu.memory_space<vmem>>, vector<1x16xf32>,
      %mul3A_794 = arith.constant 8 : i32
      %mul3A_795 = arith.muli %mul3A_27, %mul3A_794 : i32
      %add3A_796 = arith.addi %mul3A_2, %mul3A_795 : i32
      %dma_start3A_797 = arith.constant 0 : i32
      %dma_start3A_798 = tpu.memref_slice %arg4[%add3A_796, %dma_start3A_797] : memref<4096x128xf32, #tpu.memory_space<hbm>> -> memref<8x128xf32, #tpu.memory_space<hbm>>
      %dma_start3A_799 = arith.constant 0 : i32
      %dma_start3A_800 = tpu.memref_slice %arg4[%add3A_796, %dma_start3A_799] : memref<4096x128xf32, #tpu.memory_space<hbm>> -> memref<8x128xf32, #tpu.memory_space<hbm>>
      tpu.enqueue_dma source(%arg8 : memref<8x128xf32, #tpu.memory_space<vmem>>) target(%dma_start3A_800 : memref<8x128xf32, #tpu.memory_space<hbm>>) target_semaphore(%arg12 : memref<!tpu.dma_semaphore, #tpu.memory_space<semaphore_mem>>)
      %add3A_801 = arith.constant 2 : i32
      %add3A_802 = arith.addi %mul3A_27, %add3A_801 : i32
      %lt3A = arith.constant 16 : i32
      %lt3A_803 = arith.cmpi slt, %add3A_802, %lt3A : i32
      %convert_element_type3A_804 = arith.extui %lt3A_803 : i1 to i32
      %cond3A_805 = arith.constant 0 : i32
      %cond3A_806 = arith.cmpi ne, %convert_element_type3A_804, %cond3A_805 : i32
      scf.if %cond3A_806 {
        %add3A_1581 = arith.constant 2 : i32
        %add3A_1582 = arith.addi %mul3A_27, %add3A_1581 : i32
        %mul3A_1583 = arith.constant 400 : i32
        %mul3A_1584 = arith.muli %add3A_1582, %mul3A_1583 : i32
        %dma_start3A_1585 = tpu.memref_slice %arg5[%mul3A_1584] : memref<6400xi32, #tpu.memory_space<vmem>> -> memref<400xi32, #tpu.memory_space<vmem>>
        %dma_start3A_1586 = arith.constant 0 : i32
        %dma_start3A_1587 = arith.constant 0 : i32
        %dma_start3A_1588 = tpu.memref_slice %arg3[%dma_start3A_1586, %dma_start3A_1587] : memref<100000x128xf32, #tpu.memory_space<hbm>> -> memref<100000x128xf32, #tpu.memory_space<hbm>>
        tpu.enqueue_indirect_dma source(%dma_start3A_1588 : memref<100000x128xf32, #tpu.memory_space<hbm>>) target(%arg6 : memref<400x128xf32, #tpu.memory_space<vmem>>) offsets(%dma_start3A_1585 : memref<400xi32, #tpu.memory_space<vmem>>) semaphore(%arg10 : memref<!tpu.dma_semaphore, #tpu.memory_space<semaphore_mem>>)
      } else {
      }
      %add3A_807 = arith.constant 1 : i32
      %add3A_808 = arith.addi %mul3A_27, %add3A_807 : i32
      %mul3A_809 = arith.constant 400 : i32
      %mul3A_810 = arith.muli %add3A_808, %mul3A_809 : i32
      %dma_wait3A_811 = tpu.memref_slice %arg5[%mul3A_810] : memref<6400xi32, #tpu.memory_space<vmem>> -> memref<400xi32, #tpu.memory_space<vmem>>
      %dma_wait3A_812 = arith.constant 0 : i32
      %dma_wait3A_813 = arith.constant 0 : i32
      %dma_wait3A_814 = tpu.memref_slice %arg3[%dma_wait3A_812, %dma_wait3A_813] : memref<100000x128xf32, #tpu.memory_space<hbm>> -> memref<100000x128xf32, #tpu.memory_space<hbm>>
      tpu.wait_indirect_dma semaphore(%arg11 : memref<!tpu.dma_semaphore, #tpu.memory_space<semaphore_mem>>) src(%dma_wait3A_814 : memref<100000x128xf32, #tpu.memory_space<hbm>>) dst(%arg7 : memref<400x128xf32, #tpu.memory_space<vmem>>)
      %ge3A_815 = arith.constant 2 : i32
      %ge3A_816 = arith.cmpi sge, %mul3A_27, %ge3A_815 : i32
      %convert_element_type3A_817 = arith.extui %ge3A_816 : i1 to i32
      %cond3A_818 = arith.constant 0 : i32
      %cond3A_819 = arith.cmpi ne, %convert_element_type3A_817, %cond3A_818 : i32
      scf.if %cond3A_819 {
        %sub3A = arith.constant 1 : i32
        %sub3A_1581 = arith.subi %mul3A_27, %sub3A : i32
        %max3A = arith.constant 0 : i32
        %max3A_1582 = arith.maxsi %sub3A_1581, %max3A : i32
        %mul3A_1583 = arith.constant 8 : i32
        %mul3A_1584 = arith.muli %max3A_1582, %mul3A_1583 : i32
        %add3A_1585 = arith.addi %mul3A_2, %mul3A_1584 : i32
        %dma_wait3A_1586 = arith.constant 0 : i32
        %dma_wait3A_1587 = tpu.memref_slice %arg4[%add3A_1585, %dma_wait3A_1586] : memref<4096x128xf32, #tpu.memory_space<hbm>> -> memref<8x128xf32, #tpu.memory_space<hbm>>
        %dma_wait3A_1588 = arith.constant 0 : i32
        %dma_wait3A_1589 = tpu.memref_slice %arg4[%add3A_1585, %dma_wait3A_1588] : memref<4096x128xf32, #tpu.memory_space<hbm>> -> memref<8x128xf32, #tpu.memory_space<hbm>>
        tpu.wait_dma2 semaphore(%arg13 : memref<!tpu.dma_semaphore, #tpu.memory_space<semaphore_mem>>) src(%arg9 : memref<8x128xf32, #tpu.memory_space<vmem>>) dst(%dma_wait3A_1589 : memref<8x128xf32, #tpu.memory_space<hbm>>)
      } else {
      }
      %add3A_820 = arith.constant 1 : i32
      %add3A_821 = arith.addi %mul3A_27, %add3A_820 : i32
      %broadcast_in_dim3A_822 = arith.constant 0.000000e+00 : f32
      %broadcast_in_dim3A_823 = vector.broadcast %broadcast_in_dim3A_822 : f32 to vector<16xf32>
      %broadcast_in_dim3A_824 = arith.constant 0.000000e+00 : f32
      %broadcast_in_dim3A_825 = vector.broadcast %broadcast_in_dim3A_824 : f32 to vector<16xf32>
      %broadcast_in_dim3A_826 = arith.constant 0.000000e+00 : f32
      %broadcast_in_dim3A_827 = vector.broadcast %broadcast_in_dim3A_826 : f32 to vector<16xf32>
      %broadcast_in_dim3A_828 = arith.constant 0.000000e+00 : f32
      %broadcast_in_dim3A_829 = vector.broadcast %broadcast_in_dim3A_828 : f32 to vector<16xf32>
      %broadcast_in_dim3A_830 = arith.constant 0.000000e+00 : f32
      %broadcast_in_dim3A_831 = vector.broadcast %broadcast_in_dim3A_830 : f32 to vector<16xf32>
      %broadcast_in_dim3A_832 = arith.constant 0.000000e+00 : f32
      %broadcast_in_dim3A_833 = vector.broadcast %broadcast_in_dim3A_832 : f32 to vector<16xf32>
      %broadcast_in_dim3A_834 = arith.constant 0.000000e+00 : f32
      %broadcast_in_dim3A_835 = vector.broadcast %broadcast_in_dim3A_834 : f32 to vector<16xf32>
      %broadcast_in_dim3A_836 = arith.constant 0.000000e+00 : f32
      %broadcast_in_dim3A_837 = vector.broadcast %broadcast_in_dim3A_836 : f32 to vector<16xf32>
      %scan3A_838 = arith.constant 0 : i32
      %scan3A_839 = arith.constant 50 : i32
      %scan3A_840 = arith.addi %scan3A_838, %scan3A_839 : i32
      %scan3A_841 = arith.constant 1 : i32
      %scan3A_842:8 = scf.for %scan3A_1581 = %scan3A_838 to %scan3A_840 step %scan3A_841 iter_args(%scan3A_1582 = %broadcast_in_dim3A_823, %scan3A_1583 = %broadcast_in_dim3A_825, %scan3A_1584 = %broadcast_in_dim3A_827, %scan3A_1585 = %broadcast_in_dim3A_829, %scan3A_1586 = %broadcast_in_dim3A_831, %scan3A_1587 = %broadcast_in_dim3A_833, %scan3A_1588 = %broadcast_in_dim3A_835, %scan3A_1589 = %broadcast_in_dim3A_837) -> (vector<16xf32>, vector<16xf32>, vector<16xf32>, vector<16xf32>, vector<16xf32>, vector<16xf32>, vector<16xf32>, vector<16xf32>)  : i32 {
        %add3A_1590 = arith.constant 0 : i32
        %add3A_1591 = arith.addi %add3A_1590, %scan3A_1581 : i32
        %get3A = arith.index_cast %add3A_1591 : i32 to index
        %get3A_1592 = arith.constant 0 : index
        %get3A_1593 = tpu.vector_load %arg7[%get3A, %get3A_1592] {strides = array<i32>} : memref<400x128xf32, #tpu.memory_space<vmem>>, vector<1x16xf32>,
        %get3A_1594 = vector.shape_cast %get3A_1593 : vector<1x16xf32> to vector<16xf32>
        %add3A_1595 = arith.addf %scan3A_1582, %get3A_1594 : vector<16xf32>
        %add3A_1596 = arith.constant 0 : i32
        %add3A_1597 = arith.addi %add3A_1596, %scan3A_1581 : i32
        %get3A_1598 = arith.index_cast %add3A_1597 : i32 to index
        %get3A_1599 = arith.constant 16 : index
        %get3A_1600 = tpu.vector_load %arg7[%get3A_1598, %get3A_1599] {strides = array<i32>} : memref<400x128xf32, #tpu.memory_space<vmem>>, vector<1x16xf32>,
        %get3A_1601 = vector.shape_cast %get3A_1600 : vector<1x16xf32> to vector<16xf32>
        %add3A_1602 = arith.addf %scan3A_1583, %get3A_1601 : vector<16xf32>
        %add3A_1603 = arith.constant 0 : i32
        %add3A_1604 = arith.addi %add3A_1603, %scan3A_1581 : i32
        %get3A_1605 = arith.index_cast %add3A_1604 : i32 to index
        %get3A_1606 = arith.constant 32 : index
        %get3A_1607 = tpu.vector_load %arg7[%get3A_1605, %get3A_1606] {strides = array<i32>} : memref<400x128xf32, #tpu.memory_space<vmem>>, vector<1x16xf32>,
        %get3A_1608 = vector.shape_cast %get3A_1607 : vector<1x16xf32> to vector<16xf32>
        %add3A_1609 = arith.addf %scan3A_1584, %get3A_1608 : vector<16xf32>
        %add3A_1610 = arith.constant 0 : i32
        %add3A_1611 = arith.addi %add3A_1610, %scan3A_1581 : i32
        %get3A_1612 = arith.index_cast %add3A_1611 : i32 to index
        %get3A_1613 = arith.constant 48 : index
        %get3A_1614 = tpu.vector_load %arg7[%get3A_1612, %get3A_1613] {strides = array<i32>} : memref<400x128xf32, #tpu.memory_space<vmem>>, vector<1x16xf32>,
        %get3A_1615 = vector.shape_cast %get3A_1614 : vector<1x16xf32> to vector<16xf32>
        %add3A_1616 = arith.addf %scan3A_1585, %get3A_1615 : vector<16xf32>
        %add3A_1617 = arith.constant 0 : i32
        %add3A_1618 = arith.addi %add3A_1617, %scan3A_1581 : i32
        %get3A_1619 = arith.index_cast %add3A_1618 : i32 to index
        %get3A_1620 = arith.constant 64 : index
        %get3A_1621 = tpu.vector_load %arg7[%get3A_1619, %get3A_1620] {strides = array<i32>} : memref<400x128xf32, #tpu.memory_space<vmem>>, vector<1x16xf32>,
        %get3A_1622 = vector.shape_cast %get3A_1621 : vector<1x16xf32> to vector<16xf32>
        %add3A_1623 = arith.addf %scan3A_1586, %get3A_1622 : vector<16xf32>
        %add3A_1624 = arith.constant 0 : i32
        %add3A_1625 = arith.addi %add3A_1624, %scan3A_1581 : i32
        %get3A_1626 = arith.index_cast %add3A_1625 : i32 to index
        %get3A_1627 = arith.constant 80 : index
        %get3A_1628 = tpu.vector_load %arg7[%get3A_1626, %get3A_1627] {strides = array<i32>} : memref<400x128xf32, #tpu.memory_space<vmem>>, vector<1x16xf32>,
        %get3A_1629 = vector.shape_cast %get3A_1628 : vector<1x16xf32> to vector<16xf32>
        %add3A_1630 = arith.addf %scan3A_1587, %get3A_1629 : vector<16xf32>
        %add3A_1631 = arith.constant 0 : i32
        %add3A_1632 = arith.addi %add3A_1631, %scan3A_1581 : i32
        %get3A_1633 = arith.index_cast %add3A_1632 : i32 to index
        %get3A_1634 = arith.constant 96 : index
        %get3A_1635 = tpu.vector_load %arg7[%get3A_1633, %get3A_1634] {strides = array<i32>} : memref<400x128xf32, #tpu.memory_space<vmem>>, vector<1x16xf32>,
        %get3A_1636 = vector.shape_cast %get3A_1635 : vector<1x16xf32> to vector<16xf32>
        %add3A_1637 = arith.addf %scan3A_1588, %get3A_1636 : vector<16xf32>
        %add3A_1638 = arith.constant 0 : i32
        %add3A_1639 = arith.addi %add3A_1638, %scan3A_1581 : i32
        %get3A_1640 = arith.index_cast %add3A_1639 : i32 to index
        %get3A_1641 = arith.constant 112 : index
        %get3A_1642 = tpu.vector_load %arg7[%get3A_1640, %get3A_1641] {strides = array<i32>} : memref<400x128xf32, #tpu.memory_space<vmem>>, vector<1x16xf32>,
        %get3A_1643 = vector.shape_cast %get3A_1642 : vector<1x16xf32> to vector<16xf32>
        %add3A_1644 = arith.addf %scan3A_1589, %get3A_1643 : vector<16xf32>
        scf.yield %add3A_1595, %add3A_1602, %add3A_1609, %add3A_1616, %add3A_1623, %add3A_1630, %add3A_1637, %add3A_1644 : vector<16xf32>, vector<16xf32>, vector<16xf32>, vector<16xf32>, vector<16xf32>, vector<16xf32>, vector<16xf32>, vector<16xf32>
      }
      %scan3A_843 = arith.constant 50 : i32
      %mul3A_844 = arith.constant 2.000000e-02 : f32
      %mul3A_845 = vector.broadcast %mul3A_844 : f32 to vector<16xf32>
      %mul3A_846 = arith.mulf %scan3A_842#0, %mul3A_845 : vector<16xf32>
      %swap3A_847 = arith.constant 0 : i32
      %swap3A_848 = arith.index_cast %swap3A_847 : i32 to index
      %swap3A_849 = arith.constant 0 : index
      %swap3A_850 = tpu.vector_load %arg9[%swap3A_848, %swap3A_849] {strides = array<i32>} : memref<8x128xf32, #tpu.memory_space<vmem>>, vector<1x16xf32>,
      %swap3A_851 = vector.shape_cast %swap3A_850 : vector<1x16xf32> to vector<16xf32>
      %swap3A_852 = vector.shape_cast %mul3A_846 : vector<16xf32> to vector<1x16xf32>
      tpu.vector_store %arg9[%swap3A_848, %swap3A_849], %swap3A_852 {strides = array<i32>} : memref<8x128xf32, #tpu.memory_space<vmem>>, vector<1x16xf32>,
      %mul3A_853 = arith.constant 2.000000e-02 : f32
      %mul3A_854 = vector.broadcast %mul3A_853 : f32 to vector<16xf32>
      %mul3A_855 = arith.mulf %scan3A_842#1, %mul3A_854 : vector<16xf32>
      %swap3A_856 = arith.constant 0 : i32
      %swap3A_857 = arith.index_cast %swap3A_856 : i32 to index
      %swap3A_858 = arith.constant 16 : index
      %swap3A_859 = tpu.vector_load %arg9[%swap3A_857, %swap3A_858] {strides = array<i32>} : memref<8x128xf32, #tpu.memory_space<vmem>>, vector<1x16xf32>,
      %swap3A_860 = vector.shape_cast %swap3A_859 : vector<1x16xf32> to vector<16xf32>
      %swap3A_861 = vector.shape_cast %mul3A_855 : vector<16xf32> to vector<1x16xf32>
      tpu.vector_store %arg9[%swap3A_857, %swap3A_858], %swap3A_861 {strides = array<i32>} : memref<8x128xf32, #tpu.memory_space<vmem>>, vector<1x16xf32>,
      %mul3A_862 = arith.constant 2.000000e-02 : f32
      %mul3A_863 = vector.broadcast %mul3A_862 : f32 to vector<16xf32>
      %mul3A_864 = arith.mulf %scan3A_842#2, %mul3A_863 : vector<16xf32>
      %swap3A_865 = arith.constant 0 : i32
      %swap3A_866 = arith.index_cast %swap3A_865 : i32 to index
      %swap3A_867 = arith.constant 32 : index
      %swap3A_868 = tpu.vector_load %arg9[%swap3A_866, %swap3A_867] {strides = array<i32>} : memref<8x128xf32, #tpu.memory_space<vmem>>, vector<1x16xf32>,
      %swap3A_869 = vector.shape_cast %swap3A_868 : vector<1x16xf32> to vector<16xf32>
      %swap3A_870 = vector.shape_cast %mul3A_864 : vector<16xf32> to vector<1x16xf32>
      tpu.vector_store %arg9[%swap3A_866, %swap3A_867], %swap3A_870 {strides = array<i32>} : memref<8x128xf32, #tpu.memory_space<vmem>>, vector<1x16xf32>,
      %mul3A_871 = arith.constant 2.000000e-02 : f32
      %mul3A_872 = vector.broadcast %mul3A_871 : f32 to vector<16xf32>
      %mul3A_873 = arith.mulf %scan3A_842#3, %mul3A_872 : vector<16xf32>
      %swap3A_874 = arith.constant 0 : i32
      %swap3A_875 = arith.index_cast %swap3A_874 : i32 to index
      %swap3A_876 = arith.constant 48 : index
      %swap3A_877 = tpu.vector_load %arg9[%swap3A_875, %swap3A_876] {strides = array<i32>} : memref<8x128xf32, #tpu.memory_space<vmem>>, vector<1x16xf32>,
      %swap3A_878 = vector.shape_cast %swap3A_877 : vector<1x16xf32> to vector<16xf32>
      %swap3A_879 = vector.shape_cast %mul3A_873 : vector<16xf32> to vector<1x16xf32>
      tpu.vector_store %arg9[%swap3A_875, %swap3A_876], %swap3A_879 {strides = array<i32>} : memref<8x128xf32, #tpu.memory_space<vmem>>, vector<1x16xf32>,
      %mul3A_880 = arith.constant 2.000000e-02 : f32
      %mul3A_881 = vector.broadcast %mul3A_880 : f32 to vector<16xf32>
      %mul3A_882 = arith.mulf %scan3A_842#4, %mul3A_881 : vector<16xf32>
      %swap3A_883 = arith.constant 0 : i32
      %swap3A_884 = arith.index_cast %swap3A_883 : i32 to index
      %swap3A_885 = arith.constant 64 : index
      %swap3A_886 = tpu.vector_load %arg9[%swap3A_884, %swap3A_885] {strides = array<i32>} : memref<8x128xf32, #tpu.memory_space<vmem>>, vector<1x16xf32>,
      %swap3A_887 = vector.shape_cast %swap3A_886 : vector<1x16xf32> to vector<16xf32>
      %swap3A_888 = vector.shape_cast %mul3A_882 : vector<16xf32> to vector<1x16xf32>
      tpu.vector_store %arg9[%swap3A_884, %swap3A_885], %swap3A_888 {strides = array<i32>} : memref<8x128xf32, #tpu.memory_space<vmem>>, vector<1x16xf32>,
      %mul3A_889 = arith.constant 2.000000e-02 : f32
      %mul3A_890 = vector.broadcast %mul3A_889 : f32 to vector<16xf32>
      %mul3A_891 = arith.mulf %scan3A_842#5, %mul3A_890 : vector<16xf32>
      %swap3A_892 = arith.constant 0 : i32
      %swap3A_893 = arith.index_cast %swap3A_892 : i32 to index
      %swap3A_894 = arith.constant 80 : index
      %swap3A_895 = tpu.vector_load %arg9[%swap3A_893, %swap3A_894] {strides = array<i32>} : memref<8x128xf32, #tpu.memory_space<vmem>>, vector<1x16xf32>,
      %swap3A_896 = vector.shape_cast %swap3A_895 : vector<1x16xf32> to vector<16xf32>
      %swap3A_897 = vector.shape_cast %mul3A_891 : vector<16xf32> to vector<1x16xf32>
      tpu.vector_store %arg9[%swap3A_893, %swap3A_894], %swap3A_897 {strides = array<i32>} : memref<8x128xf32, #tpu.memory_space<vmem>>, vector<1x16xf32>,
      %mul3A_898 = arith.constant 2.000000e-02 : f32
      %mul3A_899 = vector.broadcast %mul3A_898 : f32 to vector<16xf32>
      %mul3A_900 = arith.mulf %scan3A_842#6, %mul3A_899 : vector<16xf32>
      %swap3A_901 = arith.constant 0 : i32
      %swap3A_902 = arith.index_cast %swap3A_901 : i32 to index
      %swap3A_903 = arith.constant 96 : index
      %swap3A_904 = tpu.vector_load %arg9[%swap3A_902, %swap3A_903] {strides = array<i32>} : memref<8x128xf32, #tpu.memory_space<vmem>>, vector<1x16xf32>,
      %swap3A_905 = vector.shape_cast %swap3A_904 : vector<1x16xf32> to vector<16xf32>
      %swap3A_906 = vector.shape_cast %mul3A_900 : vector<16xf32> to vector<1x16xf32>
      tpu.vector_store %arg9[%swap3A_902, %swap3A_903], %swap3A_906 {strides = array<i32>} : memref<8x128xf32, #tpu.memory_space<vmem>>, vector<1x16xf32>,
      %mul3A_907 = arith.constant 2.000000e-02 : f32
      %mul3A_908 = vector.broadcast %mul3A_907 : f32 to vector<16xf32>
      %mul3A_909 = arith.mulf %scan3A_842#7, %mul3A_908 : vector<16xf32>
      %swap3A_910 = arith.constant 0 : i32
      %swap3A_911 = arith.index_cast %swap3A_910 : i32 to index
      %swap3A_912 = arith.constant 112 : index
      %swap3A_913 = tpu.vector_load %arg9[%swap3A_911, %swap3A_912] {strides = array<i32>} : memref<8x128xf32, #tpu.memory_space<vmem>>, vector<1x16xf32>,
      %swap3A_914 = vector.shape_cast %swap3A_913 : vector<1x16xf32> to vector<16xf32>
      %swap3A_915 = vector.shape_cast %mul3A_909 : vector<16xf32> to vector<1x16xf32>
      tpu.vector_store %arg9[%swap3A_911, %swap3A_912], %swap3A_915 {strides = array<i32>} : memref<8x128xf32, #tpu.memory_space<vmem>>, vector<1x16xf32>,
      %broadcast_in_dim3A_916 = arith.constant 0.000000e+00 : f32
      %broadcast_in_dim3A_917 = vector.broadcast %broadcast_in_dim3A_916 : f32 to vector<16xf32>
      %broadcast_in_dim3A_918 = arith.constant 0.000000e+00 : f32
      %broadcast_in_dim3A_919 = vector.broadcast %broadcast_in_dim3A_918 : f32 to vector<16xf32>
      %broadcast_in_dim3A_920 = arith.constant 0.000000e+00 : f32
      %broadcast_in_dim3A_921 = vector.broadcast %broadcast_in_dim3A_920 : f32 to vector<16xf32>
      %broadcast_in_dim3A_922 = arith.constant 0.000000e+00 : f32
      %broadcast_in_dim3A_923 = vector.broadcast %broadcast_in_dim3A_922 : f32 to vector<16xf32>
      %broadcast_in_dim3A_924 = arith.constant 0.000000e+00 : f32
      %broadcast_in_dim3A_925 = vector.broadcast %broadcast_in_dim3A_924 : f32 to vector<16xf32>
      %broadcast_in_dim3A_926 = arith.constant 0.000000e+00 : f32
      %broadcast_in_dim3A_927 = vector.broadcast %broadcast_in_dim3A_926 : f32 to vector<16xf32>
      %broadcast_in_dim3A_928 = arith.constant 0.000000e+00 : f32
      %broadcast_in_dim3A_929 = vector.broadcast %broadcast_in_dim3A_928 : f32 to vector<16xf32>
      %broadcast_in_dim3A_930 = arith.constant 0.000000e+00 : f32
      %broadcast_in_dim3A_931 = vector.broadcast %broadcast_in_dim3A_930 : f32 to vector<16xf32>
      %scan3A_932 = arith.constant 0 : i32
      %scan3A_933 = arith.constant 50 : i32
      %scan3A_934 = arith.addi %scan3A_932, %scan3A_933 : i32
      %scan3A_935 = arith.constant 1 : i32
      %scan3A_936:8 = scf.for %scan3A_1581 = %scan3A_932 to %scan3A_934 step %scan3A_935 iter_args(%scan3A_1582 = %broadcast_in_dim3A_917, %scan3A_1583 = %broadcast_in_dim3A_919, %scan3A_1584 = %broadcast_in_dim3A_921, %scan3A_1585 = %broadcast_in_dim3A_923, %scan3A_1586 = %broadcast_in_dim3A_925, %scan3A_1587 = %broadcast_in_dim3A_927, %scan3A_1588 = %broadcast_in_dim3A_929, %scan3A_1589 = %broadcast_in_dim3A_931) -> (vector<16xf32>, vector<16xf32>, vector<16xf32>, vector<16xf32>, vector<16xf32>, vector<16xf32>, vector<16xf32>, vector<16xf32>)  : i32 {
        %add3A_1590 = arith.constant 50 : i32
        %add3A_1591 = arith.addi %add3A_1590, %scan3A_1581 : i32
        %get3A = arith.index_cast %add3A_1591 : i32 to index
        %get3A_1592 = arith.constant 0 : index
        %get3A_1593 = tpu.vector_load %arg7[%get3A, %get3A_1592] {strides = array<i32>} : memref<400x128xf32, #tpu.memory_space<vmem>>, vector<1x16xf32>,
        %get3A_1594 = vector.shape_cast %get3A_1593 : vector<1x16xf32> to vector<16xf32>
        %add3A_1595 = arith.addf %scan3A_1582, %get3A_1594 : vector<16xf32>
        %add3A_1596 = arith.constant 50 : i32
        %add3A_1597 = arith.addi %add3A_1596, %scan3A_1581 : i32
        %get3A_1598 = arith.index_cast %add3A_1597 : i32 to index
        %get3A_1599 = arith.constant 16 : index
        %get3A_1600 = tpu.vector_load %arg7[%get3A_1598, %get3A_1599] {strides = array<i32>} : memref<400x128xf32, #tpu.memory_space<vmem>>, vector<1x16xf32>,
        %get3A_1601 = vector.shape_cast %get3A_1600 : vector<1x16xf32> to vector<16xf32>
        %add3A_1602 = arith.addf %scan3A_1583, %get3A_1601 : vector<16xf32>
        %add3A_1603 = arith.constant 50 : i32
        %add3A_1604 = arith.addi %add3A_1603, %scan3A_1581 : i32
        %get3A_1605 = arith.index_cast %add3A_1604 : i32 to index
        %get3A_1606 = arith.constant 32 : index
        %get3A_1607 = tpu.vector_load %arg7[%get3A_1605, %get3A_1606] {strides = array<i32>} : memref<400x128xf32, #tpu.memory_space<vmem>>, vector<1x16xf32>,
        %get3A_1608 = vector.shape_cast %get3A_1607 : vector<1x16xf32> to vector<16xf32>
        %add3A_1609 = arith.addf %scan3A_1584, %get3A_1608 : vector<16xf32>
        %add3A_1610 = arith.constant 50 : i32
        %add3A_1611 = arith.addi %add3A_1610, %scan3A_1581 : i32
        %get3A_1612 = arith.index_cast %add3A_1611 : i32 to index
        %get3A_1613 = arith.constant 48 : index
        %get3A_1614 = tpu.vector_load %arg7[%get3A_1612, %get3A_1613] {strides = array<i32>} : memref<400x128xf32, #tpu.memory_space<vmem>>, vector<1x16xf32>,
        %get3A_1615 = vector.shape_cast %get3A_1614 : vector<1x16xf32> to vector<16xf32>
        %add3A_1616 = arith.addf %scan3A_1585, %get3A_1615 : vector<16xf32>
        %add3A_1617 = arith.constant 50 : i32
        %add3A_1618 = arith.addi %add3A_1617, %scan3A_1581 : i32
        %get3A_1619 = arith.index_cast %add3A_1618 : i32 to index
        %get3A_1620 = arith.constant 64 : index
        %get3A_1621 = tpu.vector_load %arg7[%get3A_1619, %get3A_1620] {strides = array<i32>} : memref<400x128xf32, #tpu.memory_space<vmem>>, vector<1x16xf32>,
        %get3A_1622 = vector.shape_cast %get3A_1621 : vector<1x16xf32> to vector<16xf32>
        %add3A_1623 = arith.addf %scan3A_1586, %get3A_1622 : vector<16xf32>
        %add3A_1624 = arith.constant 50 : i32
        %add3A_1625 = arith.addi %add3A_1624, %scan3A_1581 : i32
        %get3A_1626 = arith.index_cast %add3A_1625 : i32 to index
        %get3A_1627 = arith.constant 80 : index
        %get3A_1628 = tpu.vector_load %arg7[%get3A_1626, %get3A_1627] {strides = array<i32>} : memref<400x128xf32, #tpu.memory_space<vmem>>, vector<1x16xf32>,
        %get3A_1629 = vector.shape_cast %get3A_1628 : vector<1x16xf32> to vector<16xf32>
        %add3A_1630 = arith.addf %scan3A_1587, %get3A_1629 : vector<16xf32>
        %add3A_1631 = arith.constant 50 : i32
        %add3A_1632 = arith.addi %add3A_1631, %scan3A_1581 : i32
        %get3A_1633 = arith.index_cast %add3A_1632 : i32 to index
        %get3A_1634 = arith.constant 96 : index
        %get3A_1635 = tpu.vector_load %arg7[%get3A_1633, %get3A_1634] {strides = array<i32>} : memref<400x128xf32, #tpu.memory_space<vmem>>, vector<1x16xf32>,
        %get3A_1636 = vector.shape_cast %get3A_1635 : vector<1x16xf32> to vector<16xf32>
        %add3A_1637 = arith.addf %scan3A_1588, %get3A_1636 : vector<16xf32>
        %add3A_1638 = arith.constant 50 : i32
        %add3A_1639 = arith.addi %add3A_1638, %scan3A_1581 : i32
        %get3A_1640 = arith.index_cast %add3A_1639 : i32 to index
        %get3A_1641 = arith.constant 112 : index
        %get3A_1642 = tpu.vector_load %arg7[%get3A_1640, %get3A_1641] {strides = array<i32>} : memref<400x128xf32, #tpu.memory_space<vmem>>, vector<1x16xf32>,
        %get3A_1643 = vector.shape_cast %get3A_1642 : vector<1x16xf32> to vector<16xf32>
        %add3A_1644 = arith.addf %scan3A_1589, %get3A_1643 : vector<16xf32>
        scf.yield %add3A_1595, %add3A_1602, %add3A_1609, %add3A_1616, %add3A_1623, %add3A_1630, %add3A_1637, %add3A_1644 : vector<16xf32>, vector<16xf32>, vector<16xf32>, vector<16xf32>, vector<16xf32>, vector<16xf32>, vector<16xf32>, vector<16xf32>
      }
      %scan3A_937 = arith.constant 50 : i32
      %mul3A_938 = arith.constant 2.000000e-02 : f32
      %mul3A_939 = vector.broadcast %mul3A_938 : f32 to vector<16xf32>
      %mul3A_940 = arith.mulf %scan3A_936#0, %mul3A_939 : vector<16xf32>
      %swap3A_941 = arith.constant 1 : i32
      %swap3A_942 = arith.index_cast %swap3A_941 : i32 to index
      %swap3A_943 = arith.constant 0 : index
      %swap3A_944 = tpu.vector_load %arg9[%swap3A_942, %swap3A_943] {strides = array<i32>} : memref<8x128xf32, #tpu.memory_space<vmem>>, vector<1x16xf32>,
      %swap3A_945 = vector.shape_cast %swap3A_944 : vector<1x16xf32> to vector<16xf32>
      %swap3A_946 = vector.shape_cast %mul3A_940 : vector<16xf32> to vector<1x16xf32>
      tpu.vector_store %arg9[%swap3A_942, %swap3A_943], %swap3A_946 {strides = array<i32>} : memref<8x128xf32, #tpu.memory_space<vmem>>, vector<1x16xf32>,
      %mul3A_947 = arith.constant 2.000000e-02 : f32
      %mul3A_948 = vector.broadcast %mul3A_947 : f32 to vector<16xf32>
      %mul3A_949 = arith.mulf %scan3A_936#1, %mul3A_948 : vector<16xf32>
      %swap3A_950 = arith.constant 1 : i32
      %swap3A_951 = arith.index_cast %swap3A_950 : i32 to index
      %swap3A_952 = arith.constant 16 : index
      %swap3A_953 = tpu.vector_load %arg9[%swap3A_951, %swap3A_952] {strides = array<i32>} : memref<8x128xf32, #tpu.memory_space<vmem>>, vector<1x16xf32>,
      %swap3A_954 = vector.shape_cast %swap3A_953 : vector<1x16xf32> to vector<16xf32>
      %swap3A_955 = vector.shape_cast %mul3A_949 : vector<16xf32> to vector<1x16xf32>
      tpu.vector_store %arg9[%swap3A_951, %swap3A_952], %swap3A_955 {strides = array<i32>} : memref<8x128xf32, #tpu.memory_space<vmem>>, vector<1x16xf32>,
      %mul3A_956 = arith.constant 2.000000e-02 : f32
      %mul3A_957 = vector.broadcast %mul3A_956 : f32 to vector<16xf32>
      %mul3A_958 = arith.mulf %scan3A_936#2, %mul3A_957 : vector<16xf32>
      %swap3A_959 = arith.constant 1 : i32
      %swap3A_960 = arith.index_cast %swap3A_959 : i32 to index
      %swap3A_961 = arith.constant 32 : index
      %swap3A_962 = tpu.vector_load %arg9[%swap3A_960, %swap3A_961] {strides = array<i32>} : memref<8x128xf32, #tpu.memory_space<vmem>>, vector<1x16xf32>,
      %swap3A_963 = vector.shape_cast %swap3A_962 : vector<1x16xf32> to vector<16xf32>
      %swap3A_964 = vector.shape_cast %mul3A_958 : vector<16xf32> to vector<1x16xf32>
      tpu.vector_store %arg9[%swap3A_960, %swap3A_961], %swap3A_964 {strides = array<i32>} : memref<8x128xf32, #tpu.memory_space<vmem>>, vector<1x16xf32>,
      %mul3A_965 = arith.constant 2.000000e-02 : f32
      %mul3A_966 = vector.broadcast %mul3A_965 : f32 to vector<16xf32>
      %mul3A_967 = arith.mulf %scan3A_936#3, %mul3A_966 : vector<16xf32>
      %swap3A_968 = arith.constant 1 : i32
      %swap3A_969 = arith.index_cast %swap3A_968 : i32 to index
      %swap3A_970 = arith.constant 48 : index
      %swap3A_971 = tpu.vector_load %arg9[%swap3A_969, %swap3A_970] {strides = array<i32>} : memref<8x128xf32, #tpu.memory_space<vmem>>, vector<1x16xf32>,
      %swap3A_972 = vector.shape_cast %swap3A_971 : vector<1x16xf32> to vector<16xf32>
      %swap3A_973 = vector.shape_cast %mul3A_967 : vector<16xf32> to vector<1x16xf32>
      tpu.vector_store %arg9[%swap3A_969, %swap3A_970], %swap3A_973 {strides = array<i32>} : memref<8x128xf32, #tpu.memory_space<vmem>>, vector<1x16xf32>,
      %mul3A_974 = arith.constant 2.000000e-02 : f32
      %mul3A_975 = vector.broadcast %mul3A_974 : f32 to vector<16xf32>
      %mul3A_976 = arith.mulf %scan3A_936#4, %mul3A_975 : vector<16xf32>
      %swap3A_977 = arith.constant 1 : i32
      %swap3A_978 = arith.index_cast %swap3A_977 : i32 to index
      %swap3A_979 = arith.constant 64 : index
      %swap3A_980 = tpu.vector_load %arg9[%swap3A_978, %swap3A_979] {strides = array<i32>} : memref<8x128xf32, #tpu.memory_space<vmem>>, vector<1x16xf32>,
      %swap3A_981 = vector.shape_cast %swap3A_980 : vector<1x16xf32> to vector<16xf32>
      %swap3A_982 = vector.shape_cast %mul3A_976 : vector<16xf32> to vector<1x16xf32>
      tpu.vector_store %arg9[%swap3A_978, %swap3A_979], %swap3A_982 {strides = array<i32>} : memref<8x128xf32, #tpu.memory_space<vmem>>, vector<1x16xf32>,
      %mul3A_983 = arith.constant 2.000000e-02 : f32
      %mul3A_984 = vector.broadcast %mul3A_983 : f32 to vector<16xf32>
      %mul3A_985 = arith.mulf %scan3A_936#5, %mul3A_984 : vector<16xf32>
      %swap3A_986 = arith.constant 1 : i32
      %swap3A_987 = arith.index_cast %swap3A_986 : i32 to index
      %swap3A_988 = arith.constant 80 : index
      %swap3A_989 = tpu.vector_load %arg9[%swap3A_987, %swap3A_988] {strides = array<i32>} : memref<8x128xf32, #tpu.memory_space<vmem>>, vector<1x16xf32>,
      %swap3A_990 = vector.shape_cast %swap3A_989 : vector<1x16xf32> to vector<16xf32>
      %swap3A_991 = vector.shape_cast %mul3A_985 : vector<16xf32> to vector<1x16xf32>
      tpu.vector_store %arg9[%swap3A_987, %swap3A_988], %swap3A_991 {strides = array<i32>} : memref<8x128xf32, #tpu.memory_space<vmem>>, vector<1x16xf32>,
      %mul3A_992 = arith.constant 2.000000e-02 : f32
      %mul3A_993 = vector.broadcast %mul3A_992 : f32 to vector<16xf32>
      %mul3A_994 = arith.mulf %scan3A_936#6, %mul3A_993 : vector<16xf32>
      %swap3A_995 = arith.constant 1 : i32
      %swap3A_996 = arith.index_cast %swap3A_995 : i32 to index
      %swap3A_997 = arith.constant 96 : index
      %swap3A_998 = tpu.vector_load %arg9[%swap3A_996, %swap3A_997] {strides = array<i32>} : memref<8x128xf32, #tpu.memory_space<vmem>>, vector<1x16xf32>,
      %swap3A_999 = vector.shape_cast %swap3A_998 : vector<1x16xf32> to vector<16xf32>
      %swap3A_1000 = vector.shape_cast %mul3A_994 : vector<16xf32> to vector<1x16xf32>
      tpu.vector_store %arg9[%swap3A_996, %swap3A_997], %swap3A_1000 {strides = array<i32>} : memref<8x128xf32, #tpu.memory_space<vmem>>, vector<1x16xf32>,
      %mul3A_1001 = arith.constant 2.000000e-02 : f32
      %mul3A_1002 = vector.broadcast %mul3A_1001 : f32 to vector<16xf32>
      %mul3A_1003 = arith.mulf %scan3A_936#7, %mul3A_1002 : vector<16xf32>
      %swap3A_1004 = arith.constant 1 : i32
      %swap3A_1005 = arith.index_cast %swap3A_1004 : i32 to index
      %swap3A_1006 = arith.constant 112 : index
      %swap3A_1007 = tpu.vector_load %arg9[%swap3A_1005, %swap3A_1006] {strides = array<i32>} : memref<8x128xf32, #tpu.memory_space<vmem>>, vector<1x16xf32>,
      %swap3A_1008 = vector.shape_cast %swap3A_1007 : vector<1x16xf32> to vector<16xf32>
      %swap3A_1009 = vector.shape_cast %mul3A_1003 : vector<16xf32> to vector<1x16xf32>
      tpu.vector_store %arg9[%swap3A_1005, %swap3A_1006], %swap3A_1009 {strides = array<i32>} : memref<8x128xf32, #tpu.memory_space<vmem>>, vector<1x16xf32>,
      %broadcast_in_dim3A_1010 = arith.constant 0.000000e+00 : f32
      %broadcast_in_dim3A_1011 = vector.broadcast %broadcast_in_dim3A_1010 : f32 to vector<16xf32>
      %broadcast_in_dim3A_1012 = arith.constant 0.000000e+00 : f32
      %broadcast_in_dim3A_1013 = vector.broadcast %broadcast_in_dim3A_1012 : f32 to vector<16xf32>
      %broadcast_in_dim3A_1014 = arith.constant 0.000000e+00 : f32
      %broadcast_in_dim3A_1015 = vector.broadcast %broadcast_in_dim3A_1014 : f32 to vector<16xf32>
      %broadcast_in_dim3A_1016 = arith.constant 0.000000e+00 : f32
      %broadcast_in_dim3A_1017 = vector.broadcast %broadcast_in_dim3A_1016 : f32 to vector<16xf32>
      %broadcast_in_dim3A_1018 = arith.constant 0.000000e+00 : f32
      %broadcast_in_dim3A_1019 = vector.broadcast %broadcast_in_dim3A_1018 : f32 to vector<16xf32>
      %broadcast_in_dim3A_1020 = arith.constant 0.000000e+00 : f32
      %broadcast_in_dim3A_1021 = vector.broadcast %broadcast_in_dim3A_1020 : f32 to vector<16xf32>
      %broadcast_in_dim3A_1022 = arith.constant 0.000000e+00 : f32
      %broadcast_in_dim3A_1023 = vector.broadcast %broadcast_in_dim3A_1022 : f32 to vector<16xf32>
      %broadcast_in_dim3A_1024 = arith.constant 0.000000e+00 : f32
      %broadcast_in_dim3A_1025 = vector.broadcast %broadcast_in_dim3A_1024 : f32 to vector<16xf32>
      %scan3A_1026 = arith.constant 0 : i32
      %scan3A_1027 = arith.constant 50 : i32
      %scan3A_1028 = arith.addi %scan3A_1026, %scan3A_1027 : i32
      %scan3A_1029 = arith.constant 1 : i32
      %scan3A_1030:8 = scf.for %scan3A_1581 = %scan3A_1026 to %scan3A_1028 step %scan3A_1029 iter_args(%scan3A_1582 = %broadcast_in_dim3A_1011, %scan3A_1583 = %broadcast_in_dim3A_1013, %scan3A_1584 = %broadcast_in_dim3A_1015, %scan3A_1585 = %broadcast_in_dim3A_1017, %scan3A_1586 = %broadcast_in_dim3A_1019, %scan3A_1587 = %broadcast_in_dim3A_1021, %scan3A_1588 = %broadcast_in_dim3A_1023, %scan3A_1589 = %broadcast_in_dim3A_1025) -> (vector<16xf32>, vector<16xf32>, vector<16xf32>, vector<16xf32>, vector<16xf32>, vector<16xf32>, vector<16xf32>, vector<16xf32>)  : i32 {
        %add3A_1590 = arith.constant 100 : i32
        %add3A_1591 = arith.addi %add3A_1590, %scan3A_1581 : i32
        %get3A = arith.index_cast %add3A_1591 : i32 to index
        %get3A_1592 = arith.constant 0 : index
        %get3A_1593 = tpu.vector_load %arg7[%get3A, %get3A_1592] {strides = array<i32>} : memref<400x128xf32, #tpu.memory_space<vmem>>, vector<1x16xf32>,
        %get3A_1594 = vector.shape_cast %get3A_1593 : vector<1x16xf32> to vector<16xf32>
        %add3A_1595 = arith.addf %scan3A_1582, %get3A_1594 : vector<16xf32>
        %add3A_1596 = arith.constant 100 : i32
        %add3A_1597 = arith.addi %add3A_1596, %scan3A_1581 : i32
        %get3A_1598 = arith.index_cast %add3A_1597 : i32 to index
        %get3A_1599 = arith.constant 16 : index
        %get3A_1600 = tpu.vector_load %arg7[%get3A_1598, %get3A_1599] {strides = array<i32>} : memref<400x128xf32, #tpu.memory_space<vmem>>, vector<1x16xf32>,
        %get3A_1601 = vector.shape_cast %get3A_1600 : vector<1x16xf32> to vector<16xf32>
        %add3A_1602 = arith.addf %scan3A_1583, %get3A_1601 : vector<16xf32>
        %add3A_1603 = arith.constant 100 : i32
        %add3A_1604 = arith.addi %add3A_1603, %scan3A_1581 : i32
        %get3A_1605 = arith.index_cast %add3A_1604 : i32 to index
        %get3A_1606 = arith.constant 32 : index
        %get3A_1607 = tpu.vector_load %arg7[%get3A_1605, %get3A_1606] {strides = array<i32>} : memref<400x128xf32, #tpu.memory_space<vmem>>, vector<1x16xf32>,
        %get3A_1608 = vector.shape_cast %get3A_1607 : vector<1x16xf32> to vector<16xf32>
        %add3A_1609 = arith.addf %scan3A_1584, %get3A_1608 : vector<16xf32>
        %add3A_1610 = arith.constant 100 : i32
        %add3A_1611 = arith.addi %add3A_1610, %scan3A_1581 : i32
        %get3A_1612 = arith.index_cast %add3A_1611 : i32 to index
        %get3A_1613 = arith.constant 48 : index
        %get3A_1614 = tpu.vector_load %arg7[%get3A_1612, %get3A_1613] {strides = array<i32>} : memref<400x128xf32, #tpu.memory_space<vmem>>, vector<1x16xf32>,
        %get3A_1615 = vector.shape_cast %get3A_1614 : vector<1x16xf32> to vector<16xf32>
        %add3A_1616 = arith.addf %scan3A_1585, %get3A_1615 : vector<16xf32>
        %add3A_1617 = arith.constant 100 : i32
        %add3A_1618 = arith.addi %add3A_1617, %scan3A_1581 : i32
        %get3A_1619 = arith.index_cast %add3A_1618 : i32 to index
        %get3A_1620 = arith.constant 64 : index
        %get3A_1621 = tpu.vector_load %arg7[%get3A_1619, %get3A_1620] {strides = array<i32>} : memref<400x128xf32, #tpu.memory_space<vmem>>, vector<1x16xf32>,
        %get3A_1622 = vector.shape_cast %get3A_1621 : vector<1x16xf32> to vector<16xf32>
        %add3A_1623 = arith.addf %scan3A_1586, %get3A_1622 : vector<16xf32>
        %add3A_1624 = arith.constant 100 : i32
        %add3A_1625 = arith.addi %add3A_1624, %scan3A_1581 : i32
        %get3A_1626 = arith.index_cast %add3A_1625 : i32 to index
        %get3A_1627 = arith.constant 80 : index
        %get3A_1628 = tpu.vector_load %arg7[%get3A_1626, %get3A_1627] {strides = array<i32>} : memref<400x128xf32, #tpu.memory_space<vmem>>, vector<1x16xf32>,
        %get3A_1629 = vector.shape_cast %get3A_1628 : vector<1x16xf32> to vector<16xf32>
        %add3A_1630 = arith.addf %scan3A_1587, %get3A_1629 : vector<16xf32>
        %add3A_1631 = arith.constant 100 : i32
        %add3A_1632 = arith.addi %add3A_1631, %scan3A_1581 : i32
        %get3A_1633 = arith.index_cast %add3A_1632 : i32 to index
        %get3A_1634 = arith.constant 96 : index
        %get3A_1635 = tpu.vector_load %arg7[%get3A_1633, %get3A_1634] {strides = array<i32>} : memref<400x128xf32, #tpu.memory_space<vmem>>, vector<1x16xf32>,
        %get3A_1636 = vector.shape_cast %get3A_1635 : vector<1x16xf32> to vector<16xf32>
        %add3A_1637 = arith.addf %scan3A_1588, %get3A_1636 : vector<16xf32>
        %add3A_1638 = arith.constant 100 : i32
        %add3A_1639 = arith.addi %add3A_1638, %scan3A_1581 : i32
        %get3A_1640 = arith.index_cast %add3A_1639 : i32 to index
        %get3A_1641 = arith.constant 112 : index
        %get3A_1642 = tpu.vector_load %arg7[%get3A_1640, %get3A_1641] {strides = array<i32>} : memref<400x128xf32, #tpu.memory_space<vmem>>, vector<1x16xf32>,
        %get3A_1643 = vector.shape_cast %get3A_1642 : vector<1x16xf32> to vector<16xf32>
        %add3A_1644 = arith.addf %scan3A_1589, %get3A_1643 : vector<16xf32>
        scf.yield %add3A_1595, %add3A_1602, %add3A_1609, %add3A_1616, %add3A_1623, %add3A_1630, %add3A_1637, %add3A_1644 : vector<16xf32>, vector<16xf32>, vector<16xf32>, vector<16xf32>, vector<16xf32>, vector<16xf32>, vector<16xf32>, vector<16xf32>
      }
      %scan3A_1031 = arith.constant 50 : i32
      %mul3A_1032 = arith.constant 2.000000e-02 : f32
      %mul3A_1033 = vector.broadcast %mul3A_1032 : f32 to vector<16xf32>
      %mul3A_1034 = arith.mulf %scan3A_1030#0, %mul3A_1033 : vector<16xf32>
      %swap3A_1035 = arith.constant 2 : i32
      %swap3A_1036 = arith.index_cast %swap3A_1035 : i32 to index
      %swap3A_1037 = arith.constant 0 : index
      %swap3A_1038 = tpu.vector_load %arg9[%swap3A_1036, %swap3A_1037] {strides = array<i32>} : memref<8x128xf32, #tpu.memory_space<vmem>>, vector<1x16xf32>,
      %swap3A_1039 = vector.shape_cast %swap3A_1038 : vector<1x16xf32> to vector<16xf32>
      %swap3A_1040 = vector.shape_cast %mul3A_1034 : vector<16xf32> to vector<1x16xf32>
      tpu.vector_store %arg9[%swap3A_1036, %swap3A_1037], %swap3A_1040 {strides = array<i32>} : memref<8x128xf32, #tpu.memory_space<vmem>>, vector<1x16xf32>,
      %mul3A_1041 = arith.constant 2.000000e-02 : f32
      %mul3A_1042 = vector.broadcast %mul3A_1041 : f32 to vector<16xf32>
      %mul3A_1043 = arith.mulf %scan3A_1030#1, %mul3A_1042 : vector<16xf32>
      %swap3A_1044 = arith.constant 2 : i32
      %swap3A_1045 = arith.index_cast %swap3A_1044 : i32 to index
      %swap3A_1046 = arith.constant 16 : index
      %swap3A_1047 = tpu.vector_load %arg9[%swap3A_1045, %swap3A_1046] {strides = array<i32>} : memref<8x128xf32, #tpu.memory_space<vmem>>, vector<1x16xf32>,
      %swap3A_1048 = vector.shape_cast %swap3A_1047 : vector<1x16xf32> to vector<16xf32>
      %swap3A_1049 = vector.shape_cast %mul3A_1043 : vector<16xf32> to vector<1x16xf32>
      tpu.vector_store %arg9[%swap3A_1045, %swap3A_1046], %swap3A_1049 {strides = array<i32>} : memref<8x128xf32, #tpu.memory_space<vmem>>, vector<1x16xf32>,
      %mul3A_1050 = arith.constant 2.000000e-02 : f32
      %mul3A_1051 = vector.broadcast %mul3A_1050 : f32 to vector<16xf32>
      %mul3A_1052 = arith.mulf %scan3A_1030#2, %mul3A_1051 : vector<16xf32>
      %swap3A_1053 = arith.constant 2 : i32
      %swap3A_1054 = arith.index_cast %swap3A_1053 : i32 to index
      %swap3A_1055 = arith.constant 32 : index
      %swap3A_1056 = tpu.vector_load %arg9[%swap3A_1054, %swap3A_1055] {strides = array<i32>} : memref<8x128xf32, #tpu.memory_space<vmem>>, vector<1x16xf32>,
      %swap3A_1057 = vector.shape_cast %swap3A_1056 : vector<1x16xf32> to vector<16xf32>
      %swap3A_1058 = vector.shape_cast %mul3A_1052 : vector<16xf32> to vector<1x16xf32>
      tpu.vector_store %arg9[%swap3A_1054, %swap3A_1055], %swap3A_1058 {strides = array<i32>} : memref<8x128xf32, #tpu.memory_space<vmem>>, vector<1x16xf32>,
      %mul3A_1059 = arith.constant 2.000000e-02 : f32
      %mul3A_1060 = vector.broadcast %mul3A_1059 : f32 to vector<16xf32>
      %mul3A_1061 = arith.mulf %scan3A_1030#3, %mul3A_1060 : vector<16xf32>
      %swap3A_1062 = arith.constant 2 : i32
      %swap3A_1063 = arith.index_cast %swap3A_1062 : i32 to index
      %swap3A_1064 = arith.constant 48 : index
      %swap3A_1065 = tpu.vector_load %arg9[%swap3A_1063, %swap3A_1064] {strides = array<i32>} : memref<8x128xf32, #tpu.memory_space<vmem>>, vector<1x16xf32>,
      %swap3A_1066 = vector.shape_cast %swap3A_1065 : vector<1x16xf32> to vector<16xf32>
      %swap3A_1067 = vector.shape_cast %mul3A_1061 : vector<16xf32> to vector<1x16xf32>
      tpu.vector_store %arg9[%swap3A_1063, %swap3A_1064], %swap3A_1067 {strides = array<i32>} : memref<8x128xf32, #tpu.memory_space<vmem>>, vector<1x16xf32>,
      %mul3A_1068 = arith.constant 2.000000e-02 : f32
      %mul3A_1069 = vector.broadcast %mul3A_1068 : f32 to vector<16xf32>
      %mul3A_1070 = arith.mulf %scan3A_1030#4, %mul3A_1069 : vector<16xf32>
      %swap3A_1071 = arith.constant 2 : i32
      %swap3A_1072 = arith.index_cast %swap3A_1071 : i32 to index
      %swap3A_1073 = arith.constant 64 : index
      %swap3A_1074 = tpu.vector_load %arg9[%swap3A_1072, %swap3A_1073] {strides = array<i32>} : memref<8x128xf32, #tpu.memory_space<vmem>>, vector<1x16xf32>,
      %swap3A_1075 = vector.shape_cast %swap3A_1074 : vector<1x16xf32> to vector<16xf32>
      %swap3A_1076 = vector.shape_cast %mul3A_1070 : vector<16xf32> to vector<1x16xf32>
      tpu.vector_store %arg9[%swap3A_1072, %swap3A_1073], %swap3A_1076 {strides = array<i32>} : memref<8x128xf32, #tpu.memory_space<vmem>>, vector<1x16xf32>,
      %mul3A_1077 = arith.constant 2.000000e-02 : f32
      %mul3A_1078 = vector.broadcast %mul3A_1077 : f32 to vector<16xf32>
      %mul3A_1079 = arith.mulf %scan3A_1030#5, %mul3A_1078 : vector<16xf32>
      %swap3A_1080 = arith.constant 2 : i32
      %swap3A_1081 = arith.index_cast %swap3A_1080 : i32 to index
      %swap3A_1082 = arith.constant 80 : index
      %swap3A_1083 = tpu.vector_load %arg9[%swap3A_1081, %swap3A_1082] {strides = array<i32>} : memref<8x128xf32, #tpu.memory_space<vmem>>, vector<1x16xf32>,
      %swap3A_1084 = vector.shape_cast %swap3A_1083 : vector<1x16xf32> to vector<16xf32>
      %swap3A_1085 = vector.shape_cast %mul3A_1079 : vector<16xf32> to vector<1x16xf32>
      tpu.vector_store %arg9[%swap3A_1081, %swap3A_1082], %swap3A_1085 {strides = array<i32>} : memref<8x128xf32, #tpu.memory_space<vmem>>, vector<1x16xf32>,
      %mul3A_1086 = arith.constant 2.000000e-02 : f32
      %mul3A_1087 = vector.broadcast %mul3A_1086 : f32 to vector<16xf32>
      %mul3A_1088 = arith.mulf %scan3A_1030#6, %mul3A_1087 : vector<16xf32>
      %swap3A_1089 = arith.constant 2 : i32
      %swap3A_1090 = arith.index_cast %swap3A_1089 : i32 to index
      %swap3A_1091 = arith.constant 96 : index
      %swap3A_1092 = tpu.vector_load %arg9[%swap3A_1090, %swap3A_1091] {strides = array<i32>} : memref<8x128xf32, #tpu.memory_space<vmem>>, vector<1x16xf32>,
      %swap3A_1093 = vector.shape_cast %swap3A_1092 : vector<1x16xf32> to vector<16xf32>
      %swap3A_1094 = vector.shape_cast %mul3A_1088 : vector<16xf32> to vector<1x16xf32>
      tpu.vector_store %arg9[%swap3A_1090, %swap3A_1091], %swap3A_1094 {strides = array<i32>} : memref<8x128xf32, #tpu.memory_space<vmem>>, vector<1x16xf32>,
      %mul3A_1095 = arith.constant 2.000000e-02 : f32
      %mul3A_1096 = vector.broadcast %mul3A_1095 : f32 to vector<16xf32>
      %mul3A_1097 = arith.mulf %scan3A_1030#7, %mul3A_1096 : vector<16xf32>
      %swap3A_1098 = arith.constant 2 : i32
      %swap3A_1099 = arith.index_cast %swap3A_1098 : i32 to index
      %swap3A_1100 = arith.constant 112 : index
      %swap3A_1101 = tpu.vector_load %arg9[%swap3A_1099, %swap3A_1100] {strides = array<i32>} : memref<8x128xf32, #tpu.memory_space<vmem>>, vector<1x16xf32>,
      %swap3A_1102 = vector.shape_cast %swap3A_1101 : vector<1x16xf32> to vector<16xf32>
      %swap3A_1103 = vector.shape_cast %mul3A_1097 : vector<16xf32> to vector<1x16xf32>
      tpu.vector_store %arg9[%swap3A_1099, %swap3A_1100], %swap3A_1103 {strides = array<i32>} : memref<8x128xf32, #tpu.memory_space<vmem>>, vector<1x16xf32>,
      %broadcast_in_dim3A_1104 = arith.constant 0.000000e+00 : f32
      %broadcast_in_dim3A_1105 = vector.broadcast %broadcast_in_dim3A_1104 : f32 to vector<16xf32>
      %broadcast_in_dim3A_1106 = arith.constant 0.000000e+00 : f32
      %broadcast_in_dim3A_1107 = vector.broadcast %broadcast_in_dim3A_1106 : f32 to vector<16xf32>
      %broadcast_in_dim3A_1108 = arith.constant 0.000000e+00 : f32
      %broadcast_in_dim3A_1109 = vector.broadcast %broadcast_in_dim3A_1108 : f32 to vector<16xf32>
      %broadcast_in_dim3A_1110 = arith.constant 0.000000e+00 : f32
      %broadcast_in_dim3A_1111 = vector.broadcast %broadcast_in_dim3A_1110 : f32 to vector<16xf32>
      %broadcast_in_dim3A_1112 = arith.constant 0.000000e+00 : f32
      %broadcast_in_dim3A_1113 = vector.broadcast %broadcast_in_dim3A_1112 : f32 to vector<16xf32>
      %broadcast_in_dim3A_1114 = arith.constant 0.000000e+00 : f32
      %broadcast_in_dim3A_1115 = vector.broadcast %broadcast_in_dim3A_1114 : f32 to vector<16xf32>
      %broadcast_in_dim3A_1116 = arith.constant 0.000000e+00 : f32
      %broadcast_in_dim3A_1117 = vector.broadcast %broadcast_in_dim3A_1116 : f32 to vector<16xf32>
      %broadcast_in_dim3A_1118 = arith.constant 0.000000e+00 : f32
      %broadcast_in_dim3A_1119 = vector.broadcast %broadcast_in_dim3A_1118 : f32 to vector<16xf32>
      %scan3A_1120 = arith.constant 0 : i32
      %scan3A_1121 = arith.constant 50 : i32
      %scan3A_1122 = arith.addi %scan3A_1120, %scan3A_1121 : i32
      %scan3A_1123 = arith.constant 1 : i32
      %scan3A_1124:8 = scf.for %scan3A_1581 = %scan3A_1120 to %scan3A_1122 step %scan3A_1123 iter_args(%scan3A_1582 = %broadcast_in_dim3A_1105, %scan3A_1583 = %broadcast_in_dim3A_1107, %scan3A_1584 = %broadcast_in_dim3A_1109, %scan3A_1585 = %broadcast_in_dim3A_1111, %scan3A_1586 = %broadcast_in_dim3A_1113, %scan3A_1587 = %broadcast_in_dim3A_1115, %scan3A_1588 = %broadcast_in_dim3A_1117, %scan3A_1589 = %broadcast_in_dim3A_1119) -> (vector<16xf32>, vector<16xf32>, vector<16xf32>, vector<16xf32>, vector<16xf32>, vector<16xf32>, vector<16xf32>, vector<16xf32>)  : i32 {
        %add3A_1590 = arith.constant 150 : i32
        %add3A_1591 = arith.addi %add3A_1590, %scan3A_1581 : i32
        %get3A = arith.index_cast %add3A_1591 : i32 to index
        %get3A_1592 = arith.constant 0 : index
        %get3A_1593 = tpu.vector_load %arg7[%get3A, %get3A_1592] {strides = array<i32>} : memref<400x128xf32, #tpu.memory_space<vmem>>, vector<1x16xf32>,
        %get3A_1594 = vector.shape_cast %get3A_1593 : vector<1x16xf32> to vector<16xf32>
        %add3A_1595 = arith.addf %scan3A_1582, %get3A_1594 : vector<16xf32>
        %add3A_1596 = arith.constant 150 : i32
        %add3A_1597 = arith.addi %add3A_1596, %scan3A_1581 : i32
        %get3A_1598 = arith.index_cast %add3A_1597 : i32 to index
        %get3A_1599 = arith.constant 16 : index
        %get3A_1600 = tpu.vector_load %arg7[%get3A_1598, %get3A_1599] {strides = array<i32>} : memref<400x128xf32, #tpu.memory_space<vmem>>, vector<1x16xf32>,
        %get3A_1601 = vector.shape_cast %get3A_1600 : vector<1x16xf32> to vector<16xf32>
        %add3A_1602 = arith.addf %scan3A_1583, %get3A_1601 : vector<16xf32>
        %add3A_1603 = arith.constant 150 : i32
        %add3A_1604 = arith.addi %add3A_1603, %scan3A_1581 : i32
        %get3A_1605 = arith.index_cast %add3A_1604 : i32 to index
        %get3A_1606 = arith.constant 32 : index
        %get3A_1607 = tpu.vector_load %arg7[%get3A_1605, %get3A_1606] {strides = array<i32>} : memref<400x128xf32, #tpu.memory_space<vmem>>, vector<1x16xf32>,
        %get3A_1608 = vector.shape_cast %get3A_1607 : vector<1x16xf32> to vector<16xf32>
        %add3A_1609 = arith.addf %scan3A_1584, %get3A_1608 : vector<16xf32>
        %add3A_1610 = arith.constant 150 : i32
        %add3A_1611 = arith.addi %add3A_1610, %scan3A_1581 : i32
        %get3A_1612 = arith.index_cast %add3A_1611 : i32 to index
        %get3A_1613 = arith.constant 48 : index
        %get3A_1614 = tpu.vector_load %arg7[%get3A_1612, %get3A_1613] {strides = array<i32>} : memref<400x128xf32, #tpu.memory_space<vmem>>, vector<1x16xf32>,
        %get3A_1615 = vector.shape_cast %get3A_1614 : vector<1x16xf32> to vector<16xf32>
        %add3A_1616 = arith.addf %scan3A_1585, %get3A_1615 : vector<16xf32>
        %add3A_1617 = arith.constant 150 : i32
        %add3A_1618 = arith.addi %add3A_1617, %scan3A_1581 : i32
        %get3A_1619 = arith.index_cast %add3A_1618 : i32 to index
        %get3A_1620 = arith.constant 64 : index
        %get3A_1621 = tpu.vector_load %arg7[%get3A_1619, %get3A_1620] {strides = array<i32>} : memref<400x128xf32, #tpu.memory_space<vmem>>, vector<1x16xf32>,
        %get3A_1622 = vector.shape_cast %get3A_1621 : vector<1x16xf32> to vector<16xf32>
        %add3A_1623 = arith.addf %scan3A_1586, %get3A_1622 : vector<16xf32>
        %add3A_1624 = arith.constant 150 : i32
        %add3A_1625 = arith.addi %add3A_1624, %scan3A_1581 : i32
        %get3A_1626 = arith.index_cast %add3A_1625 : i32 to index
        %get3A_1627 = arith.constant 80 : index
        %get3A_1628 = tpu.vector_load %arg7[%get3A_1626, %get3A_1627] {strides = array<i32>} : memref<400x128xf32, #tpu.memory_space<vmem>>, vector<1x16xf32>,
        %get3A_1629 = vector.shape_cast %get3A_1628 : vector<1x16xf32> to vector<16xf32>
        %add3A_1630 = arith.addf %scan3A_1587, %get3A_1629 : vector<16xf32>
        %add3A_1631 = arith.constant 150 : i32
        %add3A_1632 = arith.addi %add3A_1631, %scan3A_1581 : i32
        %get3A_1633 = arith.index_cast %add3A_1632 : i32 to index
        %get3A_1634 = arith.constant 96 : index
        %get3A_1635 = tpu.vector_load %arg7[%get3A_1633, %get3A_1634] {strides = array<i32>} : memref<400x128xf32, #tpu.memory_space<vmem>>, vector<1x16xf32>,
        %get3A_1636 = vector.shape_cast %get3A_1635 : vector<1x16xf32> to vector<16xf32>
        %add3A_1637 = arith.addf %scan3A_1588, %get3A_1636 : vector<16xf32>
        %add3A_1638 = arith.constant 150 : i32
        %add3A_1639 = arith.addi %add3A_1638, %scan3A_1581 : i32
        %get3A_1640 = arith.index_cast %add3A_1639 : i32 to index
        %get3A_1641 = arith.constant 112 : index
        %get3A_1642 = tpu.vector_load %arg7[%get3A_1640, %get3A_1641] {strides = array<i32>} : memref<400x128xf32, #tpu.memory_space<vmem>>, vector<1x16xf32>,
        %get3A_1643 = vector.shape_cast %get3A_1642 : vector<1x16xf32> to vector<16xf32>
        %add3A_1644 = arith.addf %scan3A_1589, %get3A_1643 : vector<16xf32>
        scf.yield %add3A_1595, %add3A_1602, %add3A_1609, %add3A_1616, %add3A_1623, %add3A_1630, %add3A_1637, %add3A_1644 : vector<16xf32>, vector<16xf32>, vector<16xf32>, vector<16xf32>, vector<16xf32>, vector<16xf32>, vector<16xf32>, vector<16xf32>
      }
      %scan3A_1125 = arith.constant 50 : i32
      %mul3A_1126 = arith.constant 2.000000e-02 : f32
      %mul3A_1127 = vector.broadcast %mul3A_1126 : f32 to vector<16xf32>
      %mul3A_1128 = arith.mulf %scan3A_1124#0, %mul3A_1127 : vector<16xf32>
      %swap3A_1129 = arith.constant 3 : i32
      %swap3A_1130 = arith.index_cast %swap3A_1129 : i32 to index
      %swap3A_1131 = arith.constant 0 : index
      %swap3A_1132 = tpu.vector_load %arg9[%swap3A_1130, %swap3A_1131] {strides = array<i32>} : memref<8x128xf32, #tpu.memory_space<vmem>>, vector<1x16xf32>,
      %swap3A_1133 = vector.shape_cast %swap3A_1132 : vector<1x16xf32> to vector<16xf32>
      %swap3A_1134 = vector.shape_cast %mul3A_1128 : vector<16xf32> to vector<1x16xf32>
      tpu.vector_store %arg9[%swap3A_1130, %swap3A_1131], %swap3A_1134 {strides = array<i32>} : memref<8x128xf32, #tpu.memory_space<vmem>>, vector<1x16xf32>,
      %mul3A_1135 = arith.constant 2.000000e-02 : f32
      %mul3A_1136 = vector.broadcast %mul3A_1135 : f32 to vector<16xf32>
      %mul3A_1137 = arith.mulf %scan3A_1124#1, %mul3A_1136 : vector<16xf32>
      %swap3A_1138 = arith.constant 3 : i32
      %swap3A_1139 = arith.index_cast %swap3A_1138 : i32 to index
      %swap3A_1140 = arith.constant 16 : index
      %swap3A_1141 = tpu.vector_load %arg9[%swap3A_1139, %swap3A_1140] {strides = array<i32>} : memref<8x128xf32, #tpu.memory_space<vmem>>, vector<1x16xf32>,
      %swap3A_1142 = vector.shape_cast %swap3A_1141 : vector<1x16xf32> to vector<16xf32>
      %swap3A_1143 = vector.shape_cast %mul3A_1137 : vector<16xf32> to vector<1x16xf32>
      tpu.vector_store %arg9[%swap3A_1139, %swap3A_1140], %swap3A_1143 {strides = array<i32>} : memref<8x128xf32, #tpu.memory_space<vmem>>, vector<1x16xf32>,
      %mul3A_1144 = arith.constant 2.000000e-02 : f32
      %mul3A_1145 = vector.broadcast %mul3A_1144 : f32 to vector<16xf32>
      %mul3A_1146 = arith.mulf %scan3A_1124#2, %mul3A_1145 : vector<16xf32>
      %swap3A_1147 = arith.constant 3 : i32
      %swap3A_1148 = arith.index_cast %swap3A_1147 : i32 to index
      %swap3A_1149 = arith.constant 32 : index
      %swap3A_1150 = tpu.vector_load %arg9[%swap3A_1148, %swap3A_1149] {strides = array<i32>} : memref<8x128xf32, #tpu.memory_space<vmem>>, vector<1x16xf32>,
      %swap3A_1151 = vector.shape_cast %swap3A_1150 : vector<1x16xf32> to vector<16xf32>
      %swap3A_1152 = vector.shape_cast %mul3A_1146 : vector<16xf32> to vector<1x16xf32>
      tpu.vector_store %arg9[%swap3A_1148, %swap3A_1149], %swap3A_1152 {strides = array<i32>} : memref<8x128xf32, #tpu.memory_space<vmem>>, vector<1x16xf32>,
      %mul3A_1153 = arith.constant 2.000000e-02 : f32
      %mul3A_1154 = vector.broadcast %mul3A_1153 : f32 to vector<16xf32>
      %mul3A_1155 = arith.mulf %scan3A_1124#3, %mul3A_1154 : vector<16xf32>
      %swap3A_1156 = arith.constant 3 : i32
      %swap3A_1157 = arith.index_cast %swap3A_1156 : i32 to index
      %swap3A_1158 = arith.constant 48 : index
      %swap3A_1159 = tpu.vector_load %arg9[%swap3A_1157, %swap3A_1158] {strides = array<i32>} : memref<8x128xf32, #tpu.memory_space<vmem>>, vector<1x16xf32>,
      %swap3A_1160 = vector.shape_cast %swap3A_1159 : vector<1x16xf32> to vector<16xf32>
      %swap3A_1161 = vector.shape_cast %mul3A_1155 : vector<16xf32> to vector<1x16xf32>
      tpu.vector_store %arg9[%swap3A_1157, %swap3A_1158], %swap3A_1161 {strides = array<i32>} : memref<8x128xf32, #tpu.memory_space<vmem>>, vector<1x16xf32>,
      %mul3A_1162 = arith.constant 2.000000e-02 : f32
      %mul3A_1163 = vector.broadcast %mul3A_1162 : f32 to vector<16xf32>
      %mul3A_1164 = arith.mulf %scan3A_1124#4, %mul3A_1163 : vector<16xf32>
      %swap3A_1165 = arith.constant 3 : i32
      %swap3A_1166 = arith.index_cast %swap3A_1165 : i32 to index
      %swap3A_1167 = arith.constant 64 : index
      %swap3A_1168 = tpu.vector_load %arg9[%swap3A_1166, %swap3A_1167] {strides = array<i32>} : memref<8x128xf32, #tpu.memory_space<vmem>>, vector<1x16xf32>,
      %swap3A_1169 = vector.shape_cast %swap3A_1168 : vector<1x16xf32> to vector<16xf32>
      %swap3A_1170 = vector.shape_cast %mul3A_1164 : vector<16xf32> to vector<1x16xf32>
      tpu.vector_store %arg9[%swap3A_1166, %swap3A_1167], %swap3A_1170 {strides = array<i32>} : memref<8x128xf32, #tpu.memory_space<vmem>>, vector<1x16xf32>,
      %mul3A_1171 = arith.constant 2.000000e-02 : f32
      %mul3A_1172 = vector.broadcast %mul3A_1171 : f32 to vector<16xf32>
      %mul3A_1173 = arith.mulf %scan3A_1124#5, %mul3A_1172 : vector<16xf32>
      %swap3A_1174 = arith.constant 3 : i32
      %swap3A_1175 = arith.index_cast %swap3A_1174 : i32 to index
      %swap3A_1176 = arith.constant 80 : index
      %swap3A_1177 = tpu.vector_load %arg9[%swap3A_1175, %swap3A_1176] {strides = array<i32>} : memref<8x128xf32, #tpu.memory_space<vmem>>, vector<1x16xf32>,
      %swap3A_1178 = vector.shape_cast %swap3A_1177 : vector<1x16xf32> to vector<16xf32>
      %swap3A_1179 = vector.shape_cast %mul3A_1173 : vector<16xf32> to vector<1x16xf32>
      tpu.vector_store %arg9[%swap3A_1175, %swap3A_1176], %swap3A_1179 {strides = array<i32>} : memref<8x128xf32, #tpu.memory_space<vmem>>, vector<1x16xf32>,
      %mul3A_1180 = arith.constant 2.000000e-02 : f32
      %mul3A_1181 = vector.broadcast %mul3A_1180 : f32 to vector<16xf32>
      %mul3A_1182 = arith.mulf %scan3A_1124#6, %mul3A_1181 : vector<16xf32>
      %swap3A_1183 = arith.constant 3 : i32
      %swap3A_1184 = arith.index_cast %swap3A_1183 : i32 to index
      %swap3A_1185 = arith.constant 96 : index
      %swap3A_1186 = tpu.vector_load %arg9[%swap3A_1184, %swap3A_1185] {strides = array<i32>} : memref<8x128xf32, #tpu.memory_space<vmem>>, vector<1x16xf32>,
      %swap3A_1187 = vector.shape_cast %swap3A_1186 : vector<1x16xf32> to vector<16xf32>
      %swap3A_1188 = vector.shape_cast %mul3A_1182 : vector<16xf32> to vector<1x16xf32>
      tpu.vector_store %arg9[%swap3A_1184, %swap3A_1185], %swap3A_1188 {strides = array<i32>} : memref<8x128xf32, #tpu.memory_space<vmem>>, vector<1x16xf32>,
      %mul3A_1189 = arith.constant 2.000000e-02 : f32
      %mul3A_1190 = vector.broadcast %mul3A_1189 : f32 to vector<16xf32>
      %mul3A_1191 = arith.mulf %scan3A_1124#7, %mul3A_1190 : vector<16xf32>
      %swap3A_1192 = arith.constant 3 : i32
      %swap3A_1193 = arith.index_cast %swap3A_1192 : i32 to index
      %swap3A_1194 = arith.constant 112 : index
      %swap3A_1195 = tpu.vector_load %arg9[%swap3A_1193, %swap3A_1194] {strides = array<i32>} : memref<8x128xf32, #tpu.memory_space<vmem>>, vector<1x16xf32>,
      %swap3A_1196 = vector.shape_cast %swap3A_1195 : vector<1x16xf32> to vector<16xf32>
      %swap3A_1197 = vector.shape_cast %mul3A_1191 : vector<16xf32> to vector<1x16xf32>
      tpu.vector_store %arg9[%swap3A_1193, %swap3A_1194], %swap3A_1197 {strides = array<i32>} : memref<8x128xf32, #tpu.memory_space<vmem>>, vector<1x16xf32>,
      %broadcast_in_dim3A_1198 = arith.constant 0.000000e+00 : f32
      %broadcast_in_dim3A_1199 = vector.broadcast %broadcast_in_dim3A_1198 : f32 to vector<16xf32>
      %broadcast_in_dim3A_1200 = arith.constant 0.000000e+00 : f32
      %broadcast_in_dim3A_1201 = vector.broadcast %broadcast_in_dim3A_1200 : f32 to vector<16xf32>
      %broadcast_in_dim3A_1202 = arith.constant 0.000000e+00 : f32
      %broadcast_in_dim3A_1203 = vector.broadcast %broadcast_in_dim3A_1202 : f32 to vector<16xf32>
      %broadcast_in_dim3A_1204 = arith.constant 0.000000e+00 : f32
      %broadcast_in_dim3A_1205 = vector.broadcast %broadcast_in_dim3A_1204 : f32 to vector<16xf32>
      %broadcast_in_dim3A_1206 = arith.constant 0.000000e+00 : f32
      %broadcast_in_dim3A_1207 = vector.broadcast %broadcast_in_dim3A_1206 : f32 to vector<16xf32>
      %broadcast_in_dim3A_1208 = arith.constant 0.000000e+00 : f32
      %broadcast_in_dim3A_1209 = vector.broadcast %broadcast_in_dim3A_1208 : f32 to vector<16xf32>
      %broadcast_in_dim3A_1210 = arith.constant 0.000000e+00 : f32
      %broadcast_in_dim3A_1211 = vector.broadcast %broadcast_in_dim3A_1210 : f32 to vector<16xf32>
      %broadcast_in_dim3A_1212 = arith.constant 0.000000e+00 : f32
      %broadcast_in_dim3A_1213 = vector.broadcast %broadcast_in_dim3A_1212 : f32 to vector<16xf32>
      %scan3A_1214 = arith.constant 0 : i32
      %scan3A_1215 = arith.constant 50 : i32
      %scan3A_1216 = arith.addi %scan3A_1214, %scan3A_1215 : i32
      %scan3A_1217 = arith.constant 1 : i32
      %scan3A_1218:8 = scf.for %scan3A_1581 = %scan3A_1214 to %scan3A_1216 step %scan3A_1217 iter_args(%scan3A_1582 = %broadcast_in_dim3A_1199, %scan3A_1583 = %broadcast_in_dim3A_1201, %scan3A_1584 = %broadcast_in_dim3A_1203, %scan3A_1585 = %broadcast_in_dim3A_1205, %scan3A_1586 = %broadcast_in_dim3A_1207, %scan3A_1587 = %broadcast_in_dim3A_1209, %scan3A_1588 = %broadcast_in_dim3A_1211, %scan3A_1589 = %broadcast_in_dim3A_1213) -> (vector<16xf32>, vector<16xf32>, vector<16xf32>, vector<16xf32>, vector<16xf32>, vector<16xf32>, vector<16xf32>, vector<16xf32>)  : i32 {
        %add3A_1590 = arith.constant 200 : i32
        %add3A_1591 = arith.addi %add3A_1590, %scan3A_1581 : i32
        %get3A = arith.index_cast %add3A_1591 : i32 to index
        %get3A_1592 = arith.constant 0 : index
        %get3A_1593 = tpu.vector_load %arg7[%get3A, %get3A_1592] {strides = array<i32>} : memref<400x128xf32, #tpu.memory_space<vmem>>, vector<1x16xf32>,
        %get3A_1594 = vector.shape_cast %get3A_1593 : vector<1x16xf32> to vector<16xf32>
        %add3A_1595 = arith.addf %scan3A_1582, %get3A_1594 : vector<16xf32>
        %add3A_1596 = arith.constant 200 : i32
        %add3A_1597 = arith.addi %add3A_1596, %scan3A_1581 : i32
        %get3A_1598 = arith.index_cast %add3A_1597 : i32 to index
        %get3A_1599 = arith.constant 16 : index
        %get3A_1600 = tpu.vector_load %arg7[%get3A_1598, %get3A_1599] {strides = array<i32>} : memref<400x128xf32, #tpu.memory_space<vmem>>, vector<1x16xf32>,
        %get3A_1601 = vector.shape_cast %get3A_1600 : vector<1x16xf32> to vector<16xf32>
        %add3A_1602 = arith.addf %scan3A_1583, %get3A_1601 : vector<16xf32>
        %add3A_1603 = arith.constant 200 : i32
        %add3A_1604 = arith.addi %add3A_1603, %scan3A_1581 : i32
        %get3A_1605 = arith.index_cast %add3A_1604 : i32 to index
        %get3A_1606 = arith.constant 32 : index
        %get3A_1607 = tpu.vector_load %arg7[%get3A_1605, %get3A_1606] {strides = array<i32>} : memref<400x128xf32, #tpu.memory_space<vmem>>, vector<1x16xf32>,
        %get3A_1608 = vector.shape_cast %get3A_1607 : vector<1x16xf32> to vector<16xf32>
        %add3A_1609 = arith.addf %scan3A_1584, %get3A_1608 : vector<16xf32>
        %add3A_1610 = arith.constant 200 : i32
        %add3A_1611 = arith.addi %add3A_1610, %scan3A_1581 : i32
        %get3A_1612 = arith.index_cast %add3A_1611 : i32 to index
        %get3A_1613 = arith.constant 48 : index
        %get3A_1614 = tpu.vector_load %arg7[%get3A_1612, %get3A_1613] {strides = array<i32>} : memref<400x128xf32, #tpu.memory_space<vmem>>, vector<1x16xf32>,
        %get3A_1615 = vector.shape_cast %get3A_1614 : vector<1x16xf32> to vector<16xf32>
        %add3A_1616 = arith.addf %scan3A_1585, %get3A_1615 : vector<16xf32>
        %add3A_1617 = arith.constant 200 : i32
        %add3A_1618 = arith.addi %add3A_1617, %scan3A_1581 : i32
        %get3A_1619 = arith.index_cast %add3A_1618 : i32 to index
        %get3A_1620 = arith.constant 64 : index
        %get3A_1621 = tpu.vector_load %arg7[%get3A_1619, %get3A_1620] {strides = array<i32>} : memref<400x128xf32, #tpu.memory_space<vmem>>, vector<1x16xf32>,
        %get3A_1622 = vector.shape_cast %get3A_1621 : vector<1x16xf32> to vector<16xf32>
        %add3A_1623 = arith.addf %scan3A_1586, %get3A_1622 : vector<16xf32>
        %add3A_1624 = arith.constant 200 : i32
        %add3A_1625 = arith.addi %add3A_1624, %scan3A_1581 : i32
        %get3A_1626 = arith.index_cast %add3A_1625 : i32 to index
        %get3A_1627 = arith.constant 80 : index
        %get3A_1628 = tpu.vector_load %arg7[%get3A_1626, %get3A_1627] {strides = array<i32>} : memref<400x128xf32, #tpu.memory_space<vmem>>, vector<1x16xf32>,
        %get3A_1629 = vector.shape_cast %get3A_1628 : vector<1x16xf32> to vector<16xf32>
        %add3A_1630 = arith.addf %scan3A_1587, %get3A_1629 : vector<16xf32>
        %add3A_1631 = arith.constant 200 : i32
        %add3A_1632 = arith.addi %add3A_1631, %scan3A_1581 : i32
        %get3A_1633 = arith.index_cast %add3A_1632 : i32 to index
        %get3A_1634 = arith.constant 96 : index
        %get3A_1635 = tpu.vector_load %arg7[%get3A_1633, %get3A_1634] {strides = array<i32>} : memref<400x128xf32, #tpu.memory_space<vmem>>, vector<1x16xf32>,
        %get3A_1636 = vector.shape_cast %get3A_1635 : vector<1x16xf32> to vector<16xf32>
        %add3A_1637 = arith.addf %scan3A_1588, %get3A_1636 : vector<16xf32>
        %add3A_1638 = arith.constant 200 : i32
        %add3A_1639 = arith.addi %add3A_1638, %scan3A_1581 : i32
        %get3A_1640 = arith.index_cast %add3A_1639 : i32 to index
        %get3A_1641 = arith.constant 112 : index
        %get3A_1642 = tpu.vector_load %arg7[%get3A_1640, %get3A_1641] {strides = array<i32>} : memref<400x128xf32, #tpu.memory_space<vmem>>, vector<1x16xf32>,
        %get3A_1643 = vector.shape_cast %get3A_1642 : vector<1x16xf32> to vector<16xf32>
        %add3A_1644 = arith.addf %scan3A_1589, %get3A_1643 : vector<16xf32>
        scf.yield %add3A_1595, %add3A_1602, %add3A_1609, %add3A_1616, %add3A_1623, %add3A_1630, %add3A_1637, %add3A_1644 : vector<16xf32>, vector<16xf32>, vector<16xf32>, vector<16xf32>, vector<16xf32>, vector<16xf32>, vector<16xf32>, vector<16xf32>
      }
      %scan3A_1219 = arith.constant 50 : i32
      %mul3A_1220 = arith.constant 2.000000e-02 : f32
      %mul3A_1221 = vector.broadcast %mul3A_1220 : f32 to vector<16xf32>
      %mul3A_1222 = arith.mulf %scan3A_1218#0, %mul3A_1221 : vector<16xf32>
      %swap3A_1223 = arith.constant 4 : i32
      %swap3A_1224 = arith.index_cast %swap3A_1223 : i32 to index
      %swap3A_1225 = arith.constant 0 : index
      %swap3A_1226 = tpu.vector_load %arg9[%swap3A_1224, %swap3A_1225] {strides = array<i32>} : memref<8x128xf32, #tpu.memory_space<vmem>>, vector<1x16xf32>,
      %swap3A_1227 = vector.shape_cast %swap3A_1226 : vector<1x16xf32> to vector<16xf32>
      %swap3A_1228 = vector.shape_cast %mul3A_1222 : vector<16xf32> to vector<1x16xf32>
      tpu.vector_store %arg9[%swap3A_1224, %swap3A_1225], %swap3A_1228 {strides = array<i32>} : memref<8x128xf32, #tpu.memory_space<vmem>>, vector<1x16xf32>,
      %mul3A_1229 = arith.constant 2.000000e-02 : f32
      %mul3A_1230 = vector.broadcast %mul3A_1229 : f32 to vector<16xf32>
      %mul3A_1231 = arith.mulf %scan3A_1218#1, %mul3A_1230 : vector<16xf32>
      %swap3A_1232 = arith.constant 4 : i32
      %swap3A_1233 = arith.index_cast %swap3A_1232 : i32 to index
      %swap3A_1234 = arith.constant 16 : index
      %swap3A_1235 = tpu.vector_load %arg9[%swap3A_1233, %swap3A_1234] {strides = array<i32>} : memref<8x128xf32, #tpu.memory_space<vmem>>, vector<1x16xf32>,
      %swap3A_1236 = vector.shape_cast %swap3A_1235 : vector<1x16xf32> to vector<16xf32>
      %swap3A_1237 = vector.shape_cast %mul3A_1231 : vector<16xf32> to vector<1x16xf32>
      tpu.vector_store %arg9[%swap3A_1233, %swap3A_1234], %swap3A_1237 {strides = array<i32>} : memref<8x128xf32, #tpu.memory_space<vmem>>, vector<1x16xf32>,
      %mul3A_1238 = arith.constant 2.000000e-02 : f32
      %mul3A_1239 = vector.broadcast %mul3A_1238 : f32 to vector<16xf32>
      %mul3A_1240 = arith.mulf %scan3A_1218#2, %mul3A_1239 : vector<16xf32>
      %swap3A_1241 = arith.constant 4 : i32
      %swap3A_1242 = arith.index_cast %swap3A_1241 : i32 to index
      %swap3A_1243 = arith.constant 32 : index
      %swap3A_1244 = tpu.vector_load %arg9[%swap3A_1242, %swap3A_1243] {strides = array<i32>} : memref<8x128xf32, #tpu.memory_space<vmem>>, vector<1x16xf32>,
      %swap3A_1245 = vector.shape_cast %swap3A_1244 : vector<1x16xf32> to vector<16xf32>
      %swap3A_1246 = vector.shape_cast %mul3A_1240 : vector<16xf32> to vector<1x16xf32>
      tpu.vector_store %arg9[%swap3A_1242, %swap3A_1243], %swap3A_1246 {strides = array<i32>} : memref<8x128xf32, #tpu.memory_space<vmem>>, vector<1x16xf32>,
      %mul3A_1247 = arith.constant 2.000000e-02 : f32
      %mul3A_1248 = vector.broadcast %mul3A_1247 : f32 to vector<16xf32>
      %mul3A_1249 = arith.mulf %scan3A_1218#3, %mul3A_1248 : vector<16xf32>
      %swap3A_1250 = arith.constant 4 : i32
      %swap3A_1251 = arith.index_cast %swap3A_1250 : i32 to index
      %swap3A_1252 = arith.constant 48 : index
      %swap3A_1253 = tpu.vector_load %arg9[%swap3A_1251, %swap3A_1252] {strides = array<i32>} : memref<8x128xf32, #tpu.memory_space<vmem>>, vector<1x16xf32>,
      %swap3A_1254 = vector.shape_cast %swap3A_1253 : vector<1x16xf32> to vector<16xf32>
      %swap3A_1255 = vector.shape_cast %mul3A_1249 : vector<16xf32> to vector<1x16xf32>
      tpu.vector_store %arg9[%swap3A_1251, %swap3A_1252], %swap3A_1255 {strides = array<i32>} : memref<8x128xf32, #tpu.memory_space<vmem>>, vector<1x16xf32>,
      %mul3A_1256 = arith.constant 2.000000e-02 : f32
      %mul3A_1257 = vector.broadcast %mul3A_1256 : f32 to vector<16xf32>
      %mul3A_1258 = arith.mulf %scan3A_1218#4, %mul3A_1257 : vector<16xf32>
      %swap3A_1259 = arith.constant 4 : i32
      %swap3A_1260 = arith.index_cast %swap3A_1259 : i32 to index
      %swap3A_1261 = arith.constant 64 : index
      %swap3A_1262 = tpu.vector_load %arg9[%swap3A_1260, %swap3A_1261] {strides = array<i32>} : memref<8x128xf32, #tpu.memory_space<vmem>>, vector<1x16xf32>,
      %swap3A_1263 = vector.shape_cast %swap3A_1262 : vector<1x16xf32> to vector<16xf32>
      %swap3A_1264 = vector.shape_cast %mul3A_1258 : vector<16xf32> to vector<1x16xf32>
      tpu.vector_store %arg9[%swap3A_1260, %swap3A_1261], %swap3A_1264 {strides = array<i32>} : memref<8x128xf32, #tpu.memory_space<vmem>>, vector<1x16xf32>,
      %mul3A_1265 = arith.constant 2.000000e-02 : f32
      %mul3A_1266 = vector.broadcast %mul3A_1265 : f32 to vector<16xf32>
      %mul3A_1267 = arith.mulf %scan3A_1218#5, %mul3A_1266 : vector<16xf32>
      %swap3A_1268 = arith.constant 4 : i32
      %swap3A_1269 = arith.index_cast %swap3A_1268 : i32 to index
      %swap3A_1270 = arith.constant 80 : index
      %swap3A_1271 = tpu.vector_load %arg9[%swap3A_1269, %swap3A_1270] {strides = array<i32>} : memref<8x128xf32, #tpu.memory_space<vmem>>, vector<1x16xf32>,
      %swap3A_1272 = vector.shape_cast %swap3A_1271 : vector<1x16xf32> to vector<16xf32>
      %swap3A_1273 = vector.shape_cast %mul3A_1267 : vector<16xf32> to vector<1x16xf32>
      tpu.vector_store %arg9[%swap3A_1269, %swap3A_1270], %swap3A_1273 {strides = array<i32>} : memref<8x128xf32, #tpu.memory_space<vmem>>, vector<1x16xf32>,
      %mul3A_1274 = arith.constant 2.000000e-02 : f32
      %mul3A_1275 = vector.broadcast %mul3A_1274 : f32 to vector<16xf32>
      %mul3A_1276 = arith.mulf %scan3A_1218#6, %mul3A_1275 : vector<16xf32>
      %swap3A_1277 = arith.constant 4 : i32
      %swap3A_1278 = arith.index_cast %swap3A_1277 : i32 to index
      %swap3A_1279 = arith.constant 96 : index
      %swap3A_1280 = tpu.vector_load %arg9[%swap3A_1278, %swap3A_1279] {strides = array<i32>} : memref<8x128xf32, #tpu.memory_space<vmem>>, vector<1x16xf32>,
      %swap3A_1281 = vector.shape_cast %swap3A_1280 : vector<1x16xf32> to vector<16xf32>
      %swap3A_1282 = vector.shape_cast %mul3A_1276 : vector<16xf32> to vector<1x16xf32>
      tpu.vector_store %arg9[%swap3A_1278, %swap3A_1279], %swap3A_1282 {strides = array<i32>} : memref<8x128xf32, #tpu.memory_space<vmem>>, vector<1x16xf32>,
      %mul3A_1283 = arith.constant 2.000000e-02 : f32
      %mul3A_1284 = vector.broadcast %mul3A_1283 : f32 to vector<16xf32>
      %mul3A_1285 = arith.mulf %scan3A_1218#7, %mul3A_1284 : vector<16xf32>
      %swap3A_1286 = arith.constant 4 : i32
      %swap3A_1287 = arith.index_cast %swap3A_1286 : i32 to index
      %swap3A_1288 = arith.constant 112 : index
      %swap3A_1289 = tpu.vector_load %arg9[%swap3A_1287, %swap3A_1288] {strides = array<i32>} : memref<8x128xf32, #tpu.memory_space<vmem>>, vector<1x16xf32>,
      %swap3A_1290 = vector.shape_cast %swap3A_1289 : vector<1x16xf32> to vector<16xf32>
      %swap3A_1291 = vector.shape_cast %mul3A_1285 : vector<16xf32> to vector<1x16xf32>
      tpu.vector_store %arg9[%swap3A_1287, %swap3A_1288], %swap3A_1291 {strides = array<i32>} : memref<8x128xf32, #tpu.memory_space<vmem>>, vector<1x16xf32>,
      %broadcast_in_dim3A_1292 = arith.constant 0.000000e+00 : f32
      %broadcast_in_dim3A_1293 = vector.broadcast %broadcast_in_dim3A_1292 : f32 to vector<16xf32>
      %broadcast_in_dim3A_1294 = arith.constant 0.000000e+00 : f32
      %broadcast_in_dim3A_1295 = vector.broadcast %broadcast_in_dim3A_1294 : f32 to vector<16xf32>
      %broadcast_in_dim3A_1296 = arith.constant 0.000000e+00 : f32
      %broadcast_in_dim3A_1297 = vector.broadcast %broadcast_in_dim3A_1296 : f32 to vector<16xf32>
      %broadcast_in_dim3A_1298 = arith.constant 0.000000e+00 : f32
      %broadcast_in_dim3A_1299 = vector.broadcast %broadcast_in_dim3A_1298 : f32 to vector<16xf32>
      %broadcast_in_dim3A_1300 = arith.constant 0.000000e+00 : f32
      %broadcast_in_dim3A_1301 = vector.broadcast %broadcast_in_dim3A_1300 : f32 to vector<16xf32>
      %broadcast_in_dim3A_1302 = arith.constant 0.000000e+00 : f32
      %broadcast_in_dim3A_1303 = vector.broadcast %broadcast_in_dim3A_1302 : f32 to vector<16xf32>
      %broadcast_in_dim3A_1304 = arith.constant 0.000000e+00 : f32
      %broadcast_in_dim3A_1305 = vector.broadcast %broadcast_in_dim3A_1304 : f32 to vector<16xf32>
      %broadcast_in_dim3A_1306 = arith.constant 0.000000e+00 : f32
      %broadcast_in_dim3A_1307 = vector.broadcast %broadcast_in_dim3A_1306 : f32 to vector<16xf32>
      %scan3A_1308 = arith.constant 0 : i32
      %scan3A_1309 = arith.constant 50 : i32
      %scan3A_1310 = arith.addi %scan3A_1308, %scan3A_1309 : i32
      %scan3A_1311 = arith.constant 1 : i32
      %scan3A_1312:8 = scf.for %scan3A_1581 = %scan3A_1308 to %scan3A_1310 step %scan3A_1311 iter_args(%scan3A_1582 = %broadcast_in_dim3A_1293, %scan3A_1583 = %broadcast_in_dim3A_1295, %scan3A_1584 = %broadcast_in_dim3A_1297, %scan3A_1585 = %broadcast_in_dim3A_1299, %scan3A_1586 = %broadcast_in_dim3A_1301, %scan3A_1587 = %broadcast_in_dim3A_1303, %scan3A_1588 = %broadcast_in_dim3A_1305, %scan3A_1589 = %broadcast_in_dim3A_1307) -> (vector<16xf32>, vector<16xf32>, vector<16xf32>, vector<16xf32>, vector<16xf32>, vector<16xf32>, vector<16xf32>, vector<16xf32>)  : i32 {
        %add3A_1590 = arith.constant 250 : i32
        %add3A_1591 = arith.addi %add3A_1590, %scan3A_1581 : i32
        %get3A = arith.index_cast %add3A_1591 : i32 to index
        %get3A_1592 = arith.constant 0 : index
        %get3A_1593 = tpu.vector_load %arg7[%get3A, %get3A_1592] {strides = array<i32>} : memref<400x128xf32, #tpu.memory_space<vmem>>, vector<1x16xf32>,
        %get3A_1594 = vector.shape_cast %get3A_1593 : vector<1x16xf32> to vector<16xf32>
        %add3A_1595 = arith.addf %scan3A_1582, %get3A_1594 : vector<16xf32>
        %add3A_1596 = arith.constant 250 : i32
        %add3A_1597 = arith.addi %add3A_1596, %scan3A_1581 : i32
        %get3A_1598 = arith.index_cast %add3A_1597 : i32 to index
        %get3A_1599 = arith.constant 16 : index
        %get3A_1600 = tpu.vector_load %arg7[%get3A_1598, %get3A_1599] {strides = array<i32>} : memref<400x128xf32, #tpu.memory_space<vmem>>, vector<1x16xf32>,
        %get3A_1601 = vector.shape_cast %get3A_1600 : vector<1x16xf32> to vector<16xf32>
        %add3A_1602 = arith.addf %scan3A_1583, %get3A_1601 : vector<16xf32>
        %add3A_1603 = arith.constant 250 : i32
        %add3A_1604 = arith.addi %add3A_1603, %scan3A_1581 : i32
        %get3A_1605 = arith.index_cast %add3A_1604 : i32 to index
        %get3A_1606 = arith.constant 32 : index
        %get3A_1607 = tpu.vector_load %arg7[%get3A_1605, %get3A_1606] {strides = array<i32>} : memref<400x128xf32, #tpu.memory_space<vmem>>, vector<1x16xf32>,
        %get3A_1608 = vector.shape_cast %get3A_1607 : vector<1x16xf32> to vector<16xf32>
        %add3A_1609 = arith.addf %scan3A_1584, %get3A_1608 : vector<16xf32>
        %add3A_1610 = arith.constant 250 : i32
        %add3A_1611 = arith.addi %add3A_1610, %scan3A_1581 : i32
        %get3A_1612 = arith.index_cast %add3A_1611 : i32 to index
        %get3A_1613 = arith.constant 48 : index
        %get3A_1614 = tpu.vector_load %arg7[%get3A_1612, %get3A_1613] {strides = array<i32>} : memref<400x128xf32, #tpu.memory_space<vmem>>, vector<1x16xf32>,
        %get3A_1615 = vector.shape_cast %get3A_1614 : vector<1x16xf32> to vector<16xf32>
        %add3A_1616 = arith.addf %scan3A_1585, %get3A_1615 : vector<16xf32>
        %add3A_1617 = arith.constant 250 : i32
        %add3A_1618 = arith.addi %add3A_1617, %scan3A_1581 : i32
        %get3A_1619 = arith.index_cast %add3A_1618 : i32 to index
        %get3A_1620 = arith.constant 64 : index
        %get3A_1621 = tpu.vector_load %arg7[%get3A_1619, %get3A_1620] {strides = array<i32>} : memref<400x128xf32, #tpu.memory_space<vmem>>, vector<1x16xf32>,
        %get3A_1622 = vector.shape_cast %get3A_1621 : vector<1x16xf32> to vector<16xf32>
        %add3A_1623 = arith.addf %scan3A_1586, %get3A_1622 : vector<16xf32>
        %add3A_1624 = arith.constant 250 : i32
        %add3A_1625 = arith.addi %add3A_1624, %scan3A_1581 : i32
        %get3A_1626 = arith.index_cast %add3A_1625 : i32 to index
        %get3A_1627 = arith.constant 80 : index
        %get3A_1628 = tpu.vector_load %arg7[%get3A_1626, %get3A_1627] {strides = array<i32>} : memref<400x128xf32, #tpu.memory_space<vmem>>, vector<1x16xf32>,
        %get3A_1629 = vector.shape_cast %get3A_1628 : vector<1x16xf32> to vector<16xf32>
        %add3A_1630 = arith.addf %scan3A_1587, %get3A_1629 : vector<16xf32>
        %add3A_1631 = arith.constant 250 : i32
        %add3A_1632 = arith.addi %add3A_1631, %scan3A_1581 : i32
        %get3A_1633 = arith.index_cast %add3A_1632 : i32 to index
        %get3A_1634 = arith.constant 96 : index
        %get3A_1635 = tpu.vector_load %arg7[%get3A_1633, %get3A_1634] {strides = array<i32>} : memref<400x128xf32, #tpu.memory_space<vmem>>, vector<1x16xf32>,
        %get3A_1636 = vector.shape_cast %get3A_1635 : vector<1x16xf32> to vector<16xf32>
        %add3A_1637 = arith.addf %scan3A_1588, %get3A_1636 : vector<16xf32>
        %add3A_1638 = arith.constant 250 : i32
        %add3A_1639 = arith.addi %add3A_1638, %scan3A_1581 : i32
        %get3A_1640 = arith.index_cast %add3A_1639 : i32 to index
        %get3A_1641 = arith.constant 112 : index
        %get3A_1642 = tpu.vector_load %arg7[%get3A_1640, %get3A_1641] {strides = array<i32>} : memref<400x128xf32, #tpu.memory_space<vmem>>, vector<1x16xf32>,
        %get3A_1643 = vector.shape_cast %get3A_1642 : vector<1x16xf32> to vector<16xf32>
        %add3A_1644 = arith.addf %scan3A_1589, %get3A_1643 : vector<16xf32>
        scf.yield %add3A_1595, %add3A_1602, %add3A_1609, %add3A_1616, %add3A_1623, %add3A_1630, %add3A_1637, %add3A_1644 : vector<16xf32>, vector<16xf32>, vector<16xf32>, vector<16xf32>, vector<16xf32>, vector<16xf32>, vector<16xf32>, vector<16xf32>
      }
      %scan3A_1313 = arith.constant 50 : i32
      %mul3A_1314 = arith.constant 2.000000e-02 : f32
      %mul3A_1315 = vector.broadcast %mul3A_1314 : f32 to vector<16xf32>
      %mul3A_1316 = arith.mulf %scan3A_1312#0, %mul3A_1315 : vector<16xf32>
      %swap3A_1317 = arith.constant 5 : i32
      %swap3A_1318 = arith.index_cast %swap3A_1317 : i32 to index
      %swap3A_1319 = arith.constant 0 : index
      %swap3A_1320 = tpu.vector_load %arg9[%swap3A_1318, %swap3A_1319] {strides = array<i32>} : memref<8x128xf32, #tpu.memory_space<vmem>>, vector<1x16xf32>,
      %swap3A_1321 = vector.shape_cast %swap3A_1320 : vector<1x16xf32> to vector<16xf32>
      %swap3A_1322 = vector.shape_cast %mul3A_1316 : vector<16xf32> to vector<1x16xf32>
      tpu.vector_store %arg9[%swap3A_1318, %swap3A_1319], %swap3A_1322 {strides = array<i32>} : memref<8x128xf32, #tpu.memory_space<vmem>>, vector<1x16xf32>,
      %mul3A_1323 = arith.constant 2.000000e-02 : f32
      %mul3A_1324 = vector.broadcast %mul3A_1323 : f32 to vector<16xf32>
      %mul3A_1325 = arith.mulf %scan3A_1312#1, %mul3A_1324 : vector<16xf32>
      %swap3A_1326 = arith.constant 5 : i32
      %swap3A_1327 = arith.index_cast %swap3A_1326 : i32 to index
      %swap3A_1328 = arith.constant 16 : index
      %swap3A_1329 = tpu.vector_load %arg9[%swap3A_1327, %swap3A_1328] {strides = array<i32>} : memref<8x128xf32, #tpu.memory_space<vmem>>, vector<1x16xf32>,
      %swap3A_1330 = vector.shape_cast %swap3A_1329 : vector<1x16xf32> to vector<16xf32>
      %swap3A_1331 = vector.shape_cast %mul3A_1325 : vector<16xf32> to vector<1x16xf32>
      tpu.vector_store %arg9[%swap3A_1327, %swap3A_1328], %swap3A_1331 {strides = array<i32>} : memref<8x128xf32, #tpu.memory_space<vmem>>, vector<1x16xf32>,
      %mul3A_1332 = arith.constant 2.000000e-02 : f32
      %mul3A_1333 = vector.broadcast %mul3A_1332 : f32 to vector<16xf32>
      %mul3A_1334 = arith.mulf %scan3A_1312#2, %mul3A_1333 : vector<16xf32>
      %swap3A_1335 = arith.constant 5 : i32
      %swap3A_1336 = arith.index_cast %swap3A_1335 : i32 to index
      %swap3A_1337 = arith.constant 32 : index
      %swap3A_1338 = tpu.vector_load %arg9[%swap3A_1336, %swap3A_1337] {strides = array<i32>} : memref<8x128xf32, #tpu.memory_space<vmem>>, vector<1x16xf32>,
      %swap3A_1339 = vector.shape_cast %swap3A_1338 : vector<1x16xf32> to vector<16xf32>
      %swap3A_1340 = vector.shape_cast %mul3A_1334 : vector<16xf32> to vector<1x16xf32>
      tpu.vector_store %arg9[%swap3A_1336, %swap3A_1337], %swap3A_1340 {strides = array<i32>} : memref<8x128xf32, #tpu.memory_space<vmem>>, vector<1x16xf32>,
      %mul3A_1341 = arith.constant 2.000000e-02 : f32
      %mul3A_1342 = vector.broadcast %mul3A_1341 : f32 to vector<16xf32>
      %mul3A_1343 = arith.mulf %scan3A_1312#3, %mul3A_1342 : vector<16xf32>
      %swap3A_1344 = arith.constant 5 : i32
      %swap3A_1345 = arith.index_cast %swap3A_1344 : i32 to index
      %swap3A_1346 = arith.constant 48 : index
      %swap3A_1347 = tpu.vector_load %arg9[%swap3A_1345, %swap3A_1346] {strides = array<i32>} : memref<8x128xf32, #tpu.memory_space<vmem>>, vector<1x16xf32>,
      %swap3A_1348 = vector.shape_cast %swap3A_1347 : vector<1x16xf32> to vector<16xf32>
      %swap3A_1349 = vector.shape_cast %mul3A_1343 : vector<16xf32> to vector<1x16xf32>
      tpu.vector_store %arg9[%swap3A_1345, %swap3A_1346], %swap3A_1349 {strides = array<i32>} : memref<8x128xf32, #tpu.memory_space<vmem>>, vector<1x16xf32>,
      %mul3A_1350 = arith.constant 2.000000e-02 : f32
      %mul3A_1351 = vector.broadcast %mul3A_1350 : f32 to vector<16xf32>
      %mul3A_1352 = arith.mulf %scan3A_1312#4, %mul3A_1351 : vector<16xf32>
      %swap3A_1353 = arith.constant 5 : i32
      %swap3A_1354 = arith.index_cast %swap3A_1353 : i32 to index
      %swap3A_1355 = arith.constant 64 : index
      %swap3A_1356 = tpu.vector_load %arg9[%swap3A_1354, %swap3A_1355] {strides = array<i32>} : memref<8x128xf32, #tpu.memory_space<vmem>>, vector<1x16xf32>,
      %swap3A_1357 = vector.shape_cast %swap3A_1356 : vector<1x16xf32> to vector<16xf32>
      %swap3A_1358 = vector.shape_cast %mul3A_1352 : vector<16xf32> to vector<1x16xf32>
      tpu.vector_store %arg9[%swap3A_1354, %swap3A_1355], %swap3A_1358 {strides = array<i32>} : memref<8x128xf32, #tpu.memory_space<vmem>>, vector<1x16xf32>,
      %mul3A_1359 = arith.constant 2.000000e-02 : f32
      %mul3A_1360 = vector.broadcast %mul3A_1359 : f32 to vector<16xf32>
      %mul3A_1361 = arith.mulf %scan3A_1312#5, %mul3A_1360 : vector<16xf32>
      %swap3A_1362 = arith.constant 5 : i32
      %swap3A_1363 = arith.index_cast %swap3A_1362 : i32 to index
      %swap3A_1364 = arith.constant 80 : index
      %swap3A_1365 = tpu.vector_load %arg9[%swap3A_1363, %swap3A_1364] {strides = array<i32>} : memref<8x128xf32, #tpu.memory_space<vmem>>, vector<1x16xf32>,
      %swap3A_1366 = vector.shape_cast %swap3A_1365 : vector<1x16xf32> to vector<16xf32>
      %swap3A_1367 = vector.shape_cast %mul3A_1361 : vector<16xf32> to vector<1x16xf32>
      tpu.vector_store %arg9[%swap3A_1363, %swap3A_1364], %swap3A_1367 {strides = array<i32>} : memref<8x128xf32, #tpu.memory_space<vmem>>, vector<1x16xf32>,
      %mul3A_1368 = arith.constant 2.000000e-02 : f32
      %mul3A_1369 = vector.broadcast %mul3A_1368 : f32 to vector<16xf32>
      %mul3A_1370 = arith.mulf %scan3A_1312#6, %mul3A_1369 : vector<16xf32>
      %swap3A_1371 = arith.constant 5 : i32
      %swap3A_1372 = arith.index_cast %swap3A_1371 : i32 to index
      %swap3A_1373 = arith.constant 96 : index
      %swap3A_1374 = tpu.vector_load %arg9[%swap3A_1372, %swap3A_1373] {strides = array<i32>} : memref<8x128xf32, #tpu.memory_space<vmem>>, vector<1x16xf32>,
      %swap3A_1375 = vector.shape_cast %swap3A_1374 : vector<1x16xf32> to vector<16xf32>
      %swap3A_1376 = vector.shape_cast %mul3A_1370 : vector<16xf32> to vector<1x16xf32>
      tpu.vector_store %arg9[%swap3A_1372, %swap3A_1373], %swap3A_1376 {strides = array<i32>} : memref<8x128xf32, #tpu.memory_space<vmem>>, vector<1x16xf32>,
      %mul3A_1377 = arith.constant 2.000000e-02 : f32
      %mul3A_1378 = vector.broadcast %mul3A_1377 : f32 to vector<16xf32>
      %mul3A_1379 = arith.mulf %scan3A_1312#7, %mul3A_1378 : vector<16xf32>
      %swap3A_1380 = arith.constant 5 : i32
      %swap3A_1381 = arith.index_cast %swap3A_1380 : i32 to index
      %swap3A_1382 = arith.constant 112 : index
      %swap3A_1383 = tpu.vector_load %arg9[%swap3A_1381, %swap3A_1382] {strides = array<i32>} : memref<8x128xf32, #tpu.memory_space<vmem>>, vector<1x16xf32>,
      %swap3A_1384 = vector.shape_cast %swap3A_1383 : vector<1x16xf32> to vector<16xf32>
      %swap3A_1385 = vector.shape_cast %mul3A_1379 : vector<16xf32> to vector<1x16xf32>
      tpu.vector_store %arg9[%swap3A_1381, %swap3A_1382], %swap3A_1385 {strides = array<i32>} : memref<8x128xf32, #tpu.memory_space<vmem>>, vector<1x16xf32>,
      %broadcast_in_dim3A_1386 = arith.constant 0.000000e+00 : f32
      %broadcast_in_dim3A_1387 = vector.broadcast %broadcast_in_dim3A_1386 : f32 to vector<16xf32>
      %broadcast_in_dim3A_1388 = arith.constant 0.000000e+00 : f32
      %broadcast_in_dim3A_1389 = vector.broadcast %broadcast_in_dim3A_1388 : f32 to vector<16xf32>
      %broadcast_in_dim3A_1390 = arith.constant 0.000000e+00 : f32
      %broadcast_in_dim3A_1391 = vector.broadcast %broadcast_in_dim3A_1390 : f32 to vector<16xf32>
      %broadcast_in_dim3A_1392 = arith.constant 0.000000e+00 : f32
      %broadcast_in_dim3A_1393 = vector.broadcast %broadcast_in_dim3A_1392 : f32 to vector<16xf32>
      %broadcast_in_dim3A_1394 = arith.constant 0.000000e+00 : f32
      %broadcast_in_dim3A_1395 = vector.broadcast %broadcast_in_dim3A_1394 : f32 to vector<16xf32>
      %broadcast_in_dim3A_1396 = arith.constant 0.000000e+00 : f32
      %broadcast_in_dim3A_1397 = vector.broadcast %broadcast_in_dim3A_1396 : f32 to vector<16xf32>
      %broadcast_in_dim3A_1398 = arith.constant 0.000000e+00 : f32
      %broadcast_in_dim3A_1399 = vector.broadcast %broadcast_in_dim3A_1398 : f32 to vector<16xf32>
      %broadcast_in_dim3A_1400 = arith.constant 0.000000e+00 : f32
      %broadcast_in_dim3A_1401 = vector.broadcast %broadcast_in_dim3A_1400 : f32 to vector<16xf32>
      %scan3A_1402 = arith.constant 0 : i32
      %scan3A_1403 = arith.constant 50 : i32
      %scan3A_1404 = arith.addi %scan3A_1402, %scan3A_1403 : i32
      %scan3A_1405 = arith.constant 1 : i32
      %scan3A_1406:8 = scf.for %scan3A_1581 = %scan3A_1402 to %scan3A_1404 step %scan3A_1405 iter_args(%scan3A_1582 = %broadcast_in_dim3A_1387, %scan3A_1583 = %broadcast_in_dim3A_1389, %scan3A_1584 = %broadcast_in_dim3A_1391, %scan3A_1585 = %broadcast_in_dim3A_1393, %scan3A_1586 = %broadcast_in_dim3A_1395, %scan3A_1587 = %broadcast_in_dim3A_1397, %scan3A_1588 = %broadcast_in_dim3A_1399, %scan3A_1589 = %broadcast_in_dim3A_1401) -> (vector<16xf32>, vector<16xf32>, vector<16xf32>, vector<16xf32>, vector<16xf32>, vector<16xf32>, vector<16xf32>, vector<16xf32>)  : i32 {
        %add3A_1590 = arith.constant 300 : i32
        %add3A_1591 = arith.addi %add3A_1590, %scan3A_1581 : i32
        %get3A = arith.index_cast %add3A_1591 : i32 to index
        %get3A_1592 = arith.constant 0 : index
        %get3A_1593 = tpu.vector_load %arg7[%get3A, %get3A_1592] {strides = array<i32>} : memref<400x128xf32, #tpu.memory_space<vmem>>, vector<1x16xf32>,
        %get3A_1594 = vector.shape_cast %get3A_1593 : vector<1x16xf32> to vector<16xf32>
        %add3A_1595 = arith.addf %scan3A_1582, %get3A_1594 : vector<16xf32>
        %add3A_1596 = arith.constant 300 : i32
        %add3A_1597 = arith.addi %add3A_1596, %scan3A_1581 : i32
        %get3A_1598 = arith.index_cast %add3A_1597 : i32 to index
        %get3A_1599 = arith.constant 16 : index
        %get3A_1600 = tpu.vector_load %arg7[%get3A_1598, %get3A_1599] {strides = array<i32>} : memref<400x128xf32, #tpu.memory_space<vmem>>, vector<1x16xf32>,
        %get3A_1601 = vector.shape_cast %get3A_1600 : vector<1x16xf32> to vector<16xf32>
        %add3A_1602 = arith.addf %scan3A_1583, %get3A_1601 : vector<16xf32>
        %add3A_1603 = arith.constant 300 : i32
        %add3A_1604 = arith.addi %add3A_1603, %scan3A_1581 : i32
        %get3A_1605 = arith.index_cast %add3A_1604 : i32 to index
        %get3A_1606 = arith.constant 32 : index
        %get3A_1607 = tpu.vector_load %arg7[%get3A_1605, %get3A_1606] {strides = array<i32>} : memref<400x128xf32, #tpu.memory_space<vmem>>, vector<1x16xf32>,
        %get3A_1608 = vector.shape_cast %get3A_1607 : vector<1x16xf32> to vector<16xf32>
        %add3A_1609 = arith.addf %scan3A_1584, %get3A_1608 : vector<16xf32>
        %add3A_1610 = arith.constant 300 : i32
        %add3A_1611 = arith.addi %add3A_1610, %scan3A_1581 : i32
        %get3A_1612 = arith.index_cast %add3A_1611 : i32 to index
        %get3A_1613 = arith.constant 48 : index
        %get3A_1614 = tpu.vector_load %arg7[%get3A_1612, %get3A_1613] {strides = array<i32>} : memref<400x128xf32, #tpu.memory_space<vmem>>, vector<1x16xf32>,
        %get3A_1615 = vector.shape_cast %get3A_1614 : vector<1x16xf32> to vector<16xf32>
        %add3A_1616 = arith.addf %scan3A_1585, %get3A_1615 : vector<16xf32>
        %add3A_1617 = arith.constant 300 : i32
        %add3A_1618 = arith.addi %add3A_1617, %scan3A_1581 : i32
        %get3A_1619 = arith.index_cast %add3A_1618 : i32 to index
        %get3A_1620 = arith.constant 64 : index
        %get3A_1621 = tpu.vector_load %arg7[%get3A_1619, %get3A_1620] {strides = array<i32>} : memref<400x128xf32, #tpu.memory_space<vmem>>, vector<1x16xf32>,
        %get3A_1622 = vector.shape_cast %get3A_1621 : vector<1x16xf32> to vector<16xf32>
        %add3A_1623 = arith.addf %scan3A_1586, %get3A_1622 : vector<16xf32>
        %add3A_1624 = arith.constant 300 : i32
        %add3A_1625 = arith.addi %add3A_1624, %scan3A_1581 : i32
        %get3A_1626 = arith.index_cast %add3A_1625 : i32 to index
        %get3A_1627 = arith.constant 80 : index
        %get3A_1628 = tpu.vector_load %arg7[%get3A_1626, %get3A_1627] {strides = array<i32>} : memref<400x128xf32, #tpu.memory_space<vmem>>, vector<1x16xf32>,
        %get3A_1629 = vector.shape_cast %get3A_1628 : vector<1x16xf32> to vector<16xf32>
        %add3A_1630 = arith.addf %scan3A_1587, %get3A_1629 : vector<16xf32>
        %add3A_1631 = arith.constant 300 : i32
        %add3A_1632 = arith.addi %add3A_1631, %scan3A_1581 : i32
        %get3A_1633 = arith.index_cast %add3A_1632 : i32 to index
        %get3A_1634 = arith.constant 96 : index
        %get3A_1635 = tpu.vector_load %arg7[%get3A_1633, %get3A_1634] {strides = array<i32>} : memref<400x128xf32, #tpu.memory_space<vmem>>, vector<1x16xf32>,
        %get3A_1636 = vector.shape_cast %get3A_1635 : vector<1x16xf32> to vector<16xf32>
        %add3A_1637 = arith.addf %scan3A_1588, %get3A_1636 : vector<16xf32>
        %add3A_1638 = arith.constant 300 : i32
        %add3A_1639 = arith.addi %add3A_1638, %scan3A_1581 : i32
        %get3A_1640 = arith.index_cast %add3A_1639 : i32 to index
        %get3A_1641 = arith.constant 112 : index
        %get3A_1642 = tpu.vector_load %arg7[%get3A_1640, %get3A_1641] {strides = array<i32>} : memref<400x128xf32, #tpu.memory_space<vmem>>, vector<1x16xf32>,
        %get3A_1643 = vector.shape_cast %get3A_1642 : vector<1x16xf32> to vector<16xf32>
        %add3A_1644 = arith.addf %scan3A_1589, %get3A_1643 : vector<16xf32>
        scf.yield %add3A_1595, %add3A_1602, %add3A_1609, %add3A_1616, %add3A_1623, %add3A_1630, %add3A_1637, %add3A_1644 : vector<16xf32>, vector<16xf32>, vector<16xf32>, vector<16xf32>, vector<16xf32>, vector<16xf32>, vector<16xf32>, vector<16xf32>
      }
      %scan3A_1407 = arith.constant 50 : i32
      %mul3A_1408 = arith.constant 2.000000e-02 : f32
      %mul3A_1409 = vector.broadcast %mul3A_1408 : f32 to vector<16xf32>
      %mul3A_1410 = arith.mulf %scan3A_1406#0, %mul3A_1409 : vector<16xf32>
      %swap3A_1411 = arith.constant 6 : i32
      %swap3A_1412 = arith.index_cast %swap3A_1411 : i32 to index
      %swap3A_1413 = arith.constant 0 : index
      %swap3A_1414 = tpu.vector_load %arg9[%swap3A_1412, %swap3A_1413] {strides = array<i32>} : memref<8x128xf32, #tpu.memory_space<vmem>>, vector<1x16xf32>,
      %swap3A_1415 = vector.shape_cast %swap3A_1414 : vector<1x16xf32> to vector<16xf32>
      %swap3A_1416 = vector.shape_cast %mul3A_1410 : vector<16xf32> to vector<1x16xf32>
      tpu.vector_store %arg9[%swap3A_1412, %swap3A_1413], %swap3A_1416 {strides = array<i32>} : memref<8x128xf32, #tpu.memory_space<vmem>>, vector<1x16xf32>,
      %mul3A_1417 = arith.constant 2.000000e-02 : f32
      %mul3A_1418 = vector.broadcast %mul3A_1417 : f32 to vector<16xf32>
      %mul3A_1419 = arith.mulf %scan3A_1406#1, %mul3A_1418 : vector<16xf32>
      %swap3A_1420 = arith.constant 6 : i32
      %swap3A_1421 = arith.index_cast %swap3A_1420 : i32 to index
      %swap3A_1422 = arith.constant 16 : index
      %swap3A_1423 = tpu.vector_load %arg9[%swap3A_1421, %swap3A_1422] {strides = array<i32>} : memref<8x128xf32, #tpu.memory_space<vmem>>, vector<1x16xf32>,
      %swap3A_1424 = vector.shape_cast %swap3A_1423 : vector<1x16xf32> to vector<16xf32>
      %swap3A_1425 = vector.shape_cast %mul3A_1419 : vector<16xf32> to vector<1x16xf32>
      tpu.vector_store %arg9[%swap3A_1421, %swap3A_1422], %swap3A_1425 {strides = array<i32>} : memref<8x128xf32, #tpu.memory_space<vmem>>, vector<1x16xf32>,
      %mul3A_1426 = arith.constant 2.000000e-02 : f32
      %mul3A_1427 = vector.broadcast %mul3A_1426 : f32 to vector<16xf32>
      %mul3A_1428 = arith.mulf %scan3A_1406#2, %mul3A_1427 : vector<16xf32>
      %swap3A_1429 = arith.constant 6 : i32
      %swap3A_1430 = arith.index_cast %swap3A_1429 : i32 to index
      %swap3A_1431 = arith.constant 32 : index
      %swap3A_1432 = tpu.vector_load %arg9[%swap3A_1430, %swap3A_1431] {strides = array<i32>} : memref<8x128xf32, #tpu.memory_space<vmem>>, vector<1x16xf32>,
      %swap3A_1433 = vector.shape_cast %swap3A_1432 : vector<1x16xf32> to vector<16xf32>
      %swap3A_1434 = vector.shape_cast %mul3A_1428 : vector<16xf32> to vector<1x16xf32>
      tpu.vector_store %arg9[%swap3A_1430, %swap3A_1431], %swap3A_1434 {strides = array<i32>} : memref<8x128xf32, #tpu.memory_space<vmem>>, vector<1x16xf32>,
      %mul3A_1435 = arith.constant 2.000000e-02 : f32
      %mul3A_1436 = vector.broadcast %mul3A_1435 : f32 to vector<16xf32>
      %mul3A_1437 = arith.mulf %scan3A_1406#3, %mul3A_1436 : vector<16xf32>
      %swap3A_1438 = arith.constant 6 : i32
      %swap3A_1439 = arith.index_cast %swap3A_1438 : i32 to index
      %swap3A_1440 = arith.constant 48 : index
      %swap3A_1441 = tpu.vector_load %arg9[%swap3A_1439, %swap3A_1440] {strides = array<i32>} : memref<8x128xf32, #tpu.memory_space<vmem>>, vector<1x16xf32>,
      %swap3A_1442 = vector.shape_cast %swap3A_1441 : vector<1x16xf32> to vector<16xf32>
      %swap3A_1443 = vector.shape_cast %mul3A_1437 : vector<16xf32> to vector<1x16xf32>
      tpu.vector_store %arg9[%swap3A_1439, %swap3A_1440], %swap3A_1443 {strides = array<i32>} : memref<8x128xf32, #tpu.memory_space<vmem>>, vector<1x16xf32>,
      %mul3A_1444 = arith.constant 2.000000e-02 : f32
      %mul3A_1445 = vector.broadcast %mul3A_1444 : f32 to vector<16xf32>
      %mul3A_1446 = arith.mulf %scan3A_1406#4, %mul3A_1445 : vector<16xf32>
      %swap3A_1447 = arith.constant 6 : i32
      %swap3A_1448 = arith.index_cast %swap3A_1447 : i32 to index
      %swap3A_1449 = arith.constant 64 : index
      %swap3A_1450 = tpu.vector_load %arg9[%swap3A_1448, %swap3A_1449] {strides = array<i32>} : memref<8x128xf32, #tpu.memory_space<vmem>>, vector<1x16xf32>,
      %swap3A_1451 = vector.shape_cast %swap3A_1450 : vector<1x16xf32> to vector<16xf32>
      %swap3A_1452 = vector.shape_cast %mul3A_1446 : vector<16xf32> to vector<1x16xf32>
      tpu.vector_store %arg9[%swap3A_1448, %swap3A_1449], %swap3A_1452 {strides = array<i32>} : memref<8x128xf32, #tpu.memory_space<vmem>>, vector<1x16xf32>,
      %mul3A_1453 = arith.constant 2.000000e-02 : f32
      %mul3A_1454 = vector.broadcast %mul3A_1453 : f32 to vector<16xf32>
      %mul3A_1455 = arith.mulf %scan3A_1406#5, %mul3A_1454 : vector<16xf32>
      %swap3A_1456 = arith.constant 6 : i32
      %swap3A_1457 = arith.index_cast %swap3A_1456 : i32 to index
      %swap3A_1458 = arith.constant 80 : index
      %swap3A_1459 = tpu.vector_load %arg9[%swap3A_1457, %swap3A_1458] {strides = array<i32>} : memref<8x128xf32, #tpu.memory_space<vmem>>, vector<1x16xf32>,
      %swap3A_1460 = vector.shape_cast %swap3A_1459 : vector<1x16xf32> to vector<16xf32>
      %swap3A_1461 = vector.shape_cast %mul3A_1455 : vector<16xf32> to vector<1x16xf32>
      tpu.vector_store %arg9[%swap3A_1457, %swap3A_1458], %swap3A_1461 {strides = array<i32>} : memref<8x128xf32, #tpu.memory_space<vmem>>, vector<1x16xf32>,
      %mul3A_1462 = arith.constant 2.000000e-02 : f32
      %mul3A_1463 = vector.broadcast %mul3A_1462 : f32 to vector<16xf32>
      %mul3A_1464 = arith.mulf %scan3A_1406#6, %mul3A_1463 : vector<16xf32>
      %swap3A_1465 = arith.constant 6 : i32
      %swap3A_1466 = arith.index_cast %swap3A_1465 : i32 to index
      %swap3A_1467 = arith.constant 96 : index
      %swap3A_1468 = tpu.vector_load %arg9[%swap3A_1466, %swap3A_1467] {strides = array<i32>} : memref<8x128xf32, #tpu.memory_space<vmem>>, vector<1x16xf32>,
      %swap3A_1469 = vector.shape_cast %swap3A_1468 : vector<1x16xf32> to vector<16xf32>
      %swap3A_1470 = vector.shape_cast %mul3A_1464 : vector<16xf32> to vector<1x16xf32>
      tpu.vector_store %arg9[%swap3A_1466, %swap3A_1467], %swap3A_1470 {strides = array<i32>} : memref<8x128xf32, #tpu.memory_space<vmem>>, vector<1x16xf32>,
      %mul3A_1471 = arith.constant 2.000000e-02 : f32
      %mul3A_1472 = vector.broadcast %mul3A_1471 : f32 to vector<16xf32>
      %mul3A_1473 = arith.mulf %scan3A_1406#7, %mul3A_1472 : vector<16xf32>
      %swap3A_1474 = arith.constant 6 : i32
      %swap3A_1475 = arith.index_cast %swap3A_1474 : i32 to index
      %swap3A_1476 = arith.constant 112 : index
      %swap3A_1477 = tpu.vector_load %arg9[%swap3A_1475, %swap3A_1476] {strides = array<i32>} : memref<8x128xf32, #tpu.memory_space<vmem>>, vector<1x16xf32>,
      %swap3A_1478 = vector.shape_cast %swap3A_1477 : vector<1x16xf32> to vector<16xf32>
      %swap3A_1479 = vector.shape_cast %mul3A_1473 : vector<16xf32> to vector<1x16xf32>
      tpu.vector_store %arg9[%swap3A_1475, %swap3A_1476], %swap3A_1479 {strides = array<i32>} : memref<8x128xf32, #tpu.memory_space<vmem>>, vector<1x16xf32>,
      %broadcast_in_dim3A_1480 = arith.constant 0.000000e+00 : f32
      %broadcast_in_dim3A_1481 = vector.broadcast %broadcast_in_dim3A_1480 : f32 to vector<16xf32>
      %broadcast_in_dim3A_1482 = arith.constant 0.000000e+00 : f32
      %broadcast_in_dim3A_1483 = vector.broadcast %broadcast_in_dim3A_1482 : f32 to vector<16xf32>
      %broadcast_in_dim3A_1484 = arith.constant 0.000000e+00 : f32
      %broadcast_in_dim3A_1485 = vector.broadcast %broadcast_in_dim3A_1484 : f32 to vector<16xf32>
      %broadcast_in_dim3A_1486 = arith.constant 0.000000e+00 : f32
      %broadcast_in_dim3A_1487 = vector.broadcast %broadcast_in_dim3A_1486 : f32 to vector<16xf32>
      %broadcast_in_dim3A_1488 = arith.constant 0.000000e+00 : f32
      %broadcast_in_dim3A_1489 = vector.broadcast %broadcast_in_dim3A_1488 : f32 to vector<16xf32>
      %broadcast_in_dim3A_1490 = arith.constant 0.000000e+00 : f32
      %broadcast_in_dim3A_1491 = vector.broadcast %broadcast_in_dim3A_1490 : f32 to vector<16xf32>
      %broadcast_in_dim3A_1492 = arith.constant 0.000000e+00 : f32
      %broadcast_in_dim3A_1493 = vector.broadcast %broadcast_in_dim3A_1492 : f32 to vector<16xf32>
      %broadcast_in_dim3A_1494 = arith.constant 0.000000e+00 : f32
      %broadcast_in_dim3A_1495 = vector.broadcast %broadcast_in_dim3A_1494 : f32 to vector<16xf32>
      %scan3A_1496 = arith.constant 0 : i32
      %scan3A_1497 = arith.constant 50 : i32
      %scan3A_1498 = arith.addi %scan3A_1496, %scan3A_1497 : i32
      %scan3A_1499 = arith.constant 1 : i32
      %scan3A_1500:8 = scf.for %scan3A_1581 = %scan3A_1496 to %scan3A_1498 step %scan3A_1499 iter_args(%scan3A_1582 = %broadcast_in_dim3A_1481, %scan3A_1583 = %broadcast_in_dim3A_1483, %scan3A_1584 = %broadcast_in_dim3A_1485, %scan3A_1585 = %broadcast_in_dim3A_1487, %scan3A_1586 = %broadcast_in_dim3A_1489, %scan3A_1587 = %broadcast_in_dim3A_1491, %scan3A_1588 = %broadcast_in_dim3A_1493, %scan3A_1589 = %broadcast_in_dim3A_1495) -> (vector<16xf32>, vector<16xf32>, vector<16xf32>, vector<16xf32>, vector<16xf32>, vector<16xf32>, vector<16xf32>, vector<16xf32>)  : i32 {
        %add3A_1590 = arith.constant 350 : i32
        %add3A_1591 = arith.addi %add3A_1590, %scan3A_1581 : i32
        %get3A = arith.index_cast %add3A_1591 : i32 to index
        %get3A_1592 = arith.constant 0 : index
        %get3A_1593 = tpu.vector_load %arg7[%get3A, %get3A_1592] {strides = array<i32>} : memref<400x128xf32, #tpu.memory_space<vmem>>, vector<1x16xf32>,
        %get3A_1594 = vector.shape_cast %get3A_1593 : vector<1x16xf32> to vector<16xf32>
        %add3A_1595 = arith.addf %scan3A_1582, %get3A_1594 : vector<16xf32>
        %add3A_1596 = arith.constant 350 : i32
        %add3A_1597 = arith.addi %add3A_1596, %scan3A_1581 : i32
        %get3A_1598 = arith.index_cast %add3A_1597 : i32 to index
        %get3A_1599 = arith.constant 16 : index
        %get3A_1600 = tpu.vector_load %arg7[%get3A_1598, %get3A_1599] {strides = array<i32>} : memref<400x128xf32, #tpu.memory_space<vmem>>, vector<1x16xf32>,
        %get3A_1601 = vector.shape_cast %get3A_1600 : vector<1x16xf32> to vector<16xf32>
        %add3A_1602 = arith.addf %scan3A_1583, %get3A_1601 : vector<16xf32>
        %add3A_1603 = arith.constant 350 : i32
        %add3A_1604 = arith.addi %add3A_1603, %scan3A_1581 : i32
        %get3A_1605 = arith.index_cast %add3A_1604 : i32 to index
        %get3A_1606 = arith.constant 32 : index
        %get3A_1607 = tpu.vector_load %arg7[%get3A_1605, %get3A_1606] {strides = array<i32>} : memref<400x128xf32, #tpu.memory_space<vmem>>, vector<1x16xf32>,
        %get3A_1608 = vector.shape_cast %get3A_1607 : vector<1x16xf32> to vector<16xf32>
        %add3A_1609 = arith.addf %scan3A_1584, %get3A_1608 : vector<16xf32>
        %add3A_1610 = arith.constant 350 : i32
        %add3A_1611 = arith.addi %add3A_1610, %scan3A_1581 : i32
        %get3A_1612 = arith.index_cast %add3A_1611 : i32 to index
        %get3A_1613 = arith.constant 48 : index
        %get3A_1614 = tpu.vector_load %arg7[%get3A_1612, %get3A_1613] {strides = array<i32>} : memref<400x128xf32, #tpu.memory_space<vmem>>, vector<1x16xf32>,
        %get3A_1615 = vector.shape_cast %get3A_1614 : vector<1x16xf32> to vector<16xf32>
        %add3A_1616 = arith.addf %scan3A_1585, %get3A_1615 : vector<16xf32>
        %add3A_1617 = arith.constant 350 : i32
        %add3A_1618 = arith.addi %add3A_1617, %scan3A_1581 : i32
        %get3A_1619 = arith.index_cast %add3A_1618 : i32 to index
        %get3A_1620 = arith.constant 64 : index
        %get3A_1621 = tpu.vector_load %arg7[%get3A_1619, %get3A_1620] {strides = array<i32>} : memref<400x128xf32, #tpu.memory_space<vmem>>, vector<1x16xf32>,
        %get3A_1622 = vector.shape_cast %get3A_1621 : vector<1x16xf32> to vector<16xf32>
        %add3A_1623 = arith.addf %scan3A_1586, %get3A_1622 : vector<16xf32>
        %add3A_1624 = arith.constant 350 : i32
        %add3A_1625 = arith.addi %add3A_1624, %scan3A_1581 : i32
        %get3A_1626 = arith.index_cast %add3A_1625 : i32 to index
        %get3A_1627 = arith.constant 80 : index
        %get3A_1628 = tpu.vector_load %arg7[%get3A_1626, %get3A_1627] {strides = array<i32>} : memref<400x128xf32, #tpu.memory_space<vmem>>, vector<1x16xf32>,
        %get3A_1629 = vector.shape_cast %get3A_1628 : vector<1x16xf32> to vector<16xf32>
        %add3A_1630 = arith.addf %scan3A_1587, %get3A_1629 : vector<16xf32>
        %add3A_1631 = arith.constant 350 : i32
        %add3A_1632 = arith.addi %add3A_1631, %scan3A_1581 : i32
        %get3A_1633 = arith.index_cast %add3A_1632 : i32 to index
        %get3A_1634 = arith.constant 96 : index
        %get3A_1635 = tpu.vector_load %arg7[%get3A_1633, %get3A_1634] {strides = array<i32>} : memref<400x128xf32, #tpu.memory_space<vmem>>, vector<1x16xf32>,
        %get3A_1636 = vector.shape_cast %get3A_1635 : vector<1x16xf32> to vector<16xf32>
        %add3A_1637 = arith.addf %scan3A_1588, %get3A_1636 : vector<16xf32>
        %add3A_1638 = arith.constant 350 : i32
        %add3A_1639 = arith.addi %add3A_1638, %scan3A_1581 : i32
        %get3A_1640 = arith.index_cast %add3A_1639 : i32 to index
        %get3A_1641 = arith.constant 112 : index
        %get3A_1642 = tpu.vector_load %arg7[%get3A_1640, %get3A_1641] {strides = array<i32>} : memref<400x128xf32, #tpu.memory_space<vmem>>, vector<1x16xf32>,
        %get3A_1643 = vector.shape_cast %get3A_1642 : vector<1x16xf32> to vector<16xf32>
        %add3A_1644 = arith.addf %scan3A_1589, %get3A_1643 : vector<16xf32>
        scf.yield %add3A_1595, %add3A_1602, %add3A_1609, %add3A_1616, %add3A_1623, %add3A_1630, %add3A_1637, %add3A_1644 : vector<16xf32>, vector<16xf32>, vector<16xf32>, vector<16xf32>, vector<16xf32>, vector<16xf32>, vector<16xf32>, vector<16xf32>
      }
      %scan3A_1501 = arith.constant 50 : i32
      %mul3A_1502 = arith.constant 2.000000e-02 : f32
      %mul3A_1503 = vector.broadcast %mul3A_1502 : f32 to vector<16xf32>
      %mul3A_1504 = arith.mulf %scan3A_1500#0, %mul3A_1503 : vector<16xf32>
      %swap3A_1505 = arith.constant 7 : i32
      %swap3A_1506 = arith.index_cast %swap3A_1505 : i32 to index
      %swap3A_1507 = arith.constant 0 : index
      %swap3A_1508 = tpu.vector_load %arg9[%swap3A_1506, %swap3A_1507] {strides = array<i32>} : memref<8x128xf32, #tpu.memory_space<vmem>>, vector<1x16xf32>,
      %swap3A_1509 = vector.shape_cast %swap3A_1508 : vector<1x16xf32> to vector<16xf32>
      %swap3A_1510 = vector.shape_cast %mul3A_1504 : vector<16xf32> to vector<1x16xf32>
      tpu.vector_store %arg9[%swap3A_1506, %swap3A_1507], %swap3A_1510 {strides = array<i32>} : memref<8x128xf32, #tpu.memory_space<vmem>>, vector<1x16xf32>,
      %mul3A_1511 = arith.constant 2.000000e-02 : f32
      %mul3A_1512 = vector.broadcast %mul3A_1511 : f32 to vector<16xf32>
      %mul3A_1513 = arith.mulf %scan3A_1500#1, %mul3A_1512 : vector<16xf32>
      %swap3A_1514 = arith.constant 7 : i32
      %swap3A_1515 = arith.index_cast %swap3A_1514 : i32 to index
      %swap3A_1516 = arith.constant 16 : index
      %swap3A_1517 = tpu.vector_load %arg9[%swap3A_1515, %swap3A_1516] {strides = array<i32>} : memref<8x128xf32, #tpu.memory_space<vmem>>, vector<1x16xf32>,
      %swap3A_1518 = vector.shape_cast %swap3A_1517 : vector<1x16xf32> to vector<16xf32>
      %swap3A_1519 = vector.shape_cast %mul3A_1513 : vector<16xf32> to vector<1x16xf32>
      tpu.vector_store %arg9[%swap3A_1515, %swap3A_1516], %swap3A_1519 {strides = array<i32>} : memref<8x128xf32, #tpu.memory_space<vmem>>, vector<1x16xf32>,
      %mul3A_1520 = arith.constant 2.000000e-02 : f32
      %mul3A_1521 = vector.broadcast %mul3A_1520 : f32 to vector<16xf32>
      %mul3A_1522 = arith.mulf %scan3A_1500#2, %mul3A_1521 : vector<16xf32>
      %swap3A_1523 = arith.constant 7 : i32
      %swap3A_1524 = arith.index_cast %swap3A_1523 : i32 to index
      %swap3A_1525 = arith.constant 32 : index
      %swap3A_1526 = tpu.vector_load %arg9[%swap3A_1524, %swap3A_1525] {strides = array<i32>} : memref<8x128xf32, #tpu.memory_space<vmem>>, vector<1x16xf32>,
      %swap3A_1527 = vector.shape_cast %swap3A_1526 : vector<1x16xf32> to vector<16xf32>
      %swap3A_1528 = vector.shape_cast %mul3A_1522 : vector<16xf32> to vector<1x16xf32>
      tpu.vector_store %arg9[%swap3A_1524, %swap3A_1525], %swap3A_1528 {strides = array<i32>} : memref<8x128xf32, #tpu.memory_space<vmem>>, vector<1x16xf32>,
      %mul3A_1529 = arith.constant 2.000000e-02 : f32
      %mul3A_1530 = vector.broadcast %mul3A_1529 : f32 to vector<16xf32>
      %mul3A_1531 = arith.mulf %scan3A_1500#3, %mul3A_1530 : vector<16xf32>
      %swap3A_1532 = arith.constant 7 : i32
      %swap3A_1533 = arith.index_cast %swap3A_1532 : i32 to index
      %swap3A_1534 = arith.constant 48 : index
      %swap3A_1535 = tpu.vector_load %arg9[%swap3A_1533, %swap3A_1534] {strides = array<i32>} : memref<8x128xf32, #tpu.memory_space<vmem>>, vector<1x16xf32>,
      %swap3A_1536 = vector.shape_cast %swap3A_1535 : vector<1x16xf32> to vector<16xf32>
      %swap3A_1537 = vector.shape_cast %mul3A_1531 : vector<16xf32> to vector<1x16xf32>
      tpu.vector_store %arg9[%swap3A_1533, %swap3A_1534], %swap3A_1537 {strides = array<i32>} : memref<8x128xf32, #tpu.memory_space<vmem>>, vector<1x16xf32>,
      %mul3A_1538 = arith.constant 2.000000e-02 : f32
      %mul3A_1539 = vector.broadcast %mul3A_1538 : f32 to vector<16xf32>
      %mul3A_1540 = arith.mulf %scan3A_1500#4, %mul3A_1539 : vector<16xf32>
      %swap3A_1541 = arith.constant 7 : i32
      %swap3A_1542 = arith.index_cast %swap3A_1541 : i32 to index
      %swap3A_1543 = arith.constant 64 : index
      %swap3A_1544 = tpu.vector_load %arg9[%swap3A_1542, %swap3A_1543] {strides = array<i32>} : memref<8x128xf32, #tpu.memory_space<vmem>>, vector<1x16xf32>,
      %swap3A_1545 = vector.shape_cast %swap3A_1544 : vector<1x16xf32> to vector<16xf32>
      %swap3A_1546 = vector.shape_cast %mul3A_1540 : vector<16xf32> to vector<1x16xf32>
      tpu.vector_store %arg9[%swap3A_1542, %swap3A_1543], %swap3A_1546 {strides = array<i32>} : memref<8x128xf32, #tpu.memory_space<vmem>>, vector<1x16xf32>,
      %mul3A_1547 = arith.constant 2.000000e-02 : f32
      %mul3A_1548 = vector.broadcast %mul3A_1547 : f32 to vector<16xf32>
      %mul3A_1549 = arith.mulf %scan3A_1500#5, %mul3A_1548 : vector<16xf32>
      %swap3A_1550 = arith.constant 7 : i32
      %swap3A_1551 = arith.index_cast %swap3A_1550 : i32 to index
      %swap3A_1552 = arith.constant 80 : index
      %swap3A_1553 = tpu.vector_load %arg9[%swap3A_1551, %swap3A_1552] {strides = array<i32>} : memref<8x128xf32, #tpu.memory_space<vmem>>, vector<1x16xf32>,
      %swap3A_1554 = vector.shape_cast %swap3A_1553 : vector<1x16xf32> to vector<16xf32>
      %swap3A_1555 = vector.shape_cast %mul3A_1549 : vector<16xf32> to vector<1x16xf32>
      tpu.vector_store %arg9[%swap3A_1551, %swap3A_1552], %swap3A_1555 {strides = array<i32>} : memref<8x128xf32, #tpu.memory_space<vmem>>, vector<1x16xf32>,
      %mul3A_1556 = arith.constant 2.000000e-02 : f32
      %mul3A_1557 = vector.broadcast %mul3A_1556 : f32 to vector<16xf32>
      %mul3A_1558 = arith.mulf %scan3A_1500#6, %mul3A_1557 : vector<16xf32>
      %swap3A_1559 = arith.constant 7 : i32
      %swap3A_1560 = arith.index_cast %swap3A_1559 : i32 to index
      %swap3A_1561 = arith.constant 96 : index
      %swap3A_1562 = tpu.vector_load %arg9[%swap3A_1560, %swap3A_1561] {strides = array<i32>} : memref<8x128xf32, #tpu.memory_space<vmem>>, vector<1x16xf32>,
      %swap3A_1563 = vector.shape_cast %swap3A_1562 : vector<1x16xf32> to vector<16xf32>
      %swap3A_1564 = vector.shape_cast %mul3A_1558 : vector<16xf32> to vector<1x16xf32>
      tpu.vector_store %arg9[%swap3A_1560, %swap3A_1561], %swap3A_1564 {strides = array<i32>} : memref<8x128xf32, #tpu.memory_space<vmem>>, vector<1x16xf32>,
      %mul3A_1565 = arith.constant 2.000000e-02 : f32
      %mul3A_1566 = vector.broadcast %mul3A_1565 : f32 to vector<16xf32>
      %mul3A_1567 = arith.mulf %scan3A_1500#7, %mul3A_1566 : vector<16xf32>
      %swap3A_1568 = arith.constant 7 : i32
      %swap3A_1569 = arith.index_cast %swap3A_1568 : i32 to index
      %swap3A_1570 = arith.constant 112 : index
      %swap3A_1571 = tpu.vector_load %arg9[%swap3A_1569, %swap3A_1570] {strides = array<i32>} : memref<8x128xf32, #tpu.memory_space<vmem>>, vector<1x16xf32>,
      %swap3A_1572 = vector.shape_cast %swap3A_1571 : vector<1x16xf32> to vector<16xf32>
      %swap3A_1573 = vector.shape_cast %mul3A_1567 : vector<16xf32> to vector<1x16xf32>
      tpu.vector_store %arg9[%swap3A_1569, %swap3A_1570], %swap3A_1573 {strides = array<i32>} : memref<8x128xf32, #tpu.memory_space<vmem>>, vector<1x16xf32>,
      %mul3A_1574 = arith.constant 8 : i32
      %mul3A_1575 = arith.muli %add3A_821, %mul3A_1574 : i32
      %add3A_1576 = arith.addi %mul3A_2, %mul3A_1575 : i32
      %dma_start3A_1577 = arith.constant 0 : i32
      %dma_start3A_1578 = tpu.memref_slice %arg4[%add3A_1576, %dma_start3A_1577] : memref<4096x128xf32, #tpu.memory_space<hbm>> -> memref<8x128xf32, #tpu.memory_space<hbm>>
      %dma_start3A_1579 = arith.constant 0 : i32
      %dma_start3A_1580 = tpu.memref_slice %arg4[%add3A_1576, %dma_start3A_1579] : memref<4096x128xf32, #tpu.memory_space<hbm>> -> memref<8x128xf32, #tpu.memory_space<hbm>>
      tpu.enqueue_dma source(%arg9 : memref<8x128xf32, #tpu.memory_space<vmem>>) target(%dma_start3A_1580 : memref<8x128xf32, #tpu.memory_space<hbm>>) target_semaphore(%arg13 : memref<!tpu.dma_semaphore, #tpu.memory_space<semaphore_mem>>)
    }
    %scan3A_13 = arith.constant 8 : i32
    %add3A_14 = arith.constant 112 : i32
    %add3A_15 = arith.addi %mul3A_2, %add3A_14 : i32
    %dma_wait3A = arith.constant 0 : i32
    %dma_wait3A_16 = tpu.memref_slice %arg4[%add3A_15, %dma_wait3A] : memref<4096x128xf32, #tpu.memory_space<hbm>> -> memref<8x128xf32, #tpu.memory_space<hbm>>
    %dma_wait3A_17 = arith.constant 0 : i32
    %dma_wait3A_18 = tpu.memref_slice %arg4[%add3A_15, %dma_wait3A_17] : memref<4096x128xf32, #tpu.memory_space<hbm>> -> memref<8x128xf32, #tpu.memory_space<hbm>>
    tpu.wait_dma2 semaphore(%arg12 : memref<!tpu.dma_semaphore, #tpu.memory_space<semaphore_mem>>) src(%arg8 : memref<8x128xf32, #tpu.memory_space<vmem>>) dst(%dma_wait3A_18 : memref<8x128xf32, #tpu.memory_space<hbm>>)
    %add3A_19 = arith.constant 120 : i32
    %add3A_20 = arith.addi %mul3A_2, %add3A_19 : i32
    %dma_wait3A_21 = arith.constant 0 : i32
    %dma_wait3A_22 = tpu.memref_slice %arg4[%add3A_20, %dma_wait3A_21] : memref<4096x128xf32, #tpu.memory_space<hbm>> -> memref<8x128xf32, #tpu.memory_space<hbm>>
    %dma_wait3A_23 = arith.constant 0 : i32
    %dma_wait3A_24 = tpu.memref_slice %arg4[%add3A_20, %dma_wait3A_23] : memref<4096x128xf32, #tpu.memory_space<hbm>> -> memref<8x128xf32, #tpu.memory_space<hbm>>
    tpu.wait_dma2 semaphore(%arg13 : memref<!tpu.dma_semaphore, #tpu.memory_space<semaphore_mem>>) src(%arg9 : memref<8x128xf32, #tpu.memory_space<vmem>>) dst(%dma_wait3A_24 : memref<8x128xf32, #tpu.memory_space<hbm>>)
    return
  }
}

module attributes {stable_mosaic.version = 14 : i64} {
  func.func @mm(%arg0: memref<4096x128xf32, #tpu.memory_space<vmem>>, %arg1: memref<128x128xf32, #tpu.memory_space<vmem>>, %arg2: memref<1x128xf32, #tpu.memory_space<vmem>>, %arg3: memref<4096x128xf32, #tpu.memory_space<vmem>>) attributes {dimension_semantics = [], scalar_prefetch = 0 : i64, scratch_operands = 0 : i64, tpu.core_type = #tpu.core_type<tc>} {
    %get3A = arith.constant 0 : index
    %get3A_0 = arith.constant 0 : index
    %get3A_1 = vector.load %arg0[%get3A, %get3A_0] : memref<4096x128xf32, #tpu.memory_space<vmem>>, vector<4096x128xf32>
    %get3A_2 = arith.constant 0 : index
    %get3A_3 = arith.constant 0 : index
    %get3A_4 = vector.load %arg1[%get3A_2, %get3A_3] : memref<128x128xf32, #tpu.memory_space<vmem>>, vector<128x128xf32>
    %dot_general3A = arith.constant dense<0.000000e+00> : vector<4096x128xf32>
    %dot_general3A_5 = tpu.matmul %get3A_1, %get3A_4, %dot_general3A {dimension_numbers = #tpu.dot_dimension_numbers<[1], [1], [0], [0], [0, 0, 1, 0], [], []>, transpose_lhs_hint = false} : vector<4096x128xf32>, vector<128x128xf32>, vector<4096x128xf32> -> vector<4096x128xf32>
    %get3A_6 = arith.constant 0 : index
    %get3A_7 = arith.constant 0 : index
    %get3A_8 = vector.load %arg2[%get3A_6, %get3A_7] : memref<1x128xf32, #tpu.memory_space<vmem>>, vector<1x128xf32>
    %add3A = vector.broadcast %get3A_8 : vector<1x128xf32> to vector<4096x128xf32>
    %add3A_9 = arith.addf %dot_general3A_5, %add3A : vector<4096x128xf32>
    %swap3A = arith.constant 0 : index
    %swap3A_10 = arith.constant 0 : index
    %swap3A_11 = vector.load %arg3[%swap3A, %swap3A_10] : memref<4096x128xf32, #tpu.memory_space<vmem>>, vector<4096x128xf32>
    tpu.vector_store %arg3[%swap3A, %swap3A_10], %add3A_9 {strides = array<i32>} : memref<4096x128xf32, #tpu.memory_space<vmem>>, vector<4096x128xf32>,
    return
  }
}

</mosaic_0001>

<sc_bundles>
// kernel: kernel.4.cloned.1.call-start
scs
__scs_entry_jumppad:
0x0: {  	(pc) =	sbr.rel $0x88, $3  }
0x1: {  	(tag) =	ssettag $0x0;
	lr =	simm.s32 $0x1  }
0x2: {  	[smem:$0x3F9D] =	sst lr;
	_ =	strace $0xD0000000  }
0x3: {  	_ = 	snop  }
0x4: {  	_ = 	snop  }
0x5: {  	_ = 	snop  }
0x6: {  	_ = 	snop  }
0x7: {  	_ = 	snop  }
__scs_overlays_trampoline_lowered:
0x8: {  	[smem:$0x3FAC] =	sst s0  }
0x9: {  	[smem:$0x3FAD] =	sst s1  }
0xa: {  	[smem:$0x3FAE] =	sst s2  }
0xb: {  	[smem:$0x3FAF] =	sst s3  }
0xc: {  	[smem:$0x3FB0] =	sst s4  }
0xd: {  	[smem:$0x3FB1] =	sst s5  }
0xe: {  	[smem:$0x3FB2] =	sst s6  }
0xf: {  	[smem:$0x3FB3] =	sst s7  }
0x10: {  	[smem:$0x3FB4] =	sst s8  }
0x11: {  	[smem:$0x3FB5] =	sst s9;
	s0 =	simm.s32 @!p0 $0x0  }
0x12: {  	s1 =	sld [smem:$0x3F9B];
	s0 =	simm.s32 @p0 $0x1  }
0x13: {  	[smem:$0x3FB6] =	sst s0;
	s0 =	simm.s32 @!p1 $0x0  }
0x14: {  	s2 =	sld [smem:$0x3F9A];
	s0 =	simm.s32 @p1 $0x1  }
0x15: {  	[smem:$0x3FB7] =	sst s0;
	s0 =	simm.s32 @!p2 $0x0  }
0x16: {  	s3 =	sld [smem:$0x3FDB];
	s0 =	simm.s32 @p2 $0x1  }
0x17: {  	s4 =	simm.s32 $0x1BF5;
	[smem:$0x3FB9] =	sst s0  }
0x18: {  	s0 =	sld [smem:$0x3F9C];
	_ =	swait.ge [sflag:s4], $0x0  }
0x19: {  	s7 =	sld [smem:$0x3F9D]  }
0x1a: {  	s8 =	sadd.s32 $0xFFFFE003, lr  }
0x1b: {  	s9 =	sadd.s32 $0xFFFFFEF7, lr;
	s5 =	simm.s32 $0xFFFFFFFF;
	p2 =	slt.u32 s8, $0xFFFFF086  }
0x1c: {  	p1 =	slt.u32 s9, $0xF7A;
	s5 =	simm.s32 @!p2 $0x0  }
0x1d: {  	s5 =	simm.s32 @p1 $0x1;
	p0 =	seq.s32 s7, s2  }
0x1e: {  	s7 =	smul.u32 @!p0 $0xF7A, s2;
	p2 =	seq.s32 @!p0 s5, $0x0  }
0x1f: {  	s9 =	smul.u32 $0xF7A, s1;
	s8 =	simm.s32 @!p0 $0x1BF5;
	p2 =	por !p2, p0  }
0x20: {  	[sflag:s8] =	ssyncset.s32 @!p0 $0xFFFFF086;
	s6 =	sadd.s32 @!p0 s3, s7;
	s7 =	simm.s32 @!p0 $0x108  }
0x21: {  	s3 =	sadd.s32 s3, s9;
	s6 =	sadd.s32 @!p0 $0x88, s6;
	s7 =	simm.s32 @p2 $0x1082  }
0x22: {  	[simem:s7], [sflag:s8] =	dma.local @!p0 [hbm:s6], $0xF7A  }
0x23: {  	s9 =	sor.u32 $0xD0000000, s2;
	s6 =	simm.s32 $0x108;
	_ =	swait.ge @!p0 [sflag:s8], $0x0  }
0x24: {  	s3 =	sadd.s32 $0x88, s3;
	s6 =	simm.s32 @!p1 $0x1082;
	[sflag:s4] =	ssyncset.s32 $0xFFFFF086  }
0x25: {  	[simem:s6], [sflag:s4] =	dma.local [hbm:s3], $0xF7A  }
0x26: {  	[smem:$0x3F9D] =	sst s1;
	(tag) =	ssettag s2;
	_ =	strace s9  }
0x27: {  	s1 =	sld [smem:$0x3FAD]  }
0x28: {  	s2 =	sld [smem:$0x3FAE]  }
0x29: {  	s4 =	sld [smem:$0x3FB0]  }
0x2a: {  	p0 =	seq.s32 s5, $0x0;
	s5 =	sld [smem:$0x3FB1]  }
0x2b: {  	s6 =	sld [smem:$0x3FB2]  }
0x2c: {  	s7 =	sld [smem:$0x3FB3]  }
0x2d: {  	s3 =	simm.s32 $0x108;
	s8 =	sld [smem:$0x3FB4]  }
0x2e: {  	s3 =	simm.s32 @!p0 $0x1082;
	s9 =	sld [smem:$0x3FB5]  }
0x2f: {  	lr =	sadd.s32 s0, s3;
	s0 =	sld [smem:$0x3FAC]  }
0x30: {  	s3 =	sld [smem:$0x3FAF]  }
0x31: {  	[smem:$0x3FB8] =	sst s10  }
0x32: {  	s10 =	sld [smem:$0x3FB6];
	_ =	sdelay $0x3  }
0x33: {  	p0 =	seq.s32 s10, $0x1;
	s10 =	sld [smem:$0x3FB8];
	_ =	sdelay $0x3  }
0x34: {  	[smem:$0x3FB8] =	sst s10  }
0x35: {  	s10 =	sld [smem:$0x3FB7];
	_ =	sdelay $0x3  }
0x36: {  	p1 =	seq.s32 s10, $0x1;
	s10 =	sld [smem:$0x3FB8];
	_ =	sdelay $0x3  }
0x37: {  	[smem:$0x3FB8] =	sst s10  }
0x38: {  	s10 =	sld [smem:$0x3FB9]  }
0x39: {  	_ = 	snop;
	(pc) =	sbr.ind lr, $3  }
0x3a: {  	_ = 	snop  }
0x3b: {  	_ = 	snop  }
0x3c: {  	p2 =	seq.s32 s10, $0x1;
	s10 =	sld [smem:$0x3FB8]  }
0x3d: {  	_ =	shalt  }
0x3e: {  	_ =	shalt  }
0x3f: {  	_ =	shalt  }
0x40: {  	_ =	shalt  }
0x41: {  	_ =	shalt  }
0x42: {  	_ =	shalt  }
0x43: {  	_ =	shalt  }
0x44: {  	_ =	shalt  }
0x45: {  	_ =	shalt  }
0x46: {  	_ =	shalt  }
0x47: {  	_ =	shalt  }
0x48: {  	_ =	shalt  }
0x49: {  	_ =	shalt  }
0x4a: {  	_ =	shalt  }
0x4b: {  	_ =	shalt  }
0x4c: {  	_ =	shalt  }
0x4d: {  	_ =	shalt  }
0x4e: {  	_ =	shalt  }
0x4f: {  	_ =	shalt  }
0x50: {  	_ =	shalt  }
0x51: {  	_ =	shalt  }
0x52: {  	_ =	shalt  }
0x53: {  	_ =	shalt  }
0x54: {  	_ =	shalt  }
0x55: {  	_ =	shalt  }
0x56: {  	_ =	shalt  }
0x57: {  	_ =	shalt  }
0x58: {  	_ =	shalt  }
0x59: {  	_ =	shalt  }
0x5a: {  	_ =	shalt  }
0x5b: {  	_ =	shalt  }
0x5c: {  	_ =	shalt  }
0x5d: {  	_ =	shalt  }
0x5e: {  	_ =	shalt  }
0x5f: {  	_ =	shalt  }
0x60: {  	_ =	shalt  }
0x61: {  	_ =	shalt  }
0x62: {  	_ =	shalt  }
0x63: {  	_ =	shalt  }
0x64: {  	_ =	shalt  }
0x65: {  	_ =	shalt  }
0x66: {  	_ =	shalt  }
0x67: {  	_ =	shalt  }
0x68: {  	_ =	shalt  }
0x69: {  	_ =	shalt  }
0x6a: {  	_ =	shalt  }
0x6b: {  	_ =	shalt  }
0x6c: {  	_ =	shalt  }
0x6d: {  	_ =	shalt  }
0x6e: {  	_ =	shalt  }
0x6f: {  	_ =	shalt  }
0x70: {  	_ =	shalt  }
0x71: {  	_ =	shalt  }
0x72: {  	_ =	shalt  }
0x73: {  	_ =	shalt  }
0x74: {  	_ =	shalt  }
0x75: {  	_ =	shalt  }
0x76: {  	_ =	shalt  }
0x77: {  	_ =	shalt  }
0x78: {  	_ =	shalt  }
0x79: {  	_ =	shalt  }
0x7a: {  	_ =	shalt  }
0x7b: {  	_ =	shalt  }
0x7c: {  	_ =	shalt  }
0x7d: {  	_ =	shalt  }
0x7e: {  	_ =	shalt  }
0x7f: {  	_ =	shalt  }
0x80: {  	_ =	shalt  }
0x81: {  	_ =	shalt  }
0x82: {  	_ =	shalt  }
0x83: {  	_ =	shalt  }
0x84: {  	_ =	shalt  }
0x85: {  	_ =	shalt  }
0x86: {  	_ =	shalt  }
0x87: {  	_ =	shalt  }
.Lfunc_end0:
.L_simem_size_0:
called_computation_lowered:
.L_overlay_start_0:
0x88: {  	s2 =	sld [smem:$0x3FD9]  }
0x89: {  	s3 =	sld [smem:$0x3FFE];
	_ =	sdelay $0x1  }
0x8a: {  	s1 =	srdreg.scid  }
0x8b: {  	s0 =	sand.u32 $0x1, s1  }
0x8c: {  	s17 =	sshll.u32 s0, $0xA;
	s2 =	sadd.s32 s3, s2  }
0x8d: {  	s2 =	sadd.s32 s2, s17  }
0x8e: {  	[smem:$0x3FC4] =	sst s2  }
0x8f: {  	_ = 	snop  }
0x90: {  	s2 =	sld [smem:$0x3FC8]  }
0x91: {  	s18 =	sld [smem:$0x3FD0];
	(tm) =	ssettm $0x1  }
0x92: {  	s4 =	sld [smem:$0x3FFB];
	_ =	sdelay $0x3  }
0x93: {  	_ =	strace s4  }
0x94: {  	s4 =	sld [smem:$0x3FFC];
	_ =	sdelay $0x3  }
0x95: {  	_ =	strace s4  }
0x96: {  	s4 =	sld [smem:$0x3FFD];
	_ =	sdelay $0x3  }
0x97: {  	_ =	strace s4  }
0x98: {  	_ =	strace $0x8FFFFFFF  }
0x99: {  	s19 =	sld [smem:$0x3FDB];
	_ =	sdelay $0x1  }
0x9a: {  	s5 =	simm.s32 $_scs_section_size  }
0x9b: {  	s6 =	simm.s32 $_size__tile_overlayer_lowered;
	s7 =	simm.s32 $_tile_overlayer_lowered  }
0x9c: {  	s22 =	simm.s32 $0x1BFF;
	s21 =	sshll.u32 s7, $0x1;
	s4 =	sadd.s32 s5, s19  }
0x9d: {  	s8 =	simm.s32 $0x0;
	s20 =	sshll.u32 s6, $0x1;
	s6 =	sadd.s32 s21, s4  }
0x9e: {  	[timem:s8], [sflag:s22] =	dma.local [hbm:s6], s20  }
0x9f: {  	_ =	swait.ge [sflag:s22], s20  }
0xa0: {  	s5 =	ssub.s32 $0x0, s20;
	[sflag:s22] =	ssyncset.done $0x0  }
0xa1: {  	[sflag:s22] =	ssyncadd.s32 s5;
	_ =	sdelay $0x1  }
0xa2: {  	s23 =	simm.s32 $0x1B8B  }
0xa3: {  	_ =	swait.ge [sflag:s23], $0x1  }
0xa4: {  	[sflag:s23] =	ssyncset.done $0x0  }
0xa5: {  	s25 =	simm.s32 $0x1B8E;
	s24 =	sld [smem:$0x3FFE];
	[sflag:s23] =	ssyncadd.s32 $0xFFFFFFFF  }
0xa6: {  	s26 =	simm.s32 $execute0_lowered;
	[smem:$0x3FD2] =	sst s25  }
0xa7: {  	s6 =	sshll.u32 s26, $0x1;
	_ =	strace $0x80000046;
	[dreg:$0x1] =	wrdreg $0xFFFFFFFF  }
0xa8: {  	s28 =	simm.s32 $_size_execute0_lowered;
	s4 =	sadd.s32 s4, s6;
	[dreg:$0x0] =	wrdreg $0x0  }
0xa9: {  	s6 =	sshll.u32 s28, $0x1;
	[dreg:$0x2] =	wrdreg s4  }
0xaa: {  	[dreg:$0x3] =	wrdreg s6  }
0xab: {  	[dreg:$0x4] =	wrdreg $0xC0  }
0xac: {  	_ =	task [dreg:s8], $0x5FFFF  }
0xad: {  	[dreg:$0x1] =	wrdreg $0xFFFFFFFF  }
0xae: {  	[dreg:$0x0] =	wrdreg $0x60  }
0xaf: {  	[dreg:$0x2] =	wrdreg s24  }
0xb0: {  	[dreg:$0x3] =	wrdreg s2  }
0xb1: {  	[dreg:$0x4] =	wrdreg s18  }
0xb2: {  	[dreg:$0x5] =	wrdreg $0x9  }
0xb3: {  	_ =	task.clear_ibuf [dreg:s8], $0x6FFFF;
	_ =	strace $0x90000046  }
0xb4: {  	s29 =	simm.s32 $0x9;
	_ =	strace $0x80000048  }
0xb5: {  	_ =	swait.ge [sflag:s29], $0x1  }
0xb6: {  	[sflag:s29] =	ssyncadd.s32 $0xFFFFFFFF  }
0xb7: {  	_ =	strace $0x90000048  }
0xb8: {  	_ =	sfence  }
0xb9: {  	s30 =	sld [smem:$0x0];
	_ =	sdelay $0x2  }
0xba: {  	s31 =	sshll.u32 s1, $0xD;
	s1 =	sshrl.u32 s1, $0x2  }
0xbb: {  	s3 =	sand.u32 $0x4000, s31;
	s1 =	sadd.s32 s1, s30  }
0xbc: {  	s0 =	sor.u32 s3, s0;
	s1 =	sshll.u32 s1, $0x11  }
0xbd: {  	s0 =	sor.u32 s1, s0  }
0xbe: {  	s0 =	sadd.s32 $0x8F2B, s0  }
0xbf: {  	[sflag:s0] =	ssyncadd.remote.s32 $0x1  }
0xc0: {  	_ =	sfence.sel $0xFFFF  }
0xc1: {  	[dreg:$0x0] =	wrdreg $0xFFFFFFFF;
	(pc) =	sbr.abs _section_cstart, $3  }
0xc2: {  	[dreg:$0x1] =	wrdreg $0xFFFFFFFF  }
0xc3: {  	_ =	task.clear_ibuf [dreg:s8], $0x2FFFF;
	_ =	strace $0x9FFFFFFF  }
0xc4: {  	(tm) =	ssettm $0x7FFFFFFF  }
0xc5: {  	_ =	shalt  }
tec
execute0_lowered:
.L_overlay_start_1:
0x0: {  	(tag) =	ssettag $0x1  }
0x1: {  	s4 =	rddreg [dreg:$0x0]  }
0x2: {  	s2 =	rddreg [dreg:$0x1];
	s1 =	srdreg.scid  }
0x3: {  	s0 =	stileid.u32;
	s5 =	rddreg [dreg:$0x2]  }
0x4: {  	s3 =	simm.s32 $0x0;
	s9 =	simm.s32 $0x1900;
	s10 =	simm.s32 $0xE100  }
0x5: {  	s11 =	simm.s32 $0x1;
	s12 =	simm.s32 $0x1A900;
	s13 =	simm.s32 $0x2  }
0x6: {  	s14 =	simm.s32 $0x4;
	s15 =	simm.s32 $0x1AD00;
	s16 =	simm.s32 $0x3  }
0x7: {  	s17 =	simm.s32 $0x0;
	s6 =	sand.u32 $0x1, s1;
	s7 =	sshll.u32 s0, $0x1  }
0x8: {  	s1 =	rddreg [dreg:$0x3];
	s7 =	sor.u32 s6, s7;
	s6 =	ssub.s32 $0x2, s6  }
0x9: {  	[smem:$0x7FF] =	sst s3;
	s8 =	smul.u32 $0x320, s7;
	s31 =	sshrl.u32 s6, $0x1  }
0xa: {  	_ =	strace $0x80000047;
	s7 =	sshll.u32 s7, $0xB;
	s6 =	ssub.s32 s6, s31  }
0xb: {  	s5 =	sadd.s32 s5, s7;
	s7 =	simm.s32 $0x5;
	s4 =	sadd.s32 s8, s4  }
0xc: {  	s6 =	smax.u32 s6, $0x1;
	s8 =	simm.s32 $0x190;
	s4 =	sadd.s32 $0xA00, s4  }
.LBB2_1:
0xd: {  	[tilespmem:s3], [sflag:$0x5] =	stream.linear.gather [hbm4b:s4+s3], $0x1900, $0x38;
	[tilespmem:$0x1B100] =	vst v63  }
0xe: {  	_ =	swait.ge [sflag:s7], $0x1900  }
0xf: {  	[sflag:s7] =	ssyncset.done $0x0  }
0x10: {  	s18 =	simm.s32 $0x0;
	[sflag:s7] =	ssyncadd.s32 $0xFFFFE700  }
0x11: {  	[tilespmem:s9], [sflag:$0x1] =	stream.indirect.gather [hbm4b:s2+s8], $0x80, s3, s8, $0xb8;
	[tilespmem:$0x1B100] =	vst v63  }
.LBB2_2:
0x12: {  	s19 =	sshllo.u32 s18, $0x1  }
0x13: {  	s20 =	smul.u32 $0x640, s19;
	_ =	sdelay $0x1  }
0x14: {  	s20 =	sshra.s32 s20, $0x2  }
0x15: {  	[tilespmem:s10], [sflag:$0x2] =	stream.indirect.gather [hbm4b:s2+s8], $0x80, s20, s8, $0xb8;
	[tilespmem:$0x1B100] =	vst v63  }
0x16: {  	_ =	swait.ge [sflag:s11], $0xC800  }
0x17: {  	p0 =	seq.s32 s18, $0x0;
	[sflag:s11] =	ssyncset.done $0x0  }
0x18: {  	s20 =	simm.s32 @!p0 $0x3;
	[sflag:s11] =	ssyncadd.s32 $0xFFFF3800  }
0x19: {  	_ =	swait.ge @!p0 [sflag:s20], $0x400  }
0x1a: {  	[sflag:s20] =	ssyncset.done @!p0 $0x0  }
0x1b: {  	s22 =	simm.s32 $0x0;
	[sflag:s20] =	ssyncadd.s32 @!p0 $0xFFFFFC00  }
0x1c: {  	v0 =	vld [tilespmem:s22+$0x1970]  }
0x1d: {  	v2 =	vld [tilespmem:s22+$0x1900]  }
0x1e: {  	v3 =	vld [tilespmem:s22+$0x1910]  }
0x1f: {  	v12 =	vld [tilespmem:s22+$0x1920]  }
0x20: {  	v10 =	vld [tilespmem:s22+$0x1930]  }
0x21: {  	v1 =	vimm.f32 $0.0e+00;
	v6 =	vimm.f32 $0.0e+00;
	v7 =	vld [tilespmem:s22+$0x1940]  }
0x22: {  	v9 =	vimm.f32 $0.0e+00;
	v8 =	vld [tilespmem:s22+$0x1950];
	v0 =	vadd.f32 v0, v1;
	v5 =	vadd.f32 v2, v1  }
0x23: {  	s21 =	simm.s32 $0x400;
	s20 =	simm.s32 $0x80;
	v11 =	vld [tilespmem:s22+$0x1960];
	v4 =	vadd.f32 v3, v1;
	v3 =	vimm.f32 $0.0e+00;
	v2 =	vimm.f32 $0.0e+00  }
.LBB2_3:
0x24: {  	p1 =	sne.s32 s21, $0x6200;
	v13 =	vld [tilespmem:s20+$0x1970];
	v1 =	vadd.f32 v12, v1  }
0x25: {  	v14 =	vld [tilespmem:s20+$0x1900];
	v6 =	vadd.f32 v10, v6  }
0x26: {  	v15 =	vld [tilespmem:s20+$0x1910];
	v9 =	vadd.f32 v7, v9  }
.Ltmp0:
0x27: {  	v12 =	vld [tilespmem:s20+$0x1920];
	v3 =	vadd.f32 v8, v3;
	(pc) =	sbr.rel @p1 .LBB2_3-.Ltmp0, $4  }
0x28: {  	v10 =	vld [tilespmem:s20+$0x1930];
	v2 =	vadd.f32 v11, v2  }
0x29: {  	v7 =	vld [tilespmem:s20+$0x1940];
	v0 =	vadd.f32 v13, v0  }
0x2a: {  	v5 =	vadd.f32 v14, v5;
	v8 =	vld [tilespmem:s20+$0x1950]  }
0x2b: {  	v4 =	vadd.f32 v15, v4;
	v11 =	vld [tilespmem:s20+$0x1960];
	s20 =	sshra.s32 s21, $0x2;
	s21 =	sadd.s32 $0x200, s21  }
0x2c: {  	v13 =	vld [tilespmem:s20+$0x1900]  }
0x2d: {  	v14 =	vld [tilespmem:s20+$0x1910]  }
0x2e: {  	v15 =	vld [tilespmem:s20+$0x1920]  }
0x2f: {  	v1 =	vadd.f32 v12, v1;
	v12 =	vld [tilespmem:s20+$0x1950]  }
0x30: {  	v16 =	vld [tilespmem:s20+$0x1930]  }
0x31: {  	v17 =	vld [tilespmem:s20+$0x1940];
	v7 =	vadd.f32 v7, v9;
	v5 =	vadd.f32 v13, v5  }
0x32: {  	v9 =	vld [tilespmem:s20+$0x1970];
	v3 =	vadd.f32 v8, v3;
	v4 =	vadd.f32 v14, v4  }
0x33: {  	v6 =	vadd.f32 v10, v6;
	v10 =	vld [tilespmem:s20+$0x1960];
	v1 =	vadd.f32 v15, v1;
	v5 =	vmul.f32 $1.999999960e-02, v5  }
0x34: {  	v3 =	vadd.f32 v12, v3;
	v4 =	vmul.f32 $1.999999960e-02, v4  }
0x35: {  	v6 =	vadd.f32 v16, v6;
	v1 =	vmul.f32 $1.999999960e-02, v1;
	[tilespmem:$0x1A900] =	vst v5  }
0x36: {  	v2 =	vadd.f32 v11, v2;
	v7 =	vadd.f32 v17, v7;
	v3 =	vmul.f32 $1.999999960e-02, v3;
	[tilespmem:$0x1A910] =	vst v4  }
0x37: {  	v0 =	vadd.f32 v9, v0;
	v4 =	vmul.f32 $1.999999960e-02, v6;
	[tilespmem:$0x1A920] =	vst v1  }
0x38: {  	v2 =	vadd.f32 v10, v2;
	v1 =	vmul.f32 $1.999999960e-02, v7;
	[tilespmem:$0x1A950] =	vst v3  }
0x39: {  	v0 =	vmul.f32 $1.999999960e-02, v0;
	[tilespmem:$0x1A930] =	vst v4  }
0x3a: {  	[tilespmem:$0x1A940] =	vst v1;
	v1 =	vmul.f32 $1.999999960e-02, v2  }
0x3b: {  	[tilespmem:$0x1A970] =	vst v0  }
0x3c: {  	s22 =	simm.s32 $0x0;
	[tilespmem:$0x1A960] =	vst v1  }
0x3d: {  	v0 =	vld [tilespmem:s22+$0x3270]  }
0x3e: {  	v2 =	vld [tilespmem:s22+$0x3200]  }
0x3f: {  	v3 =	vld [tilespmem:s22+$0x3210]  }
0x40: {  	v12 =	vld [tilespmem:s22+$0x3220]  }
0x41: {  	v10 =	vld [tilespmem:s22+$0x3230]  }
0x42: {  	v9 =	vimm.f32 $0.0e+00;
	v1 =	vimm.f32 $0.0e+00;
	v7 =	vld [tilespmem:s22+$0x3240]  }
0x43: {  	v6 =	vimm.f32 $0.0e+00;
	v8 =	vld [tilespmem:s22+$0x3250];
	v0 =	vadd.f32 v0, v1;
	v5 =	vadd.f32 v2, v1  }
0x44: {  	s21 =	simm.s32 $0x400;
	s20 =	simm.s32 $0x80;
	v11 =	vld [tilespmem:s22+$0x3260];
	v4 =	vadd.f32 v3, v1;
	v3 =	vimm.f32 $0.0e+00;
	v2 =	vimm.f32 $0.0e+00  }
.LBB2_5:
0x45: {  	p1 =	sne.s32 s21, $0x6200;
	v13 =	vld [tilespmem:s20+$0x3270];
	v1 =	vadd.f32 v12, v1  }
0x46: {  	v14 =	vld [tilespmem:s20+$0x3200];
	v6 =	vadd.f32 v10, v6  }
0x47: {  	v15 =	vld [tilespmem:s20+$0x3210];
	v9 =	vadd.f32 v7, v9  }
.Ltmp1:
0x48: {  	v12 =	vld [tilespmem:s20+$0x3220];
	v3 =	vadd.f32 v8, v3;
	(pc) =	sbr.rel @p1 .LBB2_5-.Ltmp1, $4  }
0x49: {  	v10 =	vld [tilespmem:s20+$0x3230];
	v2 =	vadd.f32 v11, v2  }
0x4a: {  	v7 =	vld [tilespmem:s20+$0x3240];
	v0 =	vadd.f32 v13, v0  }
0x4b: {  	v5 =	vadd.f32 v14, v5;
	v8 =	vld [tilespmem:s20+$0x3250]  }
0x4c: {  	v4 =	vadd.f32 v15, v4;
	v11 =	vld [tilespmem:s20+$0x3260];
	s20 =	sshra.s32 s21, $0x2;
	s21 =	sadd.s32 $0x200, s21  }
0x4d: {  	v13 =	vld [tilespmem:s20+$0x3200]  }
0x4e: {  	v14 =	vld [tilespmem:s20+$0x3210]  }
0x4f: {  	v15 =	vld [tilespmem:s20+$0x3220]  }
0x50: {  	v1 =	vadd.f32 v12, v1;
	v12 =	vld [tilespmem:s20+$0x3250]  }
0x51: {  	v16 =	vld [tilespmem:s20+$0x3230]  }
0x52: {  	v17 =	vld [tilespmem:s20+$0x3240];
	v7 =	vadd.f32 v7, v9;
	v5 =	vadd.f32 v13, v5  }
0x53: {  	v9 =	vld [tilespmem:s20+$0x3270];
	v3 =	vadd.f32 v8, v3;
	v4 =	vadd.f32 v14, v4  }
0x54: {  	v6 =	vadd.f32 v10, v6;
	v10 =	vld [tilespmem:s20+$0x3260];
	v1 =	vadd.f32 v15, v1;
	v5 =	vmul.f32 $1.999999960e-02, v5  }
0x55: {  	v3 =	vadd.f32 v12, v3;
	v4 =	vmul.f32 $1.999999960e-02, v4  }
0x56: {  	v6 =	vadd.f32 v16, v6;
	v1 =	vmul.f32 $1.999999960e-02, v1;
	[tilespmem:$0x1A980] =	vst v5  }
0x57: {  	v2 =	vadd.f32 v11, v2;
	v7 =	vadd.f32 v17, v7;
	v3 =	vmul.f32 $1.999999960e-02, v3;
	[tilespmem:$0x1A990] =	vst v4  }
0x58: {  	v0 =	vadd.f32 v9, v0;
	v4 =	vmul.f32 $1.999999960e-02, v6;
	[tilespmem:$0x1A9A0] =	vst v1  }
0x59: {  	v2 =	vadd.f32 v10, v2;
	v1 =	vmul.f32 $1.999999960e-02, v7;
	[tilespmem:$0x1A9D0] =	vst v3  }
0x5a: {  	v0 =	vmul.f32 $1.999999960e-02, v0;
	[tilespmem:$0x1A9B0] =	vst v4  }
0x5b: {  	[tilespmem:$0x1A9C0] =	vst v1;
	v1 =	vmul.f32 $1.999999960e-02, v2  }
0x5c: {  	[tilespmem:$0x1A9F0] =	vst v0  }
0x5d: {  	s22 =	simm.s32 $0x0;
	[tilespmem:$0x1A9E0] =	vst v1  }
0x5e: {  	v0 =	vld [tilespmem:s22+$0x4B70]  }
0x5f: {  	v2 =	vld [tilespmem:s22+$0x4B00]  }
0x60: {  	v3 =	vld [tilespmem:s22+$0x4B10]  }
0x61: {  	v12 =	vld [tilespmem:s22+$0x4B20]  }
0x62: {  	v10 =	vld [tilespmem:s22+$0x4B30]  }
0x63: {  	v9 =	vimm.f32 $0.0e+00;
	v1 =	vimm.f32 $0.0e+00;
	v7 =	vld [tilespmem:s22+$0x4B40]  }
0x64: {  	v6 =	vimm.f32 $0.0e+00;
	v8 =	vld [tilespmem:s22+$0x4B50];
	v0 =	vadd.f32 v0, v1;
	v5 =	vadd.f32 v2, v1  }
0x65: {  	s21 =	simm.s32 $0x400;
	s20 =	simm.s32 $0x80;
	v11 =	vld [tilespmem:s22+$0x4B60];
	v4 =	vadd.f32 v3, v1;
	v3 =	vimm.f32 $0.0e+00;
	v2 =	vimm.f32 $0.0e+00  }
.LBB2_7:
0x66: {  	p1 =	sne.s32 s21, $0x6200;
	v13 =	vld [tilespmem:s20+$0x4B70];
	v1 =	vadd.f32 v12, v1  }
0x67: {  	v14 =	vld [tilespmem:s20+$0x4B00];
	v6 =	vadd.f32 v10, v6  }
0x68: {  	v15 =	vld [tilespmem:s20+$0x4B10];
	v9 =	vadd.f32 v7, v9  }
.Ltmp2:
0x69: {  	v12 =	vld [tilespmem:s20+$0x4B20];
	v3 =	vadd.f32 v8, v3;
	(pc) =	sbr.rel @p1 .LBB2_7-.Ltmp2, $4  }
0x6a: {  	v10 =	vld [tilespmem:s20+$0x4B30];
	v2 =	vadd.f32 v11, v2  }
0x6b: {  	v7 =	vld [tilespmem:s20+$0x4B40];
	v0 =	vadd.f32 v13, v0  }
0x6c: {  	v5 =	vadd.f32 v14, v5;
	v8 =	vld [tilespmem:s20+$0x4B50]  }
0x6d: {  	v4 =	vadd.f32 v15, v4;
	v11 =	vld [tilespmem:s20+$0x4B60];
	s20 =	sshra.s32 s21, $0x2;
	s21 =	sadd.s32 $0x200, s21  }
0x6e: {  	v13 =	vld [tilespmem:s20+$0x4B00]  }
0x6f: {  	v14 =	vld [tilespmem:s20+$0x4B10]  }
0x70: {  	v15 =	vld [tilespmem:s20+$0x4B20]  }
0x71: {  	v1 =	vadd.f32 v12, v1;
	v12 =	vld [tilespmem:s20+$0x4B50]  }
0x72: {  	v16 =	vld [tilespmem:s20+$0x4B30]  }
0x73: {  	v17 =	vld [tilespmem:s20+$0x4B40];
	v7 =	vadd.f32 v7, v9;
	v5 =	vadd.f32 v13, v5  }
0x74: {  	v9 =	vld [tilespmem:s20+$0x4B70];
	v3 =	vadd.f32 v8, v3;
	v4 =	vadd.f32 v14, v4  }
0x75: {  	v6 =	vadd.f32 v10, v6;
	v10 =	vld [tilespmem:s20+$0x4B60];
	v1 =	vadd.f32 v15, v1;
	v5 =	vmul.f32 $1.999999960e-02, v5  }
0x76: {  	v3 =	vadd.f32 v12, v3;
	v4 =	vmul.f32 $1.999999960e-02, v4  }
0x77: {  	v6 =	vadd.f32 v16, v6;
	v1 =	vmul.f32 $1.999999960e-02, v1;
	[tilespmem:$0x1AA00] =	vst v5  }
0x78: {  	v2 =	vadd.f32 v11, v2;
	v7 =	vadd.f32 v17, v7;
	v3 =	vmul.f32 $1.999999960e-02, v3;
	[tilespmem:$0x1AA10] =	vst v4  }
0x79: {  	v0 =	vadd.f32 v9, v0;
	v4 =	vmul.f32 $1.999999960e-02, v6;
	[tilespmem:$0x1AA20] =	vst v1  }
0x7a: {  	v2 =	vadd.f32 v10, v2;
	v1 =	vmul.f32 $1.999999960e-02, v7;
	[tilespmem:$0x1AA50] =	vst v3  }
0x7b: {  	v0 =	vmul.f32 $1.999999960e-02, v0;
	[tilespmem:$0x1AA30] =	vst v4  }
0x7c: {  	[tilespmem:$0x1AA40] =	vst v1;
	v1 =	vmul.f32 $1.999999960e-02, v2  }
0x7d: {  	[tilespmem:$0x1AA70] =	vst v0  }
0x7e: {  	s22 =	simm.s32 $0x0;
	[tilespmem:$0x1AA60] =	vst v1  }
0x7f: {  	v0 =	vld [tilespmem:s22+$0x6470]  }
0x80: {  	v2 =	vld [tilespmem:s22+$0x6400]  }
0x81: {  	v3 =	vld [tilespmem:s22+$0x6410]  }
0x82: {  	v12 =	vld [tilespmem:s22+$0x6420]  }
0x83: {  	v10 =	vld [tilespmem:s22+$0x6430]  }
0x84: {  	v9 =	vimm.f32 $0.0e+00;
	v1 =	vimm.f32 $0.0e+00;
	v7 =	vld [tilespmem:s22+$0x6440]  }
0x85: {  	v6 =	vimm.f32 $0.0e+00;
	v8 =	vld [tilespmem:s22+$0x6450];
	v0 =	vadd.f32 v0, v1;
	v5 =	vadd.f32 v2, v1  }
0x86: {  	s21 =	simm.s32 $0x400;
	s20 =	simm.s32 $0x80;
	v11 =	vld [tilespmem:s22+$0x6460];
	v4 =	vadd.f32 v3, v1;
	v3 =	vimm.f32 $0.0e+00;
	v2 =	vimm.f32 $0.0e+00  }
.LBB2_9:
0x87: {  	p1 =	sne.s32 s21, $0x6200;
	v13 =	vld [tilespmem:s20+$0x6470];
	v1 =	vadd.f32 v12, v1  }
0x88: {  	v14 =	vld [tilespmem:s20+$0x6400];
	v6 =	vadd.f32 v10, v6  }
0x89: {  	v15 =	vld [tilespmem:s20+$0x6410];
	v9 =	vadd.f32 v7, v9  }
.Ltmp3:
0x8a: {  	v12 =	vld [tilespmem:s20+$0x6420];
	v3 =	vadd.f32 v8, v3;
	(pc) =	sbr.rel @p1 .LBB2_9-.Ltmp3, $4  }
0x8b: {  	v10 =	vld [tilespmem:s20+$0x6430];
	v2 =	vadd.f32 v11, v2  }
0x8c: {  	v7 =	vld [tilespmem:s20+$0x6440];
	v0 =	vadd.f32 v13, v0  }
0x8d: {  	v5 =	vadd.f32 v14, v5;
	v8 =	vld [tilespmem:s20+$0x6450]  }
0x8e: {  	v4 =	vadd.f32 v15, v4;
	v11 =	vld [tilespmem:s20+$0x6460];
	s20 =	sshra.s32 s21, $0x2;
	s21 =	sadd.s32 $0x200, s21  }
0x8f: {  	v13 =	vld [tilespmem:s20+$0x6400]  }
0x90: {  	v14 =	vld [tilespmem:s20+$0x6410]  }
0x91: {  	v15 =	vld [tilespmem:s20+$0x6420]  }
0x92: {  	v1 =	vadd.f32 v12, v1;
	v12 =	vld [tilespmem:s20+$0x6450]  }
0x93: {  	v16 =	vld [tilespmem:s20+$0x6430]  }
0x94: {  	v17 =	vld [tilespmem:s20+$0x6440];
	v7 =	vadd.f32 v7, v9;
	v5 =	vadd.f32 v13, v5  }
0x95: {  	v9 =	vld [tilespmem:s20+$0x6470];
	v3 =	vadd.f32 v8, v3;
	v4 =	vadd.f32 v14, v4  }
0x96: {  	v6 =	vadd.f32 v10, v6;
	v10 =	vld [tilespmem:s20+$0x6460];
	v1 =	vadd.f32 v15, v1;
	v5 =	vmul.f32 $1.999999960e-02, v5  }
0x97: {  	v3 =	vadd.f32 v12, v3;
	v4 =	vmul.f32 $1.999999960e-02, v4  }
0x98: {  	v6 =	vadd.f32 v16, v6;
	v1 =	vmul.f32 $1.999999960e-02, v1;
	[tilespmem:$0x1AA80] =	vst v5  }
0x99: {  	v2 =	vadd.f32 v11, v2;
	v7 =	vadd.f32 v17, v7;
	v3 =	vmul.f32 $1.999999960e-02, v3;
	[tilespmem:$0x1AA90] =	vst v4  }
0x9a: {  	v0 =	vadd.f32 v9, v0;
	v4 =	vmul.f32 $1.999999960e-02, v6;
	[tilespmem:$0x1AAA0] =	vst v1  }
0x9b: {  	v2 =	vadd.f32 v10, v2;
	v1 =	vmul.f32 $1.999999960e-02, v7;
	[tilespmem:$0x1AAD0] =	vst v3  }
0x9c: {  	v0 =	vmul.f32 $1.999999960e-02, v0;
	[tilespmem:$0x1AAB0] =	vst v4  }
0x9d: {  	[tilespmem:$0x1AAC0] =	vst v1;
	v1 =	vmul.f32 $1.999999960e-02, v2  }
0x9e: {  	[tilespmem:$0x1AAF0] =	vst v0  }
0x9f: {  	s22 =	simm.s32 $0x0;
	[tilespmem:$0x1AAE0] =	vst v1  }
0xa0: {  	v0 =	vld [tilespmem:s22+$0x7D70]  }
0xa1: {  	v2 =	vld [tilespmem:s22+$0x7D00]  }
0xa2: {  	v3 =	vld [tilespmem:s22+$0x7D10]  }
0xa3: {  	v12 =	vld [tilespmem:s22+$0x7D20]  }
0xa4: {  	v10 =	vld [tilespmem:s22+$0x7D30]  }
0xa5: {  	v9 =	vimm.f32 $0.0e+00;
	v1 =	vimm.f32 $0.0e+00;
	v7 =	vld [tilespmem:s22+$0x7D40]  }
0xa6: {  	v6 =	vimm.f32 $0.0e+00;
	v8 =	vld [tilespmem:s22+$0x7D50];
	v0 =	vadd.f32 v0, v1;
	v5 =	vadd.f32 v2, v1  }
0xa7: {  	s21 =	simm.s32 $0x400;
	s20 =	simm.s32 $0x80;
	v11 =	vld [tilespmem:s22+$0x7D60];
	v4 =	vadd.f32 v3, v1;
	v3 =	vimm.f32 $0.0e+00;
	v2 =	vimm.f32 $0.0e+00  }
.LBB2_11:
0xa8: {  	p1 =	sne.s32 s21, $0x6200;
	v13 =	vld [tilespmem:s20+$0x7D70];
	v1 =	vadd.f32 v12, v1  }
0xa9: {  	v14 =	vld [tilespmem:s20+$0x7D00];
	v6 =	vadd.f32 v10, v6  }
0xaa: {  	v15 =	vld [tilespmem:s20+$0x7D10];
	v9 =	vadd.f32 v7, v9  }
.Ltmp4:
0xab: {  	v12 =	vld [tilespmem:s20+$0x7D20];
	v3 =	vadd.f32 v8, v3;
	(pc) =	sbr.rel @p1 .LBB2_11-.Ltmp4, $4  }
0xac: {  	v10 =	vld [tilespmem:s20+$0x7D30];
	v2 =	vadd.f32 v11, v2  }
0xad: {  	v7 =	vld [tilespmem:s20+$0x7D40];
	v0 =	vadd.f32 v13, v0  }
0xae: {  	v5 =	vadd.f32 v14, v5;
	v8 =	vld [tilespmem:s20+$0x7D50]  }
0xaf: {  	v4 =	vadd.f32 v15, v4;
	v11 =	vld [tilespmem:s20+$0x7D60];
	s20 =	sshra.s32 s21, $0x2;
	s21 =	sadd.s32 $0x200, s21  }
0xb0: {  	v13 =	vld [tilespmem:s20+$0x7D00]  }
0xb1: {  	v14 =	vld [tilespmem:s20+$0x7D10]  }
0xb2: {  	v15 =	vld [tilespmem:s20+$0x7D20]  }
0xb3: {  	v1 =	vadd.f32 v12, v1;
	v12 =	vld [tilespmem:s20+$0x7D50]  }
0xb4: {  	v16 =	vld [tilespmem:s20+$0x7D30]  }
0xb5: {  	v17 =	vld [tilespmem:s20+$0x7D40];
	v7 =	vadd.f32 v7, v9;
	v5 =	vadd.f32 v13, v5  }
0xb6: {  	v9 =	vld [tilespmem:s20+$0x7D70];
	v3 =	vadd.f32 v8, v3;
	v4 =	vadd.f32 v14, v4  }
0xb7: {  	v6 =	vadd.f32 v10, v6;
	v10 =	vld [tilespmem:s20+$0x7D60];
	v1 =	vadd.f32 v15, v1;
	v5 =	vmul.f32 $1.999999960e-02, v5  }
0xb8: {  	v3 =	vadd.f32 v12, v3;
	v4 =	vmul.f32 $1.999999960e-02, v4  }
0xb9: {  	v6 =	vadd.f32 v16, v6;
	v1 =	vmul.f32 $1.999999960e-02, v1;
	[tilespmem:$0x1AB00] =	vst v5  }
0xba: {  	v2 =	vadd.f32 v11, v2;
	v7 =	vadd.f32 v17, v7;
	v3 =	vmul.f32 $1.999999960e-02, v3;
	[tilespmem:$0x1AB10] =	vst v4  }
0xbb: {  	v0 =	vadd.f32 v9, v0;
	v4 =	vmul.f32 $1.999999960e-02, v6;
	[tilespmem:$0x1AB20] =	vst v1  }
0xbc: {  	v2 =	vadd.f32 v10, v2;
	v1 =	vmul.f32 $1.999999960e-02, v7;
	[tilespmem:$0x1AB50] =	vst v3  }
0xbd: {  	v0 =	vmul.f32 $1.999999960e-02, v0;
	[tilespmem:$0x1AB30] =	vst v4  }
0xbe: {  	[tilespmem:$0x1AB40] =	vst v1;
	v1 =	vmul.f32 $1.999999960e-02, v2  }
0xbf: {  	[tilespmem:$0x1AB70] =	vst v0  }
0xc0: {  	s22 =	simm.s32 $0x0;
	[tilespmem:$0x1AB60] =	vst v1  }
0xc1: {  	v0 =	vld [tilespmem:s22+$0x9670]  }
0xc2: {  	v2 =	vld [tilespmem:s22+$0x9600]  }
0xc3: {  	v3 =	vld [tilespmem:s22+$0x9610]  }
0xc4: {  	v12 =	vld [tilespmem:s22+$0x9620]  }
0xc5: {  	v10 =	vld [tilespmem:s22+$0x9630]  }
0xc6: {  	v9 =	vimm.f32 $0.0e+00;
	v1 =	vimm.f32 $0.0e+00;
	v7 =	vld [tilespmem:s22+$0x9640]  }
0xc7: {  	v6 =	vimm.f32 $0.0e+00;
	v8 =	vld [tilespmem:s22+$0x9650];
	v0 =	vadd.f32 v0, v1;
	v5 =	vadd.f32 v2, v1  }
0xc8: {  	s21 =	simm.s32 $0x400;
	s20 =	simm.s32 $0x80;
	v11 =	vld [tilespmem:s22+$0x9660];
	v4 =	vadd.f32 v3, v1;
	v3 =	vimm.f32 $0.0e+00;
	v2 =	vimm.f32 $0.0e+00  }
.LBB2_13:
0xc9: {  	p1 =	sne.s32 s21, $0x6200;
	v13 =	vld [tilespmem:s20+$0x9670];
	v1 =	vadd.f32 v12, v1  }
0xca: {  	v14 =	vld [tilespmem:s20+$0x9600];
	v6 =	vadd.f32 v10, v6  }
0xcb: {  	v15 =	vld [tilespmem:s20+$0x9610];
	v9 =	vadd.f32 v7, v9  }
.Ltmp5:
0xcc: {  	v12 =	vld [tilespmem:s20+$0x9620];
	v3 =	vadd.f32 v8, v3;
	(pc) =	sbr.rel @p1 .LBB2_13-.Ltmp5, $4  }
0xcd: {  	v10 =	vld [tilespmem:s20+$0x9630];
	v2 =	vadd.f32 v11, v2  }
0xce: {  	v7 =	vld [tilespmem:s20+$0x9640];
	v0 =	vadd.f32 v13, v0  }
0xcf: {  	v5 =	vadd.f32 v14, v5;
	v8 =	vld [tilespmem:s20+$0x9650]  }
0xd0: {  	v4 =	vadd.f32 v15, v4;
	v11 =	vld [tilespmem:s20+$0x9660];
	s20 =	sshra.s32 s21, $0x2;
	s21 =	sadd.s32 $0x200, s21  }
0xd1: {  	v13 =	vld [tilespmem:s20+$0x9600]  }
0xd2: {  	v14 =	vld [tilespmem:s20+$0x9610]  }
0xd3: {  	v15 =	vld [tilespmem:s20+$0x9620]  }
0xd4: {  	v1 =	vadd.f32 v12, v1;
	v12 =	vld [tilespmem:s20+$0x9650]  }
0xd5: {  	v16 =	vld [tilespmem:s20+$0x9630]  }
0xd6: {  	v17 =	vld [tilespmem:s20+$0x9640];
	v7 =	vadd.f32 v7, v9;
	v5 =	vadd.f32 v13, v5  }
0xd7: {  	v9 =	vld [tilespmem:s20+$0x9670];
	v3 =	vadd.f32 v8, v3;
	v4 =	vadd.f32 v14, v4  }
0xd8: {  	v6 =	vadd.f32 v10, v6;
	v10 =	vld [tilespmem:s20+$0x9660];
	v1 =	vadd.f32 v15, v1;
	v5 =	vmul.f32 $1.999999960e-02, v5  }
0xd9: {  	v3 =	vadd.f32 v12, v3;
	v4 =	vmul.f32 $1.999999960e-02, v4  }
0xda: {  	v6 =	vadd.f32 v16, v6;
	v1 =	vmul.f32 $1.999999960e-02, v1;
	[tilespmem:$0x1AB80] =	vst v5  }
0xdb: {  	v2 =	vadd.f32 v11, v2;
	v7 =	vadd.f32 v17, v7;
	v3 =	vmul.f32 $1.999999960e-02, v3;
	[tilespmem:$0x1AB90] =	vst v4  }
0xdc: {  	v0 =	vadd.f32 v9, v0;
	v4 =	vmul.f32 $1.999999960e-02, v6;
	[tilespmem:$0x1ABA0] =	vst v1  }
0xdd: {  	v2 =	vadd.f32 v10, v2;
	v1 =	vmul.f32 $1.999999960e-02, v7;
	[tilespmem:$0x1ABD0] =	vst v3  }
0xde: {  	v0 =	vmul.f32 $1.999999960e-02, v0;
	[tilespmem:$0x1ABB0] =	vst v4  }
0xdf: {  	[tilespmem:$0x1ABC0] =	vst v1;
	v1 =	vmul.f32 $1.999999960e-02, v2  }
0xe0: {  	[tilespmem:$0x1ABF0] =	vst v0  }
0xe1: {  	s22 =	simm.s32 $0x0;
	[tilespmem:$0x1ABE0] =	vst v1  }
0xe2: {  	v0 =	vld [tilespmem:s22+$0xAF70]  }
0xe3: {  	v2 =	vld [tilespmem:s22+$0xAF00]  }
0xe4: {  	v3 =	vld [tilespmem:s22+$0xAF10]  }
0xe5: {  	v12 =	vld [tilespmem:s22+$0xAF20]  }
0xe6: {  	v10 =	vld [tilespmem:s22+$0xAF30]  }
0xe7: {  	v9 =	vimm.f32 $0.0e+00;
	v1 =	vimm.f32 $0.0e+00;
	v7 =	vld [tilespmem:s22+$0xAF40]  }
0xe8: {  	v6 =	vimm.f32 $0.0e+00;
	v8 =	vld [tilespmem:s22+$0xAF50];
	v0 =	vadd.f32 v0, v1;
	v5 =	vadd.f32 v2, v1  }
0xe9: {  	s21 =	simm.s32 $0x400;
	s20 =	simm.s32 $0x80;
	v11 =	vld [tilespmem:s22+$0xAF60];
	v4 =	vadd.f32 v3, v1;
	v3 =	vimm.f32 $0.0e+00;
	v2 =	vimm.f32 $0.0e+00  }
.LBB2_15:
0xea: {  	p1 =	sne.s32 s21, $0x6200;
	v13 =	vld [tilespmem:s20+$0xAF70];
	v1 =	vadd.f32 v12, v1  }
0xeb: {  	v14 =	vld [tilespmem:s20+$0xAF00];
	v6 =	vadd.f32 v10, v6  }
0xec: {  	v15 =	vld [tilespmem:s20+$0xAF10];
	v9 =	vadd.f32 v7, v9  }
.Ltmp6:
0xed: {  	v12 =	vld [tilespmem:s20+$0xAF20];
	v3 =	vadd.f32 v8, v3;
	(pc) =	sbr.rel @p1 .LBB2_15-.Ltmp6, $4  }
0xee: {  	v10 =	vld [tilespmem:s20+$0xAF30];
	v2 =	vadd.f32 v11, v2  }
0xef: {  	v7 =	vld [tilespmem:s20+$0xAF40];
	v0 =	vadd.f32 v13, v0  }
0xf0: {  	v5 =	vadd.f32 v14, v5;
	v8 =	vld [tilespmem:s20+$0xAF50]  }
0xf1: {  	v4 =	vadd.f32 v15, v4;
	v11 =	vld [tilespmem:s20+$0xAF60];
	s20 =	sshra.s32 s21, $0x2;
	s21 =	sadd.s32 $0x200, s21  }
0xf2: {  	v13 =	vld [tilespmem:s20+$0xAF00]  }
0xf3: {  	v14 =	vld [tilespmem:s20+$0xAF10]  }
0xf4: {  	v15 =	vld [tilespmem:s20+$0xAF20]  }
0xf5: {  	v1 =	vadd.f32 v12, v1;
	v12 =	vld [tilespmem:s20+$0xAF50]  }
0xf6: {  	v16 =	vld [tilespmem:s20+$0xAF30]  }
0xf7: {  	v17 =	vld [tilespmem:s20+$0xAF40];
	v7 =	vadd.f32 v7, v9;
	v5 =	vadd.f32 v13, v5  }
0xf8: {  	v9 =	vld [tilespmem:s20+$0xAF70];
	v3 =	vadd.f32 v8, v3;
	v4 =	vadd.f32 v14, v4  }
0xf9: {  	v6 =	vadd.f32 v10, v6;
	v10 =	vld [tilespmem:s20+$0xAF60];
	v1 =	vadd.f32 v15, v1;
	v5 =	vmul.f32 $1.999999960e-02, v5  }
0xfa: {  	v3 =	vadd.f32 v12, v3;
	v4 =	vmul.f32 $1.999999960e-02, v4  }
0xfb: {  	v6 =	vadd.f32 v16, v6;
	v1 =	vmul.f32 $1.999999960e-02, v1;
	[tilespmem:$0x1AC00] =	vst v5  }
0xfc: {  	v2 =	vadd.f32 v11, v2;
	v7 =	vadd.f32 v17, v7;
	v3 =	vmul.f32 $1.999999960e-02, v3;
	[tilespmem:$0x1AC10] =	vst v4  }
0xfd: {  	v0 =	vadd.f32 v9, v0;
	v4 =	vmul.f32 $1.999999960e-02, v6;
	[tilespmem:$0x1AC20] =	vst v1  }
0xfe: {  	v2 =	vadd.f32 v10, v2;
	v1 =	vmul.f32 $1.999999960e-02, v7;
	[tilespmem:$0x1AC50] =	vst v3  }
0xff: {  	v0 =	vmul.f32 $1.999999960e-02, v0;
	[tilespmem:$0x1AC30] =	vst v4  }
0x100: {  	[tilespmem:$0x1AC40] =	vst v1;
	v1 =	vmul.f32 $1.999999960e-02, v2  }
0x101: {  	[tilespmem:$0x1AC70] =	vst v0  }
0x102: {  	s22 =	simm.s32 $0x0;
	[tilespmem:$0x1AC60] =	vst v1  }
0x103: {  	v0 =	vld [tilespmem:s22+$0xC870]  }
0x104: {  	v2 =	vld [tilespmem:s22+$0xC800]  }
0x105: {  	v3 =	vld [tilespmem:s22+$0xC810]  }
0x106: {  	v12 =	vld [tilespmem:s22+$0xC820]  }
0x107: {  	v10 =	vld [tilespmem:s22+$0xC830]  }
0x108: {  	v9 =	vimm.f32 $0.0e+00;
	v1 =	vimm.f32 $0.0e+00;
	v7 =	vld [tilespmem:s22+$0xC840]  }
0x109: {  	v6 =	vimm.f32 $0.0e+00;
	v8 =	vld [tilespmem:s22+$0xC850];
	v0 =	vadd.f32 v0, v1;
	v5 =	vadd.f32 v2, v1  }
0x10a: {  	s21 =	simm.s32 $0x400;
	s20 =	simm.s32 $0x80;
	v11 =	vld [tilespmem:s22+$0xC860];
	v4 =	vadd.f32 v3, v1;
	v3 =	vimm.f32 $0.0e+00;
	v2 =	vimm.f32 $0.0e+00  }
.LBB2_17:
0x10b: {  	p1 =	sne.s32 s21, $0x6200;
	v13 =	vld [tilespmem:s20+$0xC870];
	v1 =	vadd.f32 v12, v1  }
0x10c: {  	v14 =	vld [tilespmem:s20+$0xC800];
	v6 =	vadd.f32 v10, v6  }
0x10d: {  	v15 =	vld [tilespmem:s20+$0xC810];
	v9 =	vadd.f32 v7, v9  }
.Ltmp7:
0x10e: {  	v12 =	vld [tilespmem:s20+$0xC820];
	v3 =	vadd.f32 v8, v3;
	(pc) =	sbr.rel @p1 .LBB2_17-.Ltmp7, $4  }
0x10f: {  	v10 =	vld [tilespmem:s20+$0xC830];
	v2 =	vadd.f32 v11, v2  }
0x110: {  	v7 =	vld [tilespmem:s20+$0xC840];
	v0 =	vadd.f32 v13, v0  }
0x111: {  	v5 =	vadd.f32 v14, v5;
	v8 =	vld [tilespmem:s20+$0xC850]  }
0x112: {  	v4 =	vadd.f32 v15, v4;
	v11 =	vld [tilespmem:s20+$0xC860];
	s20 =	sshra.s32 s21, $0x2;
	s21 =	sadd.s32 $0x200, s21  }
0x113: {  	v13 =	vld [tilespmem:s20+$0xC800]  }
0x114: {  	v14 =	vld [tilespmem:s20+$0xC810]  }
0x115: {  	v15 =	vld [tilespmem:s20+$0xC820]  }
0x116: {  	v16 =	vld [tilespmem:s20+$0xC830]  }
0x117: {  	v17 =	vld [tilespmem:s20+$0xC840]  }
0x118: {  	v1 =	vadd.f32 v12, v1;
	v58 =	vld [tilespmem:s20+$0xC850];
	v5 =	vadd.f32 v13, v5  }
0x119: {  	v60 =	vld [tilespmem:s20+$0xC870];
	v6 =	vadd.f32 v10, v6;
	v4 =	vadd.f32 v14, v4  }
0x11a: {  	v59 =	vld [tilespmem:s20+$0xC860];
	v7 =	vadd.f32 v7, v9;
	v1 =	vadd.f32 v15, v1;
	v5 =	vmul.f32 $1.999999960e-02, v5  }
0x11b: {  	v3 =	vadd.f32 v8, v3;
	v6 =	vadd.f32 v16, v6;
	v4 =	vmul.f32 $1.999999960e-02, v4  }
0x11c: {  	v7 =	vadd.f32 v17, v7;
	v1 =	vmul.f32 $1.999999960e-02, v1;
	[tilespmem:$0x1AC80] =	vst v5  }
0x11d: {  	v2 =	vadd.f32 v11, v2;
	v3 =	vadd.f32 v58, v3;
	v61 =	vmul.f32 $1.999999960e-02, v6;
	[tilespmem:$0x1AC90] =	vst v4  }
0x11e: {  	v0 =	vadd.f32 v60, v0;
	v62 =	vmul.f32 $1.999999960e-02, v7;
	[tilespmem:$0x1ACA0] =	vst v1  }
0x11f: {  	p1 =	sne.s32 s18, $0x7;
	v2 =	vadd.f32 v59, v2;
	v3 =	vmul.f32 $1.999999960e-02, v3;
	[tilespmem:$0x1ACB0] =	vst v61  }
.Ltmp8:
0x120: {  	v0 =	vmul.f32 $1.999999960e-02, v0;
	[tilespmem:$0x1ACC0] =	vst v62;
	(pc) =	sbr.rel @p1 .LBB2_20-.Ltmp8, $4  }
0x121: {  	v63 =	vmul.f32 $1.999999960e-02, v2;
	[tilespmem:$0x1ACD0] =	vst v3  }
0x122: {  	s31 =	sshll.u32 s18, $0x8;
	[tilespmem:$0x1ACF0] =	vst v0  }
0x123: {  	s20 =	sadd.s32 s31, s5;
	[tilespmem:$0x1ACE0] =	vst v63  }
0x124: {  	[hbm4b:s20+s3] =	stream.linear.scatter [tilespmem:s12], [sflag:$0x3], $0x400, $0x38;
	[tilespmem:$0x1B100] =	vst v63  }
.Ltmp9:
0x125: {  	(pc) =	sbr.rel .LBB2_21-.Ltmp9, $4  }
0x126: {  	_ = 	snop  }
0x127: {  	_ =	swait.ge [sflag:s13], $0xC800  }
0x128: {  	[sflag:s13] =	ssyncset.done $0x0  }
0x129: {  	[sflag:s13] =	ssyncadd.s32 $0xFFFF3800  }
.LBB2_20:
0x12a: {  	s20 =	smul.u32 $0xC80, s18;
	_ =	sdelay $0x1  }
0x12b: {  	s20 =	sshra.s32 s20, $0x2  }
.Ltmp10:
0x12c: {  	s20 =	sadd.s32 $0x320, s20;
	(pc) =	sbr.rel @p0 .LBB2_22-.Ltmp10, $4  }
0x12d: {  	[tilespmem:s9], [sflag:$0x1] =	stream.indirect.gather [hbm4b:s2+s8], $0x80, s20, s8, $0xb8;
	[tilespmem:$0x1B100] =	vst v63  }
0x12e: {  	_ =	swait.ge [sflag:s13], $0xC800  }
0x12f: {  	[sflag:s13] =	ssyncset.done $0x0  }
0x130: {  	[sflag:s13] =	ssyncadd.s32 $0xFFFF3800  }
.LBB2_21:
0x131: {  	_ =	swait.ge [sflag:s14], $0x400  }
0x132: {  	[sflag:s14] =	ssyncset.done $0x0  }
0x133: {  	[sflag:s14] =	ssyncadd.s32 $0xFFFFFC00  }
.LBB2_22:
0x134: {  	s22 =	simm.s32 $0x0  }
0x135: {  	v0 =	vld [tilespmem:s22+$0xE170]  }
0x136: {  	v2 =	vld [tilespmem:s22+$0xE100]  }
0x137: {  	v3 =	vld [tilespmem:s22+$0xE110]  }
0x138: {  	v12 =	vld [tilespmem:s22+$0xE120]  }
0x139: {  	v10 =	vld [tilespmem:s22+$0xE130]  }
0x13a: {  	v1 =	vimm.f32 $0.0e+00;
	v6 =	vimm.f32 $0.0e+00;
	v7 =	vld [tilespmem:s22+$0xE140]  }
0x13b: {  	v9 =	vimm.f32 $0.0e+00;
	v8 =	vld [tilespmem:s22+$0xE150];
	v0 =	vadd.f32 v0, v1;
	v5 =	vadd.f32 v2, v1  }
0x13c: {  	s20 =	simm.s32 $0x80;
	s21 =	simm.s32 $0x400;
	v11 =	vld [tilespmem:s22+$0xE160];
	v4 =	vadd.f32 v3, v1;
	v3 =	vimm.f32 $0.0e+00;
	v2 =	vimm.f32 $0.0e+00  }
.LBB2_23:
0x13d: {  	p0 =	sne.s32 s21, $0x6200;
	v13 =	vld [tilespmem:s20+$0xE170];
	v1 =	vadd.f32 v12, v1  }
0x13e: {  	v14 =	vld [tilespmem:s20+$0xE100];
	v6 =	vadd.f32 v10, v6  }
0x13f: {  	v15 =	vld [tilespmem:s20+$0xE110];
	v9 =	vadd.f32 v7, v9  }
.Ltmp11:
0x140: {  	v12 =	vld [tilespmem:s20+$0xE120];
	v3 =	vadd.f32 v8, v3;
	(pc) =	sbr.rel @p0 .LBB2_23-.Ltmp11, $4  }
0x141: {  	v10 =	vld [tilespmem:s20+$0xE130];
	v2 =	vadd.f32 v11, v2  }
0x142: {  	v7 =	vld [tilespmem:s20+$0xE140];
	v0 =	vadd.f32 v13, v0  }
0x143: {  	v5 =	vadd.f32 v14, v5;
	v8 =	vld [tilespmem:s20+$0xE150]  }
0x144: {  	v4 =	vadd.f32 v15, v4;
	v11 =	vld [tilespmem:s20+$0xE160];
	s20 =	sshra.s32 s21, $0x2;
	s21 =	sadd.s32 $0x200, s21  }
0x145: {  	v13 =	vld [tilespmem:s20+$0xE100]  }
0x146: {  	v14 =	vld [tilespmem:s20+$0xE110]  }
0x147: {  	v15 =	vld [tilespmem:s20+$0xE120]  }
0x148: {  	v1 =	vadd.f32 v12, v1;
	v12 =	vld [tilespmem:s20+$0xE150]  }
0x149: {  	v16 =	vld [tilespmem:s20+$0xE130]  }
0x14a: {  	v17 =	vld [tilespmem:s20+$0xE140];
	v7 =	vadd.f32 v7, v9;
	v5 =	vadd.f32 v13, v5  }
0x14b: {  	v9 =	vld [tilespmem:s20+$0xE170];
	v3 =	vadd.f32 v8, v3;
	v4 =	vadd.f32 v14, v4  }
0x14c: {  	v6 =	vadd.f32 v10, v6;
	v10 =	vld [tilespmem:s20+$0xE160];
	v1 =	vadd.f32 v15, v1;
	v5 =	vmul.f32 $1.999999960e-02, v5  }
0x14d: {  	v3 =	vadd.f32 v12, v3;
	v4 =	vmul.f32 $1.999999960e-02, v4  }
0x14e: {  	v6 =	vadd.f32 v16, v6;
	v1 =	vmul.f32 $1.999999960e-02, v1;
	[tilespmem:$0x1AD00] =	vst v5  }
0x14f: {  	v2 =	vadd.f32 v11, v2;
	v7 =	vadd.f32 v17, v7;
	v3 =	vmul.f32 $1.999999960e-02, v3;
	[tilespmem:$0x1AD10] =	vst v4  }
0x150: {  	v0 =	vadd.f32 v9, v0;
	v4 =	vmul.f32 $1.999999960e-02, v6;
	[tilespmem:$0x1AD20] =	vst v1  }
0x151: {  	v2 =	vadd.f32 v10, v2;
	v1 =	vmul.f32 $1.999999960e-02, v7;
	[tilespmem:$0x1AD50] =	vst v3  }
0x152: {  	v0 =	vmul.f32 $1.999999960e-02, v0;
	[tilespmem:$0x1AD30] =	vst v4  }
0x153: {  	[tilespmem:$0x1AD40] =	vst v1;
	v1 =	vmul.f32 $1.999999960e-02, v2  }
0x154: {  	[tilespmem:$0x1AD70] =	vst v0  }
0x155: {  	s22 =	simm.s32 $0x0;
	[tilespmem:$0x1AD60] =	vst v1  }
0x156: {  	v0 =	vld [tilespmem:s22+$0xFA70]  }
0x157: {  	v2 =	vld [tilespmem:s22+$0xFA00]  }
0x158: {  	v3 =	vld [tilespmem:s22+$0xFA10]  }
0x159: {  	v12 =	vld [tilespmem:s22+$0xFA20]  }
0x15a: {  	v10 =	vld [tilespmem:s22+$0xFA30]  }
0x15b: {  	v9 =	vimm.f32 $0.0e+00;
	v1 =	vimm.f32 $0.0e+00;
	v7 =	vld [tilespmem:s22+$0xFA40]  }
0x15c: {  	v6 =	vimm.f32 $0.0e+00;
	v8 =	vld [tilespmem:s22+$0xFA50];
	v0 =	vadd.f32 v0, v1;
	v5 =	vadd.f32 v2, v1  }
0x15d: {  	s21 =	simm.s32 $0x400;
	s20 =	simm.s32 $0x80;
	v11 =	vld [tilespmem:s22+$0xFA60];
	v4 =	vadd.f32 v3, v1;
	v3 =	vimm.f32 $0.0e+00;
	v2 =	vimm.f32 $0.0e+00  }
.LBB2_25:
0x15e: {  	p0 =	sne.s32 s21, $0x6200;
	v13 =	vld [tilespmem:s20+$0xFA70];
	v1 =	vadd.f32 v12, v1  }
0x15f: {  	v14 =	vld [tilespmem:s20+$0xFA00];
	v6 =	vadd.f32 v10, v6  }
0x160: {  	v15 =	vld [tilespmem:s20+$0xFA10];
	v9 =	vadd.f32 v7, v9  }
.Ltmp12:
0x161: {  	v12 =	vld [tilespmem:s20+$0xFA20];
	v3 =	vadd.f32 v8, v3;
	(pc) =	sbr.rel @p0 .LBB2_25-.Ltmp12, $4  }
0x162: {  	v10 =	vld [tilespmem:s20+$0xFA30];
	v2 =	vadd.f32 v11, v2  }
0x163: {  	v7 =	vld [tilespmem:s20+$0xFA40];
	v0 =	vadd.f32 v13, v0  }
0x164: {  	v5 =	vadd.f32 v14, v5;
	v8 =	vld [tilespmem:s20+$0xFA50]  }
0x165: {  	v4 =	vadd.f32 v15, v4;
	v11 =	vld [tilespmem:s20+$0xFA60];
	s20 =	sshra.s32 s21, $0x2;
	s21 =	sadd.s32 $0x200, s21  }
0x166: {  	v13 =	vld [tilespmem:s20+$0xFA00]  }
0x167: {  	v14 =	vld [tilespmem:s20+$0xFA10]  }
0x168: {  	v15 =	vld [tilespmem:s20+$0xFA20]  }
0x169: {  	v1 =	vadd.f32 v12, v1;
	v12 =	vld [tilespmem:s20+$0xFA50]  }
0x16a: {  	v16 =	vld [tilespmem:s20+$0xFA30]  }
0x16b: {  	v17 =	vld [tilespmem:s20+$0xFA40];
	v7 =	vadd.f32 v7, v9;
	v5 =	vadd.f32 v13, v5  }
0x16c: {  	v9 =	vld [tilespmem:s20+$0xFA70];
	v3 =	vadd.f32 v8, v3;
	v4 =	vadd.f32 v14, v4  }
0x16d: {  	v6 =	vadd.f32 v10, v6;
	v10 =	vld [tilespmem:s20+$0xFA60];
	v1 =	vadd.f32 v15, v1;
	v5 =	vmul.f32 $1.999999960e-02, v5  }
0x16e: {  	v3 =	vadd.f32 v12, v3;
	v4 =	vmul.f32 $1.999999960e-02, v4  }
0x16f: {  	v6 =	vadd.f32 v16, v6;
	v1 =	vmul.f32 $1.999999960e-02, v1;
	[tilespmem:$0x1AD80] =	vst v5  }
0x170: {  	v2 =	vadd.f32 v11, v2;
	v7 =	vadd.f32 v17, v7;
	v3 =	vmul.f32 $1.999999960e-02, v3;
	[tilespmem:$0x1AD90] =	vst v4  }
0x171: {  	v0 =	vadd.f32 v9, v0;
	v4 =	vmul.f32 $1.999999960e-02, v6;
	[tilespmem:$0x1ADA0] =	vst v1  }
0x172: {  	v2 =	vadd.f32 v10, v2;
	v1 =	vmul.f32 $1.999999960e-02, v7;
	[tilespmem:$0x1ADD0] =	vst v3  }
0x173: {  	v0 =	vmul.f32 $1.999999960e-02, v0;
	[tilespmem:$0x1ADB0] =	vst v4  }
0x174: {  	[tilespmem:$0x1ADC0] =	vst v1;
	v1 =	vmul.f32 $1.999999960e-02, v2  }
0x175: {  	[tilespmem:$0x1ADF0] =	vst v0  }
0x176: {  	s22 =	simm.s32 $0x0;
	[tilespmem:$0x1ADE0] =	vst v1  }
0x177: {  	v0 =	vld [tilespmem:s22+$0x11370]  }
0x178: {  	v2 =	vld [tilespmem:s22+$0x11300]  }
0x179: {  	v3 =	vld [tilespmem:s22+$0x11310]  }
0x17a: {  	v12 =	vld [tilespmem:s22+$0x11320]  }
0x17b: {  	v10 =	vld [tilespmem:s22+$0x11330]  }
0x17c: {  	v9 =	vimm.f32 $0.0e+00;
	v1 =	vimm.f32 $0.0e+00;
	v7 =	vld [tilespmem:s22+$0x11340]  }
0x17d: {  	v6 =	vimm.f32 $0.0e+00;
	v8 =	vld [tilespmem:s22+$0x11350];
	v0 =	vadd.f32 v0, v1;
	v5 =	vadd.f32 v2, v1  }
0x17e: {  	s21 =	simm.s32 $0x400;
	s20 =	simm.s32 $0x80;
	v11 =	vld [tilespmem:s22+$0x11360];
	v4 =	vadd.f32 v3, v1;
	v3 =	vimm.f32 $0.0e+00;
	v2 =	vimm.f32 $0.0e+00  }
.LBB2_27:
0x17f: {  	p0 =	sne.s32 s21, $0x6200;
	v13 =	vld [tilespmem:s20+$0x11370];
	v1 =	vadd.f32 v12, v1  }
0x180: {  	v14 =	vld [tilespmem:s20+$0x11300];
	v6 =	vadd.f32 v10, v6  }
0x181: {  	v15 =	vld [tilespmem:s20+$0x11310];
	v9 =	vadd.f32 v7, v9  }
.Ltmp13:
0x182: {  	v12 =	vld [tilespmem:s20+$0x11320];
	v3 =	vadd.f32 v8, v3;
	(pc) =	sbr.rel @p0 .LBB2_27-.Ltmp13, $4  }
0x183: {  	v10 =	vld [tilespmem:s20+$0x11330];
	v2 =	vadd.f32 v11, v2  }
0x184: {  	v7 =	vld [tilespmem:s20+$0x11340];
	v0 =	vadd.f32 v13, v0  }
0x185: {  	v5 =	vadd.f32 v14, v5;
	v8 =	vld [tilespmem:s20+$0x11350]  }
0x186: {  	v4 =	vadd.f32 v15, v4;
	v11 =	vld [tilespmem:s20+$0x11360];
	s20 =	sshra.s32 s21, $0x2;
	s21 =	sadd.s32 $0x200, s21  }
0x187: {  	v13 =	vld [tilespmem:s20+$0x11300]  }
0x188: {  	v14 =	vld [tilespmem:s20+$0x11310]  }
0x189: {  	v15 =	vld [tilespmem:s20+$0x11320]  }
0x18a: {  	v1 =	vadd.f32 v12, v1;
	v12 =	vld [tilespmem:s20+$0x11350]  }
0x18b: {  	v16 =	vld [tilespmem:s20+$0x11330]  }
0x18c: {  	v17 =	vld [tilespmem:s20+$0x11340];
	v7 =	vadd.f32 v7, v9;
	v5 =	vadd.f32 v13, v5  }
0x18d: {  	v9 =	vld [tilespmem:s20+$0x11370];
	v3 =	vadd.f32 v8, v3;
	v4 =	vadd.f32 v14, v4  }
0x18e: {  	v6 =	vadd.f32 v10, v6;
	v10 =	vld [tilespmem:s20+$0x11360];
	v1 =	vadd.f32 v15, v1;
	v5 =	vmul.f32 $1.999999960e-02, v5  }
0x18f: {  	v3 =	vadd.f32 v12, v3;
	v4 =	vmul.f32 $1.999999960e-02, v4  }
0x190: {  	v6 =	vadd.f32 v16, v6;
	v1 =	vmul.f32 $1.999999960e-02, v1;
	[tilespmem:$0x1AE00] =	vst v5  }
0x191: {  	v2 =	vadd.f32 v11, v2;
	v7 =	vadd.f32 v17, v7;
	v3 =	vmul.f32 $1.999999960e-02, v3;
	[tilespmem:$0x1AE10] =	vst v4  }
0x192: {  	v0 =	vadd.f32 v9, v0;
	v4 =	vmul.f32 $1.999999960e-02, v6;
	[tilespmem:$0x1AE20] =	vst v1  }
0x193: {  	v2 =	vadd.f32 v10, v2;
	v1 =	vmul.f32 $1.999999960e-02, v7;
	[tilespmem:$0x1AE50] =	vst v3  }
0x194: {  	v0 =	vmul.f32 $1.999999960e-02, v0;
	[tilespmem:$0x1AE30] =	vst v4  }
0x195: {  	[tilespmem:$0x1AE40] =	vst v1;
	v1 =	vmul.f32 $1.999999960e-02, v2  }
0x196: {  	[tilespmem:$0x1AE70] =	vst v0  }
0x197: {  	s22 =	simm.s32 $0x0;
	[tilespmem:$0x1AE60] =	vst v1  }
0x198: {  	v0 =	vld [tilespmem:s22+$0x12C70]  }
0x199: {  	v2 =	vld [tilespmem:s22+$0x12C00]  }
0x19a: {  	v3 =	vld [tilespmem:s22+$0x12C10]  }
0x19b: {  	v12 =	vld [tilespmem:s22+$0x12C20]  }
0x19c: {  	v10 =	vld [tilespmem:s22+$0x12C30]  }
0x19d: {  	v9 =	vimm.f32 $0.0e+00;
	v1 =	vimm.f32 $0.0e+00;
	v7 =	vld [tilespmem:s22+$0x12C40]  }
0x19e: {  	v6 =	vimm.f32 $0.0e+00;
	v8 =	vld [tilespmem:s22+$0x12C50];
	v0 =	vadd.f32 v0, v1;
	v5 =	vadd.f32 v2, v1  }
0x19f: {  	s21 =	simm.s32 $0x400;
	s20 =	simm.s32 $0x80;
	v11 =	vld [tilespmem:s22+$0x12C60];
	v4 =	vadd.f32 v3, v1;
	v3 =	vimm.f32 $0.0e+00;
	v2 =	vimm.f32 $0.0e+00  }
.LBB2_29:
0x1a0: {  	p0 =	sne.s32 s21, $0x6200;
	v13 =	vld [tilespmem:s20+$0x12C70];
	v1 =	vadd.f32 v12, v1  }
0x1a1: {  	v14 =	vld [tilespmem:s20+$0x12C00];
	v6 =	vadd.f32 v10, v6  }
0x1a2: {  	v15 =	vld [tilespmem:s20+$0x12C10];
	v9 =	vadd.f32 v7, v9  }
.Ltmp14:
0x1a3: {  	v12 =	vld [tilespmem:s20+$0x12C20];
	v3 =	vadd.f32 v8, v3;
	(pc) =	sbr.rel @p0 .LBB2_29-.Ltmp14, $4  }
0x1a4: {  	v10 =	vld [tilespmem:s20+$0x12C30];
	v2 =	vadd.f32 v11, v2  }
0x1a5: {  	v7 =	vld [tilespmem:s20+$0x12C40];
	v0 =	vadd.f32 v13, v0  }
0x1a6: {  	v5 =	vadd.f32 v14, v5;
	v8 =	vld [tilespmem:s20+$0x12C50]  }
0x1a7: {  	v4 =	vadd.f32 v15, v4;
	v11 =	vld [tilespmem:s20+$0x12C60];
	s20 =	sshra.s32 s21, $0x2;
	s21 =	sadd.s32 $0x200, s21  }
0x1a8: {  	v13 =	vld [tilespmem:s20+$0x12C00]  }
0x1a9: {  	v14 =	vld [tilespmem:s20+$0x12C10]  }
0x1aa: {  	v15 =	vld [tilespmem:s20+$0x12C20]  }
0x1ab: {  	v1 =	vadd.f32 v12, v1;
	v12 =	vld [tilespmem:s20+$0x12C50]  }
0x1ac: {  	v16 =	vld [tilespmem:s20+$0x12C30]  }
0x1ad: {  	v17 =	vld [tilespmem:s20+$0x12C40];
	v7 =	vadd.f32 v7, v9;
	v5 =	vadd.f32 v13, v5  }
0x1ae: {  	v9 =	vld [tilespmem:s20+$0x12C70];
	v3 =	vadd.f32 v8, v3;
	v4 =	vadd.f32 v14, v4  }
0x1af: {  	v6 =	vadd.f32 v10, v6;
	v10 =	vld [tilespmem:s20+$0x12C60];
	v1 =	vadd.f32 v15, v1;
	v5 =	vmul.f32 $1.999999960e-02, v5  }
0x1b0: {  	v3 =	vadd.f32 v12, v3;
	v4 =	vmul.f32 $1.999999960e-02, v4  }
0x1b1: {  	v6 =	vadd.f32 v16, v6;
	v1 =	vmul.f32 $1.999999960e-02, v1;
	[tilespmem:$0x1AE80] =	vst v5  }
0x1b2: {  	v2 =	vadd.f32 v11, v2;
	v7 =	vadd.f32 v17, v7;
	v3 =	vmul.f32 $1.999999960e-02, v3;
	[tilespmem:$0x1AE90] =	vst v4  }
0x1b3: {  	v0 =	vadd.f32 v9, v0;
	v4 =	vmul.f32 $1.999999960e-02, v6;
	[tilespmem:$0x1AEA0] =	vst v1  }
0x1b4: {  	v2 =	vadd.f32 v10, v2;
	v1 =	vmul.f32 $1.999999960e-02, v7;
	[tilespmem:$0x1AED0] =	vst v3  }
0x1b5: {  	v0 =	vmul.f32 $1.999999960e-02, v0;
	[tilespmem:$0x1AEB0] =	vst v4  }
0x1b6: {  	[tilespmem:$0x1AEC0] =	vst v1;
	v1 =	vmul.f32 $1.999999960e-02, v2  }
0x1b7: {  	[tilespmem:$0x1AEF0] =	vst v0  }
0x1b8: {  	s22 =	simm.s32 $0x0;
	[tilespmem:$0x1AEE0] =	vst v1  }
0x1b9: {  	v0 =	vld [tilespmem:s22+$0x14570]  }
0x1ba: {  	v2 =	vld [tilespmem:s22+$0x14500]  }
0x1bb: {  	v3 =	vld [tilespmem:s22+$0x14510]  }
0x1bc: {  	v12 =	vld [tilespmem:s22+$0x14520]  }
0x1bd: {  	v10 =	vld [tilespmem:s22+$0x14530]  }
0x1be: {  	v9 =	vimm.f32 $0.0e+00;
	v1 =	vimm.f32 $0.0e+00;
	v7 =	vld [tilespmem:s22+$0x14540]  }
0x1bf: {  	v6 =	vimm.f32 $0.0e+00;
	v8 =	vld [tilespmem:s22+$0x14550];
	v0 =	vadd.f32 v0, v1;
	v5 =	vadd.f32 v2, v1  }
0x1c0: {  	s21 =	simm.s32 $0x400;
	s20 =	simm.s32 $0x80;
	v11 =	vld [tilespmem:s22+$0x14560];
	v4 =	vadd.f32 v3, v1;
	v3 =	vimm.f32 $0.0e+00;
	v2 =	vimm.f32 $0.0e+00  }
.LBB2_31:
0x1c1: {  	p0 =	sne.s32 s21, $0x6200;
	v13 =	vld [tilespmem:s20+$0x14570];
	v1 =	vadd.f32 v12, v1  }
0x1c2: {  	v14 =	vld [tilespmem:s20+$0x14500];
	v6 =	vadd.f32 v10, v6  }
0x1c3: {  	v15 =	vld [tilespmem:s20+$0x14510];
	v9 =	vadd.f32 v7, v9  }
.Ltmp15:
0x1c4: {  	v12 =	vld [tilespmem:s20+$0x14520];
	v3 =	vadd.f32 v8, v3;
	(pc) =	sbr.rel @p0 .LBB2_31-.Ltmp15, $4  }
0x1c5: {  	v10 =	vld [tilespmem:s20+$0x14530];
	v2 =	vadd.f32 v11, v2  }
0x1c6: {  	v7 =	vld [tilespmem:s20+$0x14540];
	v0 =	vadd.f32 v13, v0  }
0x1c7: {  	v5 =	vadd.f32 v14, v5;
	v8 =	vld [tilespmem:s20+$0x14550]  }
0x1c8: {  	v4 =	vadd.f32 v15, v4;
	v11 =	vld [tilespmem:s20+$0x14560];
	s20 =	sshra.s32 s21, $0x2;
	s21 =	sadd.s32 $0x200, s21  }
0x1c9: {  	v13 =	vld [tilespmem:s20+$0x14500]  }
0x1ca: {  	v14 =	vld [tilespmem:s20+$0x14510]  }
0x1cb: {  	v15 =	vld [tilespmem:s20+$0x14520]  }
0x1cc: {  	v1 =	vadd.f32 v12, v1;
	v12 =	vld [tilespmem:s20+$0x14550]  }
0x1cd: {  	v16 =	vld [tilespmem:s20+$0x14530]  }
0x1ce: {  	v17 =	vld [tilespmem:s20+$0x14540];
	v7 =	vadd.f32 v7, v9;
	v5 =	vadd.f32 v13, v5  }
0x1cf: {  	v9 =	vld [tilespmem:s20+$0x14570];
	v3 =	vadd.f32 v8, v3;
	v4 =	vadd.f32 v14, v4  }
0x1d0: {  	v6 =	vadd.f32 v10, v6;
	v10 =	vld [tilespmem:s20+$0x14560];
	v1 =	vadd.f32 v15, v1;
	v5 =	vmul.f32 $1.999999960e-02, v5  }
0x1d1: {  	v3 =	vadd.f32 v12, v3;
	v4 =	vmul.f32 $1.999999960e-02, v4  }
0x1d2: {  	v6 =	vadd.f32 v16, v6;
	v1 =	vmul.f32 $1.999999960e-02, v1;
	[tilespmem:$0x1AF00] =	vst v5  }
0x1d3: {  	v2 =	vadd.f32 v11, v2;
	v7 =	vadd.f32 v17, v7;
	v3 =	vmul.f32 $1.999999960e-02, v3;
	[tilespmem:$0x1AF10] =	vst v4  }
0x1d4: {  	v0 =	vadd.f32 v9, v0;
	v4 =	vmul.f32 $1.999999960e-02, v6;
	[tilespmem:$0x1AF20] =	vst v1  }
0x1d5: {  	v2 =	vadd.f32 v10, v2;
	v1 =	vmul.f32 $1.999999960e-02, v7;
	[tilespmem:$0x1AF50] =	vst v3  }
0x1d6: {  	v0 =	vmul.f32 $1.999999960e-02, v0;
	[tilespmem:$0x1AF30] =	vst v4  }
0x1d7: {  	[tilespmem:$0x1AF40] =	vst v1;
	v1 =	vmul.f32 $1.999999960e-02, v2  }
0x1d8: {  	[tilespmem:$0x1AF70] =	vst v0  }
0x1d9: {  	s22 =	simm.s32 $0x0;
	[tilespmem:$0x1AF60] =	vst v1  }
0x1da: {  	v0 =	vld [tilespmem:s22+$0x15E70]  }
0x1db: {  	v2 =	vld [tilespmem:s22+$0x15E00]  }
0x1dc: {  	v3 =	vld [tilespmem:s22+$0x15E10]  }
0x1dd: {  	v12 =	vld [tilespmem:s22+$0x15E20]  }
0x1de: {  	v10 =	vld [tilespmem:s22+$0x15E30]  }
0x1df: {  	v9 =	vimm.f32 $0.0e+00;
	v1 =	vimm.f32 $0.0e+00;
	v7 =	vld [tilespmem:s22+$0x15E40]  }
0x1e0: {  	v6 =	vimm.f32 $0.0e+00;
	v8 =	vld [tilespmem:s22+$0x15E50];
	v0 =	vadd.f32 v0, v1;
	v5 =	vadd.f32 v2, v1  }
0x1e1: {  	s21 =	simm.s32 $0x400;
	s20 =	simm.s32 $0x80;
	v11 =	vld [tilespmem:s22+$0x15E60];
	v4 =	vadd.f32 v3, v1;
	v3 =	vimm.f32 $0.0e+00;
	v2 =	vimm.f32 $0.0e+00  }
.LBB2_33:
0x1e2: {  	p0 =	sne.s32 s21, $0x6200;
	v13 =	vld [tilespmem:s20+$0x15E70];
	v1 =	vadd.f32 v12, v1  }
0x1e3: {  	v14 =	vld [tilespmem:s20+$0x15E00];
	v6 =	vadd.f32 v10, v6  }
0x1e4: {  	v15 =	vld [tilespmem:s20+$0x15E10];
	v9 =	vadd.f32 v7, v9  }
.Ltmp16:
0x1e5: {  	v12 =	vld [tilespmem:s20+$0x15E20];
	v3 =	vadd.f32 v8, v3;
	(pc) =	sbr.rel @p0 .LBB2_33-.Ltmp16, $4  }
0x1e6: {  	v10 =	vld [tilespmem:s20+$0x15E30];
	v2 =	vadd.f32 v11, v2  }
0x1e7: {  	v7 =	vld [tilespmem:s20+$0x15E40];
	v0 =	vadd.f32 v13, v0  }
0x1e8: {  	v5 =	vadd.f32 v14, v5;
	v8 =	vld [tilespmem:s20+$0x15E50]  }
0x1e9: {  	v4 =	vadd.f32 v15, v4;
	v11 =	vld [tilespmem:s20+$0x15E60];
	s20 =	sshra.s32 s21, $0x2;
	s21 =	sadd.s32 $0x200, s21  }
0x1ea: {  	v13 =	vld [tilespmem:s20+$0x15E00]  }
0x1eb: {  	v14 =	vld [tilespmem:s20+$0x15E10]  }
0x1ec: {  	v15 =	vld [tilespmem:s20+$0x15E20]  }
0x1ed: {  	v1 =	vadd.f32 v12, v1;
	v12 =	vld [tilespmem:s20+$0x15E50]  }
0x1ee: {  	v16 =	vld [tilespmem:s20+$0x15E30]  }
0x1ef: {  	v17 =	vld [tilespmem:s20+$0x15E40];
	v7 =	vadd.f32 v7, v9;
	v5 =	vadd.f32 v13, v5  }
0x1f0: {  	v9 =	vld [tilespmem:s20+$0x15E70];
	v3 =	vadd.f32 v8, v3;
	v4 =	vadd.f32 v14, v4  }
0x1f1: {  	v6 =	vadd.f32 v10, v6;
	v10 =	vld [tilespmem:s20+$0x15E60];
	v1 =	vadd.f32 v15, v1;
	v5 =	vmul.f32 $1.999999960e-02, v5  }
0x1f2: {  	v3 =	vadd.f32 v12, v3;
	v4 =	vmul.f32 $1.999999960e-02, v4  }
0x1f3: {  	v6 =	vadd.f32 v16, v6;
	v1 =	vmul.f32 $1.999999960e-02, v1;
	[tilespmem:$0x1AF80] =	vst v5  }
0x1f4: {  	v2 =	vadd.f32 v11, v2;
	v7 =	vadd.f32 v17, v7;
	v3 =	vmul.f32 $1.999999960e-02, v3;
	[tilespmem:$0x1AF90] =	vst v4  }
0x1f5: {  	v0 =	vadd.f32 v9, v0;
	v4 =	vmul.f32 $1.999999960e-02, v6;
	[tilespmem:$0x1AFA0] =	vst v1  }
0x1f6: {  	v2 =	vadd.f32 v10, v2;
	v1 =	vmul.f32 $1.999999960e-02, v7;
	[tilespmem:$0x1AFD0] =	vst v3  }
0x1f7: {  	v0 =	vmul.f32 $1.999999960e-02, v0;
	[tilespmem:$0x1AFB0] =	vst v4  }
0x1f8: {  	[tilespmem:$0x1AFC0] =	vst v1;
	v1 =	vmul.f32 $1.999999960e-02, v2  }
0x1f9: {  	[tilespmem:$0x1AFF0] =	vst v0  }
0x1fa: {  	s22 =	simm.s32 $0x0;
	[tilespmem:$0x1AFE0] =	vst v1  }
0x1fb: {  	v0 =	vld [tilespmem:s22+$0x17770]  }
0x1fc: {  	v2 =	vld [tilespmem:s22+$0x17700]  }
0x1fd: {  	v3 =	vld [tilespmem:s22+$0x17710]  }
0x1fe: {  	v12 =	vld [tilespmem:s22+$0x17720]  }
0x1ff: {  	v10 =	vld [tilespmem:s22+$0x17730]  }
0x200: {  	v9 =	vimm.f32 $0.0e+00;
	v1 =	vimm.f32 $0.0e+00;
	v7 =	vld [tilespmem:s22+$0x17740]  }
0x201: {  	v6 =	vimm.f32 $0.0e+00;
	v8 =	vld [tilespmem:s22+$0x17750];
	v0 =	vadd.f32 v0, v1;
	v5 =	vadd.f32 v2, v1  }
0x202: {  	s21 =	simm.s32 $0x400;
	s20 =	simm.s32 $0x80;
	v11 =	vld [tilespmem:s22+$0x17760];
	v4 =	vadd.f32 v3, v1;
	v3 =	vimm.f32 $0.0e+00;
	v2 =	vimm.f32 $0.0e+00  }
.LBB2_35:
0x203: {  	p0 =	sne.s32 s21, $0x6200;
	v13 =	vld [tilespmem:s20+$0x17770];
	v1 =	vadd.f32 v12, v1  }
0x204: {  	v14 =	vld [tilespmem:s20+$0x17700];
	v6 =	vadd.f32 v10, v6  }
0x205: {  	v15 =	vld [tilespmem:s20+$0x17710];
	v9 =	vadd.f32 v7, v9  }
.Ltmp17:
0x206: {  	v12 =	vld [tilespmem:s20+$0x17720];
	v3 =	vadd.f32 v8, v3;
	(pc) =	sbr.rel @p0 .LBB2_35-.Ltmp17, $4  }
0x207: {  	v10 =	vld [tilespmem:s20+$0x17730];
	v2 =	vadd.f32 v11, v2  }
0x208: {  	v7 =	vld [tilespmem:s20+$0x17740];
	v0 =	vadd.f32 v13, v0  }
0x209: {  	v5 =	vadd.f32 v14, v5;
	v8 =	vld [tilespmem:s20+$0x17750]  }
0x20a: {  	v4 =	vadd.f32 v15, v4;
	v11 =	vld [tilespmem:s20+$0x17760];
	s20 =	sshra.s32 s21, $0x2;
	s21 =	sadd.s32 $0x200, s21  }
0x20b: {  	v13 =	vld [tilespmem:s20+$0x17700]  }
0x20c: {  	v14 =	vld [tilespmem:s20+$0x17710]  }
0x20d: {  	v15 =	vld [tilespmem:s20+$0x17720]  }
0x20e: {  	v1 =	vadd.f32 v12, v1;
	v12 =	vld [tilespmem:s20+$0x17750]  }
0x20f: {  	v16 =	vld [tilespmem:s20+$0x17730]  }
0x210: {  	v17 =	vld [tilespmem:s20+$0x17740];
	v7 =	vadd.f32 v7, v9;
	v5 =	vadd.f32 v13, v5  }
0x211: {  	v9 =	vld [tilespmem:s20+$0x17770];
	v3 =	vadd.f32 v8, v3;
	v4 =	vadd.f32 v14, v4  }
0x212: {  	v6 =	vadd.f32 v10, v6;
	v10 =	vld [tilespmem:s20+$0x17760];
	v1 =	vadd.f32 v15, v1;
	v5 =	vmul.f32 $1.999999960e-02, v5  }
0x213: {  	v3 =	vadd.f32 v12, v3;
	v4 =	vmul.f32 $1.999999960e-02, v4  }
0x214: {  	v6 =	vadd.f32 v16, v6;
	v1 =	vmul.f32 $1.999999960e-02, v1;
	[tilespmem:$0x1B000] =	vst v5  }
0x215: {  	v2 =	vadd.f32 v11, v2;
	v7 =	vadd.f32 v17, v7;
	v3 =	vmul.f32 $1.999999960e-02, v3;
	[tilespmem:$0x1B010] =	vst v4  }
0x216: {  	v0 =	vadd.f32 v9, v0;
	v4 =	vmul.f32 $1.999999960e-02, v6;
	[tilespmem:$0x1B020] =	vst v1  }
0x217: {  	v2 =	vadd.f32 v10, v2;
	v1 =	vmul.f32 $1.999999960e-02, v7;
	[tilespmem:$0x1B050] =	vst v3  }
0x218: {  	v0 =	vmul.f32 $1.999999960e-02, v0;
	[tilespmem:$0x1B030] =	vst v4  }
0x219: {  	[tilespmem:$0x1B040] =	vst v1;
	v1 =	vmul.f32 $1.999999960e-02, v2  }
0x21a: {  	[tilespmem:$0x1B070] =	vst v0  }
0x21b: {  	s22 =	simm.s32 $0x0;
	[tilespmem:$0x1B060] =	vst v1  }
0x21c: {  	v0 =	vld [tilespmem:s22+$0x19070]  }
0x21d: {  	v2 =	vld [tilespmem:s22+$0x19000]  }
0x21e: {  	v3 =	vld [tilespmem:s22+$0x19010]  }
0x21f: {  	v12 =	vld [tilespmem:s22+$0x19020]  }
0x220: {  	v10 =	vld [tilespmem:s22+$0x19030]  }
0x221: {  	v9 =	vimm.f32 $0.0e+00;
	v1 =	vimm.f32 $0.0e+00;
	v7 =	vld [tilespmem:s22+$0x19040]  }
0x222: {  	v6 =	vimm.f32 $0.0e+00;
	v8 =	vld [tilespmem:s22+$0x19050];
	v0 =	vadd.f32 v0, v1;
	v5 =	vadd.f32 v2, v1  }
0x223: {  	s21 =	simm.s32 $0x400;
	s20 =	simm.s32 $0x80;
	v11 =	vld [tilespmem:s22+$0x19060];
	v4 =	vadd.f32 v3, v1;
	v3 =	vimm.f32 $0.0e+00;
	v2 =	vimm.f32 $0.0e+00  }
.LBB2_37:
0x224: {  	p0 =	sne.s32 s21, $0x6200;
	v13 =	vld [tilespmem:s20+$0x19070];
	v1 =	vadd.f32 v12, v1  }
0x225: {  	v14 =	vld [tilespmem:s20+$0x19000];
	v6 =	vadd.f32 v10, v6  }
0x226: {  	v15 =	vld [tilespmem:s20+$0x19010];
	v9 =	vadd.f32 v7, v9  }
.Ltmp18:
0x227: {  	v12 =	vld [tilespmem:s20+$0x19020];
	v3 =	vadd.f32 v8, v3;
	(pc) =	sbr.rel @p0 .LBB2_37-.Ltmp18, $4  }
0x228: {  	v10 =	vld [tilespmem:s20+$0x19030];
	v2 =	vadd.f32 v11, v2  }
0x229: {  	v7 =	vld [tilespmem:s20+$0x19040];
	v0 =	vadd.f32 v13, v0  }
0x22a: {  	v5 =	vadd.f32 v14, v5;
	v8 =	vld [tilespmem:s20+$0x19050]  }
0x22b: {  	v4 =	vadd.f32 v15, v4;
	v11 =	vld [tilespmem:s20+$0x19060];
	s20 =	sshra.s32 s21, $0x2;
	s21 =	sadd.s32 $0x200, s21  }
0x22c: {  	v13 =	vld [tilespmem:s20+$0x19000]  }
0x22d: {  	v14 =	vld [tilespmem:s20+$0x19010]  }
0x22e: {  	v15 =	vld [tilespmem:s20+$0x19020]  }
0x22f: {  	v16 =	vld [tilespmem:s20+$0x19030]  }
0x230: {  	v17 =	vld [tilespmem:s20+$0x19040]  }
0x231: {  	v1 =	vadd.f32 v12, v1;
	v58 =	vld [tilespmem:s20+$0x19050];
	v5 =	vadd.f32 v13, v5  }
0x232: {  	v60 =	vld [tilespmem:s20+$0x19070];
	v6 =	vadd.f32 v10, v6;
	v4 =	vadd.f32 v14, v4  }
0x233: {  	v59 =	vld [tilespmem:s20+$0x19060];
	v7 =	vadd.f32 v7, v9;
	v1 =	vadd.f32 v15, v1;
	v5 =	vmul.f32 $1.999999960e-02, v5  }
0x234: {  	v3 =	vadd.f32 v8, v3;
	v6 =	vadd.f32 v16, v6;
	v4 =	vmul.f32 $1.999999960e-02, v4  }
0x235: {  	v7 =	vadd.f32 v17, v7;
	v1 =	vmul.f32 $1.999999960e-02, v1;
	[tilespmem:$0x1B080] =	vst v5  }
0x236: {  	v2 =	vadd.f32 v11, v2;
	v3 =	vadd.f32 v58, v3;
	v61 =	vmul.f32 $1.999999960e-02, v6;
	[tilespmem:$0x1B090] =	vst v4  }
0x237: {  	s18 =	sadd.s32 $0x1, s18;
	v0 =	vadd.f32 v60, v0;
	v62 =	vmul.f32 $1.999999960e-02, v7;
	[tilespmem:$0x1B0A0] =	vst v1  }
0x238: {  	p0 =	sne.s32 s18, $0x8;
	v2 =	vadd.f32 v59, v2;
	v3 =	vmul.f32 $1.999999960e-02, v3;
	[tilespmem:$0x1B0B0] =	vst v61  }
.Ltmp19:
0x239: {  	v0 =	vmul.f32 $1.999999960e-02, v0;
	[tilespmem:$0x1B0C0] =	vst v62;
	(pc) =	sbr.rel @p0 .LBB2_2-.Ltmp19, $4  }
0x23a: {  	v63 =	vmul.f32 $1.999999960e-02, v2;
	[tilespmem:$0x1B0D0] =	vst v3  }
0x23b: {  	s19 =	sshll.u32 s19, $0x7;
	[tilespmem:$0x1B0F0] =	vst v0  }
0x23c: {  	s19 =	sadd.s32 s19, s5;
	[tilespmem:$0x1B0E0] =	vst v63  }
0x23d: {  	[hbm4b:s19+s3] =	stream.linear.scatter [tilespmem:s15], [sflag:$0x4], $0x400, $0x38;
	[tilespmem:$0x1B100] =	vst v63  }
0x23e: {  	s17 =	sadd.s32 $0x1, s17  }
0x23f: {  	_ =	swait.ge [sflag:s16], $0x400;
	p0 =	sne.s32 s17, s6  }
.Ltmp20:
0x240: {  	[sflag:s16] =	ssyncset.done $0x0;
	(pc) =	sbr.rel @p0 .LBB2_1-.Ltmp20, $4  }
0x241: {  	[sflag:s16] =	ssyncadd.s32 $0xFFFFFC00  }
0x242: {  	_ =	swait.ge [sflag:s14], $0x400  }
0x243: {  	[sflag:s14] =	ssyncset.done $0x0  }
0x244: {  	[sflag:s14] =	ssyncadd.s32 $0xFFFFFC00  }
0x245: {  	_ =	sfence.sel $0x180000  }
0x246: {  	[bflag:$0x0] =	sbarrier.arrive $0xFFFF  }
0x247: {  	p0 =	sne.s32 s0, $0x0;
	_ =	strace $0x90000047  }
0x248: {  	s0 =	sadd.s32 @!p0 $0x100000, s1;
	[bflag:$0x2] =	sbarrier.arrive $0xFFFF  }
0x249: {  	[sflag:s0] =	ssyncadd.tile.s32 @!p0 $0x1;
	_ =	shalt  }
.Lfunc_end2:
_tile_overlayer_lowered:
.L_overlay_start_2:
0x24a: {  	(tag) =	ssettag $0x2  }
0x24b: {  	s0 =	rddreg [dreg:$0x0];
	s2 =	stileid.u32  }
0x24c: {  	s1 =	rddreg [dreg:$0x1];
	p0 =	sne.s32 s2, $0x0  }
0x24d: {  	s3 =	rddreg [dreg:$0x2];
	[bflag:$0x3] =	sbarrier.arrive $0xFFFF;
	s2 =	simm.s32 @!p0 $0x1C05  }
0x24e: {  	[timem:s3], [sflag:s2] =	dma.local @!p0 [hbm:s0], s1  }
0x24f: {  	s0 =	simm.s32 @!p0 $0x5  }
0x250: {  	_ =	swait.ge @!p0 [sflag:s0], s1  }
0x251: {  	s1 =	ssub.s32 @!p0 $0x0, s1;
	[sflag:s0] =	ssyncset.done @!p0 $0x0  }
0x252: {  	[sflag:s0] =	ssyncadd.s32 @!p0 s1  }
0x253: {  	[bflag:$0x3] =	sbarrier.arrive $0xFFFF  }
0x254: {  	_ =	shalt  }

</sc_bundles>
